<compile_context>
chip_gen: v7x
topology: tpu7x:2x2x1
jax: 0.10.2.dev20260603
libtpu: 0.0.44.dev20260713+nightly
codegen_flags: <defaults>
</compile_context>

<pallas_src>
import functools

import jax
import jax.numpy as jnp
from jax import lax
from jax.experimental import pallas as pl
from jax.experimental.pallas import tpu as pltpu
from jax.experimental.pallas import tpu_sc as plsc

B = 16384
E = 32
V = 1000000
L = 16
W = 128
PITCH = 17
CH = 8

_info = plsc.get_sparse_core_info()
_NC, _NS = _info.num_cores, _info.num_subcores
NW = _NC * _NS
BPW = B // NW


def _sc_kernel(user_hbm, item_hbm, ut_hbm, it_hbm, out_hbm,
               uidx_v, iidx_v, ubuf_v, ibuf_v, out_v, t_v, sem_u, sem_i):
    wid = lax.axis_index("s") * _NC + lax.axis_index("c")
    base = wid * BPW
    pltpu.sync_copy(user_hbm.at[pl.ds(base, BPW)], uidx_v)
    pltpu.sync_copy(item_hbm.at[pl.ds(base, BPW)], iidx_v)
    lanes = lax.iota(jnp.int32, L)

    def group(g, carry):
        uvec = uidx_v[pl.ds(g * L, L)]
        ivec = iidx_v[pl.ds(g * L, L)]
        for sub in range(2):
            for jj in range(CH):
                j = sub * CH + jj
                su = pl.multiple_of((uvec[j] >> 7) * W, W)
                si = pl.multiple_of((ivec[j] >> 7) * W, W)
                pltpu.make_async_copy(
                    ut_hbm.at[:, pl.ds(su, W)], ubuf_v.at[jj], sem_u).start()
                pltpu.make_async_copy(
                    it_hbm.at[:, pl.ds(si, W)], ibuf_v.at[jj], sem_i).start()
            for jj in range(CH):
                pltpu.make_async_copy(
                    ut_hbm.at[:, pl.ds(0, W)], ubuf_v.at[jj], sem_u).wait()
                pltpu.make_async_copy(
                    it_hbm.at[:, pl.ds(0, W)], ibuf_v.at[jj], sem_i).wait()
            for jj in range(CH):
                j = sub * CH + jj
                ucol = jnp.full((L,), 0, jnp.int32) + (uvec[j] & 127)
                icol = jnp.full((L,), 0, jnp.int32) + (ivec[j] & 127)
                kk = jnp.full((L,), jj, jnp.int32)
                u_lo = plsc.load_gather(ubuf_v, [kk, lanes, ucol])
                u_hi = plsc.load_gather(ubuf_v, [kk, lanes + L, ucol])
                v_lo = plsc.load_gather(ibuf_v, [kk, lanes, icol])
                v_hi = plsc.load_gather(ibuf_v, [kk, lanes + L, icol])
                s = u_lo * v_lo + u_hi * v_hi
                plsc.store_scatter(t_v, [lanes * PITCH + j], s)
        acc = t_v[pl.ds(0, L)]
        for l in range(1, L):
            acc = acc + t_v[pl.ds(l * PITCH, L)]
        out_v[pl.ds(g * L, L)] = acc
        return carry

    lax.fori_loop(0, BPW // L, group, 0)
    pltpu.sync_copy(out_v, out_hbm.at[pl.ds(base, BPW)])


@jax.jit
def kernel(user, item, user_table, item_table):
    user = user.astype(jnp.int32)
    item = item.astype(jnp.int32)
    utT = user_table.T
    itT = item_table.T
    mesh = plsc.VectorSubcoreMesh(core_axis_name="c", subcore_axis_name="s")
    f = functools.partial(
        pl.kernel,
        mesh=mesh,
        out_type=jax.ShapeDtypeStruct((B,), jnp.float32),
        compiler_params=pltpu.CompilerParams(needs_layout_passes=False),
        scratch_types=[
            pltpu.VMEM((BPW,), jnp.int32),
            pltpu.VMEM((BPW,), jnp.int32),
            pltpu.VMEM((CH, E, W), jnp.float32),
            pltpu.VMEM((CH, E, W), jnp.float32),
            pltpu.VMEM((BPW,), jnp.float32),
            pltpu.VMEM((L * PITCH,), jnp.float32),
            pltpu.SemaphoreType.DMA,
            pltpu.SemaphoreType.DMA,
        ],
    )(_sc_kernel)
    return f(user, item, utT, itT)

# --- scband reference (transcript-rebuilt; emitter-appended) ---
"""Pipeline reference for scband-matrix-factorization-68874095559193 (READ-ONLY COPY).

The authoritative reference and input builder live on the scoring server;
editing this copy changes nothing except your own understanding.
"""

import jax, jax.numpy as jnp
import numpy as np

NUM_USERS = 1000000
NUM_ITEMS = 1000000
EMBED = 32
BATCH = 16384

def setup_inputs(seed: int = 0) -> dict:
    key = jax.random.key(seed)
    k1, k2, k3, k4 = jax.random.split(key, 4)
    user = jax.random.randint(k1, (BATCH,), 0, NUM_USERS, dtype=jnp.int32).astype(jnp.int64)
    item = jax.random.randint(k2, (BATCH,), 0, NUM_ITEMS, dtype=jnp.int32).astype(jnp.int64)
    # nn.Embedding default init: N(0, 1)
    user_table = jax.random.normal(k3, (NUM_USERS, EMBED), dtype=jnp.float32)
    item_table = jax.random.normal(k4, (NUM_ITEMS, EMBED), dtype=jnp.float32)
    return {"user": user, "item": item, "user_table": user_table, "item_table": item_table}

def reference(user, item, user_table, item_table):
    u = jnp.take(user_table, user, axis=0)  # [B, E]
    v = jnp.take(item_table, item, axis=0)  # [B, E]
    return (u * v).sum(axis=1)  # [B]

if __name__ == "__main__":
    import jax
    _d = setup_inputs()
    print(jax.jit(kernel)(*tuple(_d.values())))

</pallas_src>

<mosaic_0001>
#map = affine_map<(d0, d1) -> (0)>
#map1 = affine_map<(d0, d1) -> (0, 0)>
module attributes {stable_mosaic.version = 14 : i64} {
  func.func @_sc_kernel(%arg0: i32, %arg1: i32, %arg2: memref<16384xi32, #tpu.memory_space<hbm>>, %arg3: memref<16384xi32, #tpu.memory_space<hbm>>, %arg4: memref<32x1000000xf32, #tpu.memory_space<hbm>>, %arg5: memref<32x1000000xf32, #tpu.memory_space<hbm>>, %arg6: memref<16384xf32, #tpu.memory_space<hbm>>, %arg7: memref<512xi32, #tpu.memory_space<vmem>>, %arg8: memref<512xi32, #tpu.memory_space<vmem>>, %arg9: memref<8x32x128xf32, #tpu.memory_space<vmem>>, %arg10: memref<8x32x128xf32, #tpu.memory_space<vmem>>, %arg11: memref<512xf32, #tpu.memory_space<vmem>>, %arg12: memref<272xf32, #tpu.memory_space<vmem>>, %arg13: memref<!tpu.dma_semaphore, #tpu.memory_space<semaphore_mem>>, %arg14: memref<!tpu.dma_semaphore, #tpu.memory_space<semaphore_mem>>) attributes {dimension_semantics = [#tpu.dimension_semantics<core_parallel>, #tpu.dimension_semantics<subcore_parallel>], iteration_bounds = array<i64: 2, 16>, scalar_prefetch = 0 : i64, scratch_operands = 8 : i64, tpu.core_type = #tpu.core_type<sc_vector_subcore>, window_params = [{transform_indices = #map}, {transform_indices = #map}, {transform_indices = #map1}, {transform_indices = #map1}, {transform_indices = #map}]} {
    %mul3A = arith.constant 2 : i32
    %mul3A_0 = arith.muli %arg1, %mul3A : i32
    %add3A = arith.addi %mul3A_0, %arg0 : i32
    %mul3A_1 = arith.constant 512 : i32
    %mul3A_2 = arith.muli %add3A, %mul3A_1 : i32
    "tpu.region"() ({
      %run_scoped3A = tpu.sem_alloc : memref<!tpu.dma_semaphore, #tpu.memory_space<semaphore_mem>>
      %dma_start3A = tpu.memref_slice %arg2[%mul3A_2] : memref<16384xi32, #tpu.memory_space<hbm>> -> memref<512xi32, #tpu.memory_space<hbm>>
      %dma_start3A_8 = tpu.memref_slice %arg2[%mul3A_2] : memref<16384xi32, #tpu.memory_space<hbm>> -> memref<512xi32, #tpu.memory_space<hbm>>
      tpu.enqueue_dma source(%dma_start3A_8 : memref<512xi32, #tpu.memory_space<hbm>>) target(%arg7 : memref<512xi32, #tpu.memory_space<vmem>>) target_semaphore(%run_scoped3A : memref<!tpu.dma_semaphore, #tpu.memory_space<semaphore_mem>>)
      %dma_wait3A = tpu.memref_slice %arg2[%mul3A_2] : memref<16384xi32, #tpu.memory_space<hbm>> -> memref<512xi32, #tpu.memory_space<hbm>>
      %dma_wait3A_9 = tpu.memref_slice %arg2[%mul3A_2] : memref<16384xi32, #tpu.memory_space<hbm>> -> memref<512xi32, #tpu.memory_space<hbm>>
      tpu.wait_dma2 semaphore(%run_scoped3A : memref<!tpu.dma_semaphore, #tpu.memory_space<semaphore_mem>>) src(%dma_wait3A_9 : memref<512xi32, #tpu.memory_space<hbm>>) dst(%arg7 : memref<512xi32, #tpu.memory_space<vmem>>)
      tpu.yield
    }) : () -> ()
    "tpu.region"() ({
      %run_scoped3A = tpu.sem_alloc : memref<!tpu.dma_semaphore, #tpu.memory_space<semaphore_mem>>
      %dma_start3A = tpu.memref_slice %arg3[%mul3A_2] : memref<16384xi32, #tpu.memory_space<hbm>> -> memref<512xi32, #tpu.memory_space<hbm>>
      %dma_start3A_8 = tpu.memref_slice %arg3[%mul3A_2] : memref<16384xi32, #tpu.memory_space<hbm>> -> memref<512xi32, #tpu.memory_space<hbm>>
      tpu.enqueue_dma source(%dma_start3A_8 : memref<512xi32, #tpu.memory_space<hbm>>) target(%arg8 : memref<512xi32, #tpu.memory_space<vmem>>) target_semaphore(%run_scoped3A : memref<!tpu.dma_semaphore, #tpu.memory_space<semaphore_mem>>)
      %dma_wait3A = tpu.memref_slice %arg3[%mul3A_2] : memref<16384xi32, #tpu.memory_space<hbm>> -> memref<512xi32, #tpu.memory_space<hbm>>
      %dma_wait3A_9 = tpu.memref_slice %arg3[%mul3A_2] : memref<16384xi32, #tpu.memory_space<hbm>> -> memref<512xi32, #tpu.memory_space<hbm>>
      tpu.wait_dma2 semaphore(%run_scoped3A : memref<!tpu.dma_semaphore, #tpu.memory_space<semaphore_mem>>) src(%dma_wait3A_9 : memref<512xi32, #tpu.memory_space<hbm>>) dst(%arg8 : memref<512xi32, #tpu.memory_space<vmem>>)
      tpu.yield
    }) : () -> ()
    %iota3A = tpu.iota {dimensions = array<i32: 0>} : vector<16xi32>
    %scan3A = arith.constant 0 : i32
    %scan3A_3 = arith.constant 0 : i32
    %scan3A_4 = arith.constant 32 : i32
    %scan3A_5 = arith.addi %scan3A_3, %scan3A_4 : i32
    %scan3A_6 = arith.constant 1 : i32
    scf.for %scan3A_8 = %scan3A_3 to %scan3A_5 step %scan3A_6  : i32 {
      %mul3A_9 = arith.constant 16 : i32
      %mul3A_10 = arith.muli %scan3A_8, %mul3A_9 : i32
      %get3A = arith.index_cast %mul3A_10 : i32 to index
      %get3A_11 = tpu.vector_load %arg7[%get3A] {strides = array<i32>} : memref<512xi32, #tpu.memory_space<vmem>>, vector<16xi32>,
      %mul3A_12 = arith.constant 16 : i32
      %mul3A_13 = arith.muli %scan3A_8, %mul3A_12 : i32
      %get3A_14 = arith.index_cast %mul3A_13 : i32 to index
      %get3A_15 = tpu.vector_load %arg8[%get3A_14] {strides = array<i32>} : memref<512xi32, #tpu.memory_space<vmem>>, vector<16xi32>,
      %slice3A = vector.extract_strided_slice %get3A_11 {offsets = [0], sizes = [1], strides = [1]} : vector<16xi32> to vector<1xi32>
      %squeeze3A = vector.extract %slice3A[0] : i32 from vector<1xi32>
      %shift_right_arithmetic3A = arith.constant 7 : i32
      %shift_right_arithmetic3A_16 = arith.shrsi %squeeze3A, %shift_right_arithmetic3A : i32
      %mul3A_17 = arith.constant 128 : i32
      %mul3A_18 = arith.muli %shift_right_arithmetic3A_16, %mul3A_17 : i32
      %multiple_of3A = tpu.assume_multiple %mul3A_18, 128 : i32
      %slice3A_19 = vector.extract_strided_slice %get3A_15 {offsets = [0], sizes = [1], strides = [1]} : vector<16xi32> to vector<1xi32>
      %squeeze3A_20 = vector.extract %slice3A_19[0] : i32 from vector<1xi32>
      %shift_right_arithmetic3A_21 = arith.constant 7 : i32
      %shift_right_arithmetic3A_22 = arith.shrsi %squeeze3A_20, %shift_right_arithmetic3A_21 : i32
      %mul3A_23 = arith.constant 128 : i32
      %mul3A_24 = arith.muli %shift_right_arithmetic3A_22, %mul3A_23 : i32
      %multiple_of3A_25 = tpu.assume_multiple %mul3A_24, 128 : i32
      %dma_start3A = arith.constant 0 : i32
      %dma_start3A_26 = arith.constant 0 : i32
      %dma_start3A_27 = arith.constant 0 : i32
      %dma_start3A_28 = tpu.memref_slice %arg9[%dma_start3A, %dma_start3A_26, %dma_start3A_27] : memref<8x32x128xf32, #tpu.memory_space<vmem>> -> memref<1x32x128xf32, #tpu.memory_space<vmem>>
      %dma_start3A_29 = tpu.memref_squeeze %dma_start3A_28 : memref<1x32x128xf32, #tpu.memory_space<vmem>> -> memref<32x128xf32, #tpu.memory_space<vmem>>
      %dma_start3A_30 = arith.constant 0 : i32
      %dma_start3A_31 = tpu.memref_slice %arg4[%dma_start3A_30, %multiple_of3A] : memref<32x1000000xf32, #tpu.memory_space<hbm>> -> memref<32x128xf32, #tpu.memory_space<hbm>>
      %dma_start3A_32 = arith.constant 0 : i32
      %dma_start3A_33 = arith.constant 0 : i32
      %dma_start3A_34 = tpu.memref_slice %arg9[%dma_start3A, %dma_start3A_32, %dma_start3A_33] : memref<8x32x128xf32, #tpu.memory_space<vmem>> -> memref<1x32x128xf32, #tpu.memory_space<vmem>>
      %dma_start3A_35 = tpu.memref_squeeze %dma_start3A_34 : memref<1x32x128xf32, #tpu.memory_space<vmem>> -> memref<32x128xf32, #tpu.memory_space<vmem>>
      %dma_start3A_36 = arith.constant 0 : i32
      %dma_start3A_37 = tpu.memref_slice %arg4[%dma_start3A_36, %multiple_of3A] : memref<32x1000000xf32, #tpu.memory_space<hbm>> -> memref<32x128xf32, #tpu.memory_space<hbm>>
      tpu.enqueue_dma source(%dma_start3A_37 : memref<32x128xf32, #tpu.memory_space<hbm>>) target(%dma_start3A_35 : memref<32x128xf32, #tpu.memory_space<vmem>>) target_semaphore(%arg13 : memref<!tpu.dma_semaphore, #tpu.memory_space<semaphore_mem>>)
      %dma_start3A_38 = arith.constant 0 : i32
      %dma_start3A_39 = arith.constant 0 : i32
      %dma_start3A_40 = arith.constant 0 : i32
      %dma_start3A_41 = tpu.memref_slice %arg10[%dma_start3A_38, %dma_start3A_39, %dma_start3A_40] : memref<8x32x128xf32, #tpu.memory_space<vmem>> -> memref<1x32x128xf32, #tpu.memory_space<vmem>>
      %dma_start3A_42 = tpu.memref_squeeze %dma_start3A_41 : memref<1x32x128xf32, #tpu.memory_space<vmem>> -> memref<32x128xf32, #tpu.memory_space<vmem>>
      %dma_start3A_43 = arith.constant 0 : i32
      %dma_start3A_44 = tpu.memref_slice %arg5[%dma_start3A_43, %multiple_of3A_25] : memref<32x1000000xf32, #tpu.memory_space<hbm>> -> memref<32x128xf32, #tpu.memory_space<hbm>>
      %dma_start3A_45 = arith.constant 0 : i32
      %dma_start3A_46 = arith.constant 0 : i32
      %dma_start3A_47 = tpu.memref_slice %arg10[%dma_start3A_38, %dma_start3A_45, %dma_start3A_46] : memref<8x32x128xf32, #tpu.memory_space<vmem>> -> memref<1x32x128xf32, #tpu.memory_space<vmem>>
      %dma_start3A_48 = tpu.memref_squeeze %dma_start3A_47 : memref<1x32x128xf32, #tpu.memory_space<vmem>> -> memref<32x128xf32, #tpu.memory_space<vmem>>
      %dma_start3A_49 = arith.constant 0 : i32
      %dma_start3A_50 = tpu.memref_slice %arg5[%dma_start3A_49, %multiple_of3A_25] : memref<32x1000000xf32, #tpu.memory_space<hbm>> -> memref<32x128xf32, #tpu.memory_space<hbm>>
      tpu.enqueue_dma source(%dma_start3A_50 : memref<32x128xf32, #tpu.memory_space<hbm>>) target(%dma_start3A_48 : memref<32x128xf32, #tpu.memory_space<vmem>>) target_semaphore(%arg14 : memref<!tpu.dma_semaphore, #tpu.memory_space<semaphore_mem>>)
      %slice3A_51 = vector.extract_strided_slice %get3A_11 {offsets = [1], sizes = [1], strides = [1]} : vector<16xi32> to vector<1xi32>
      %squeeze3A_52 = vector.extract %slice3A_51[0] : i32 from vector<1xi32>
      %shift_right_arithmetic3A_53 = arith.constant 7 : i32
      %shift_right_arithmetic3A_54 = arith.shrsi %squeeze3A_52, %shift_right_arithmetic3A_53 : i32
      %mul3A_55 = arith.constant 128 : i32
      %mul3A_56 = arith.muli %shift_right_arithmetic3A_54, %mul3A_55 : i32
      %multiple_of3A_57 = tpu.assume_multiple %mul3A_56, 128 : i32
      %slice3A_58 = vector.extract_strided_slice %get3A_15 {offsets = [1], sizes = [1], strides = [1]} : vector<16xi32> to vector<1xi32>
      %squeeze3A_59 = vector.extract %slice3A_58[0] : i32 from vector<1xi32>
      %shift_right_arithmetic3A_60 = arith.constant 7 : i32
      %shift_right_arithmetic3A_61 = arith.shrsi %squeeze3A_59, %shift_right_arithmetic3A_60 : i32
      %mul3A_62 = arith.constant 128 : i32
      %mul3A_63 = arith.muli %shift_right_arithmetic3A_61, %mul3A_62 : i32
      %multiple_of3A_64 = tpu.assume_multiple %mul3A_63, 128 : i32
      %dma_start3A_65 = arith.constant 1 : i32
      %dma_start3A_66 = arith.constant 0 : i32
      %dma_start3A_67 = arith.constant 0 : i32
      %dma_start3A_68 = tpu.memref_slice %arg9[%dma_start3A_65, %dma_start3A_66, %dma_start3A_67] : memref<8x32x128xf32, #tpu.memory_space<vmem>> -> memref<1x32x128xf32, #tpu.memory_space<vmem>>
      %dma_start3A_69 = tpu.memref_squeeze %dma_start3A_68 : memref<1x32x128xf32, #tpu.memory_space<vmem>> -> memref<32x128xf32, #tpu.memory_space<vmem>>
      %dma_start3A_70 = arith.constant 0 : i32
      %dma_start3A_71 = tpu.memref_slice %arg4[%dma_start3A_70, %multiple_of3A_57] : memref<32x1000000xf32, #tpu.memory_space<hbm>> -> memref<32x128xf32, #tpu.memory_space<hbm>>
      %dma_start3A_72 = arith.constant 0 : i32
      %dma_start3A_73 = arith.constant 0 : i32
      %dma_start3A_74 = tpu.memref_slice %arg9[%dma_start3A_65, %dma_start3A_72, %dma_start3A_73] : memref<8x32x128xf32, #tpu.memory_space<vmem>> -> memref<1x32x128xf32, #tpu.memory_space<vmem>>
      %dma_start3A_75 = tpu.memref_squeeze %dma_start3A_74 : memref<1x32x128xf32, #tpu.memory_space<vmem>> -> memref<32x128xf32, #tpu.memory_space<vmem>>
      %dma_start3A_76 = arith.constant 0 : i32
      %dma_start3A_77 = tpu.memref_slice %arg4[%dma_start3A_76, %multiple_of3A_57] : memref<32x1000000xf32, #tpu.memory_space<hbm>> -> memref<32x128xf32, #tpu.memory_space<hbm>>
      tpu.enqueue_dma source(%dma_start3A_77 : memref<32x128xf32, #tpu.memory_space<hbm>>) target(%dma_start3A_75 : memref<32x128xf32, #tpu.memory_space<vmem>>) target_semaphore(%arg13 : memref<!tpu.dma_semaphore, #tpu.memory_space<semaphore_mem>>)
      %dma_start3A_78 = arith.constant 1 : i32
      %dma_start3A_79 = arith.constant 0 : i32
      %dma_start3A_80 = arith.constant 0 : i32
      %dma_start3A_81 = tpu.memref_slice %arg10[%dma_start3A_78, %dma_start3A_79, %dma_start3A_80] : memref<8x32x128xf32, #tpu.memory_space<vmem>> -> memref<1x32x128xf32, #tpu.memory_space<vmem>>
      %dma_start3A_82 = tpu.memref_squeeze %dma_start3A_81 : memref<1x32x128xf32, #tpu.memory_space<vmem>> -> memref<32x128xf32, #tpu.memory_space<vmem>>
      %dma_start3A_83 = arith.constant 0 : i32
      %dma_start3A_84 = tpu.memref_slice %arg5[%dma_start3A_83, %multiple_of3A_64] : memref<32x1000000xf32, #tpu.memory_space<hbm>> -> memref<32x128xf32, #tpu.memory_space<hbm>>
      %dma_start3A_85 = arith.constant 0 : i32
      %dma_start3A_86 = arith.constant 0 : i32
      %dma_start3A_87 = tpu.memref_slice %arg10[%dma_start3A_78, %dma_start3A_85, %dma_start3A_86] : memref<8x32x128xf32, #tpu.memory_space<vmem>> -> memref<1x32x128xf32, #tpu.memory_space<vmem>>
      %dma_start3A_88 = tpu.memref_squeeze %dma_start3A_87 : memref<1x32x128xf32, #tpu.memory_space<vmem>> -> memref<32x128xf32, #tpu.memory_space<vmem>>
      %dma_start3A_89 = arith.constant 0 : i32
      %dma_start3A_90 = tpu.memref_slice %arg5[%dma_start3A_89, %multiple_of3A_64] : memref<32x1000000xf32, #tpu.memory_space<hbm>> -> memref<32x128xf32, #tpu.memory_space<hbm>>
      tpu.enqueue_dma source(%dma_start3A_90 : memref<32x128xf32, #tpu.memory_space<hbm>>) target(%dma_start3A_88 : memref<32x128xf32, #tpu.memory_space<vmem>>) target_semaphore(%arg14 : memref<!tpu.dma_semaphore, #tpu.memory_space<semaphore_mem>>)
      %slice3A_91 = vector.extract_strided_slice %get3A_11 {offsets = [2], sizes = [1], strides = [1]} : vector<16xi32> to vector<1xi32>
      %squeeze3A_92 = vector.extract %slice3A_91[0] : i32 from vector<1xi32>
      %shift_right_arithmetic3A_93 = arith.constant 7 : i32
      %shift_right_arithmetic3A_94 = arith.shrsi %squeeze3A_92, %shift_right_arithmetic3A_93 : i32
      %mul3A_95 = arith.constant 128 : i32
      %mul3A_96 = arith.muli %shift_right_arithmetic3A_94, %mul3A_95 : i32
      %multiple_of3A_97 = tpu.assume_multiple %mul3A_96, 128 : i32
      %slice3A_98 = vector.extract_strided_slice %get3A_15 {offsets = [2], sizes = [1], strides = [1]} : vector<16xi32> to vector<1xi32>
      %squeeze3A_99 = vector.extract %slice3A_98[0] : i32 from vector<1xi32>
      %shift_right_arithmetic3A_100 = arith.constant 7 : i32
      %shift_right_arithmetic3A_101 = arith.shrsi %squeeze3A_99, %shift_right_arithmetic3A_100 : i32
      %mul3A_102 = arith.constant 128 : i32
      %mul3A_103 = arith.muli %shift_right_arithmetic3A_101, %mul3A_102 : i32
      %multiple_of3A_104 = tpu.assume_multiple %mul3A_103, 128 : i32
      %dma_start3A_105 = arith.constant 2 : i32
      %dma_start3A_106 = arith.constant 0 : i32
      %dma_start3A_107 = arith.constant 0 : i32
      %dma_start3A_108 = tpu.memref_slice %arg9[%dma_start3A_105, %dma_start3A_106, %dma_start3A_107] : memref<8x32x128xf32, #tpu.memory_space<vmem>> -> memref<1x32x128xf32, #tpu.memory_space<vmem>>
      %dma_start3A_109 = tpu.memref_squeeze %dma_start3A_108 : memref<1x32x128xf32, #tpu.memory_space<vmem>> -> memref<32x128xf32, #tpu.memory_space<vmem>>
      %dma_start3A_110 = arith.constant 0 : i32
      %dma_start3A_111 = tpu.memref_slice %arg4[%dma_start3A_110, %multiple_of3A_97] : memref<32x1000000xf32, #tpu.memory_space<hbm>> -> memref<32x128xf32, #tpu.memory_space<hbm>>
      %dma_start3A_112 = arith.constant 0 : i32
      %dma_start3A_113 = arith.constant 0 : i32
      %dma_start3A_114 = tpu.memref_slice %arg9[%dma_start3A_105, %dma_start3A_112, %dma_start3A_113] : memref<8x32x128xf32, #tpu.memory_space<vmem>> -> memref<1x32x128xf32, #tpu.memory_space<vmem>>
      %dma_start3A_115 = tpu.memref_squeeze %dma_start3A_114 : memref<1x32x128xf32, #tpu.memory_space<vmem>> -> memref<32x128xf32, #tpu.memory_space<vmem>>
      %dma_start3A_116 = arith.constant 0 : i32
      %dma_start3A_117 = tpu.memref_slice %arg4[%dma_start3A_116, %multiple_of3A_97] : memref<32x1000000xf32, #tpu.memory_space<hbm>> -> memref<32x128xf32, #tpu.memory_space<hbm>>
      tpu.enqueue_dma source(%dma_start3A_117 : memref<32x128xf32, #tpu.memory_space<hbm>>) target(%dma_start3A_115 : memref<32x128xf32, #tpu.memory_space<vmem>>) target_semaphore(%arg13 : memref<!tpu.dma_semaphore, #tpu.memory_space<semaphore_mem>>)
      %dma_start3A_118 = arith.constant 2 : i32
      %dma_start3A_119 = arith.constant 0 : i32
      %dma_start3A_120 = arith.constant 0 : i32
      %dma_start3A_121 = tpu.memref_slice %arg10[%dma_start3A_118, %dma_start3A_119, %dma_start3A_120] : memref<8x32x128xf32, #tpu.memory_space<vmem>> -> memref<1x32x128xf32, #tpu.memory_space<vmem>>
      %dma_start3A_122 = tpu.memref_squeeze %dma_start3A_121 : memref<1x32x128xf32, #tpu.memory_space<vmem>> -> memref<32x128xf32, #tpu.memory_space<vmem>>
      %dma_start3A_123 = arith.constant 0 : i32
      %dma_start3A_124 = tpu.memref_slice %arg5[%dma_start3A_123, %multiple_of3A_104] : memref<32x1000000xf32, #tpu.memory_space<hbm>> -> memref<32x128xf32, #tpu.memory_space<hbm>>
      %dma_start3A_125 = arith.constant 0 : i32
      %dma_start3A_126 = arith.constant 0 : i32
      %dma_start3A_127 = tpu.memref_slice %arg10[%dma_start3A_118, %dma_start3A_125, %dma_start3A_126] : memref<8x32x128xf32, #tpu.memory_space<vmem>> -> memref<1x32x128xf32, #tpu.memory_space<vmem>>
      %dma_start3A_128 = tpu.memref_squeeze %dma_start3A_127 : memref<1x32x128xf32, #tpu.memory_space<vmem>> -> memref<32x128xf32, #tpu.memory_space<vmem>>
      %dma_start3A_129 = arith.constant 0 : i32
      %dma_start3A_130 = tpu.memref_slice %arg5[%dma_start3A_129, %multiple_of3A_104] : memref<32x1000000xf32, #tpu.memory_space<hbm>> -> memref<32x128xf32, #tpu.memory_space<hbm>>
      tpu.enqueue_dma source(%dma_start3A_130 : memref<32x128xf32, #tpu.memory_space<hbm>>) target(%dma_start3A_128 : memref<32x128xf32, #tpu.memory_space<vmem>>) target_semaphore(%arg14 : memref<!tpu.dma_semaphore, #tpu.memory_space<semaphore_mem>>)
      %slice3A_131 = vector.extract_strided_slice %get3A_11 {offsets = [3], sizes = [1], strides = [1]} : vector<16xi32> to vector<1xi32>
      %squeeze3A_132 = vector.extract %slice3A_131[0] : i32 from vector<1xi32>
      %shift_right_arithmetic3A_133 = arith.constant 7 : i32
      %shift_right_arithmetic3A_134 = arith.shrsi %squeeze3A_132, %shift_right_arithmetic3A_133 : i32
      %mul3A_135 = arith.constant 128 : i32
      %mul3A_136 = arith.muli %shift_right_arithmetic3A_134, %mul3A_135 : i32
      %multiple_of3A_137 = tpu.assume_multiple %mul3A_136, 128 : i32
      %slice3A_138 = vector.extract_strided_slice %get3A_15 {offsets = [3], sizes = [1], strides = [1]} : vector<16xi32> to vector<1xi32>
      %squeeze3A_139 = vector.extract %slice3A_138[0] : i32 from vector<1xi32>
      %shift_right_arithmetic3A_140 = arith.constant 7 : i32
      %shift_right_arithmetic3A_141 = arith.shrsi %squeeze3A_139, %shift_right_arithmetic3A_140 : i32
      %mul3A_142 = arith.constant 128 : i32
      %mul3A_143 = arith.muli %shift_right_arithmetic3A_141, %mul3A_142 : i32
      %multiple_of3A_144 = tpu.assume_multiple %mul3A_143, 128 : i32
      %dma_start3A_145 = arith.constant 3 : i32
      %dma_start3A_146 = arith.constant 0 : i32
      %dma_start3A_147 = arith.constant 0 : i32
      %dma_start3A_148 = tpu.memref_slice %arg9[%dma_start3A_145, %dma_start3A_146, %dma_start3A_147] : memref<8x32x128xf32, #tpu.memory_space<vmem>> -> memref<1x32x128xf32, #tpu.memory_space<vmem>>
      %dma_start3A_149 = tpu.memref_squeeze %dma_start3A_148 : memref<1x32x128xf32, #tpu.memory_space<vmem>> -> memref<32x128xf32, #tpu.memory_space<vmem>>
      %dma_start3A_150 = arith.constant 0 : i32
      %dma_start3A_151 = tpu.memref_slice %arg4[%dma_start3A_150, %multiple_of3A_137] : memref<32x1000000xf32, #tpu.memory_space<hbm>> -> memref<32x128xf32, #tpu.memory_space<hbm>>
      %dma_start3A_152 = arith.constant 0 : i32
      %dma_start3A_153 = arith.constant 0 : i32
      %dma_start3A_154 = tpu.memref_slice %arg9[%dma_start3A_145, %dma_start3A_152, %dma_start3A_153] : memref<8x32x128xf32, #tpu.memory_space<vmem>> -> memref<1x32x128xf32, #tpu.memory_space<vmem>>
      %dma_start3A_155 = tpu.memref_squeeze %dma_start3A_154 : memref<1x32x128xf32, #tpu.memory_space<vmem>> -> memref<32x128xf32, #tpu.memory_space<vmem>>
      %dma_start3A_156 = arith.constant 0 : i32
      %dma_start3A_157 = tpu.memref_slice %arg4[%dma_start3A_156, %multiple_of3A_137] : memref<32x1000000xf32, #tpu.memory_space<hbm>> -> memref<32x128xf32, #tpu.memory_space<hbm>>
      tpu.enqueue_dma source(%dma_start3A_157 : memref<32x128xf32, #tpu.memory_space<hbm>>) target(%dma_start3A_155 : memref<32x128xf32, #tpu.memory_space<vmem>>) target_semaphore(%arg13 : memref<!tpu.dma_semaphore, #tpu.memory_space<semaphore_mem>>)
      %dma_start3A_158 = arith.constant 3 : i32
      %dma_start3A_159 = arith.constant 0 : i32
      %dma_start3A_160 = arith.constant 0 : i32
      %dma_start3A_161 = tpu.memref_slice %arg10[%dma_start3A_158, %dma_start3A_159, %dma_start3A_160] : memref<8x32x128xf32, #tpu.memory_space<vmem>> -> memref<1x32x128xf32, #tpu.memory_space<vmem>>
      %dma_start3A_162 = tpu.memref_squeeze %dma_start3A_161 : memref<1x32x128xf32, #tpu.memory_space<vmem>> -> memref<32x128xf32, #tpu.memory_space<vmem>>
      %dma_start3A_163 = arith.constant 0 : i32
      %dma_start3A_164 = tpu.memref_slice %arg5[%dma_start3A_163, %multiple_of3A_144] : memref<32x1000000xf32, #tpu.memory_space<hbm>> -> memref<32x128xf32, #tpu.memory_space<hbm>>
      %dma_start3A_165 = arith.constant 0 : i32
      %dma_start3A_166 = arith.constant 0 : i32
      %dma_start3A_167 = tpu.memref_slice %arg10[%dma_start3A_158, %dma_start3A_165, %dma_start3A_166] : memref<8x32x128xf32, #tpu.memory_space<vmem>> -> memref<1x32x128xf32, #tpu.memory_space<vmem>>
      %dma_start3A_168 = tpu.memref_squeeze %dma_start3A_167 : memref<1x32x128xf32, #tpu.memory_space<vmem>> -> memref<32x128xf32, #tpu.memory_space<vmem>>
      %dma_start3A_169 = arith.constant 0 : i32
      %dma_start3A_170 = tpu.memref_slice %arg5[%dma_start3A_169, %multiple_of3A_144] : memref<32x1000000xf32, #tpu.memory_space<hbm>> -> memref<32x128xf32, #tpu.memory_space<hbm>>
      tpu.enqueue_dma source(%dma_start3A_170 : memref<32x128xf32, #tpu.memory_space<hbm>>) target(%dma_start3A_168 : memref<32x128xf32, #tpu.memory_space<vmem>>) target_semaphore(%arg14 : memref<!tpu.dma_semaphore, #tpu.memory_space<semaphore_mem>>)
      %slice3A_171 = vector.extract_strided_slice %get3A_11 {offsets = [4], sizes = [1], strides = [1]} : vector<16xi32> to vector<1xi32>
      %squeeze3A_172 = vector.extract %slice3A_171[0] : i32 from vector<1xi32>
      %shift_right_arithmetic3A_173 = arith.constant 7 : i32
      %shift_right_arithmetic3A_174 = arith.shrsi %squeeze3A_172, %shift_right_arithmetic3A_173 : i32
      %mul3A_175 = arith.constant 128 : i32
      %mul3A_176 = arith.muli %shift_right_arithmetic3A_174, %mul3A_175 : i32
      %multiple_of3A_177 = tpu.assume_multiple %mul3A_176, 128 : i32
      %slice3A_178 = vector.extract_strided_slice %get3A_15 {offsets = [4], sizes = [1], strides = [1]} : vector<16xi32> to vector<1xi32>
      %squeeze3A_179 = vector.extract %slice3A_178[0] : i32 from vector<1xi32>
      %shift_right_arithmetic3A_180 = arith.constant 7 : i32
      %shift_right_arithmetic3A_181 = arith.shrsi %squeeze3A_179, %shift_right_arithmetic3A_180 : i32
      %mul3A_182 = arith.constant 128 : i32
      %mul3A_183 = arith.muli %shift_right_arithmetic3A_181, %mul3A_182 : i32
      %multiple_of3A_184 = tpu.assume_multiple %mul3A_183, 128 : i32
      %dma_start3A_185 = arith.constant 4 : i32
      %dma_start3A_186 = arith.constant 0 : i32
      %dma_start3A_187 = arith.constant 0 : i32
      %dma_start3A_188 = tpu.memref_slice %arg9[%dma_start3A_185, %dma_start3A_186, %dma_start3A_187] : memref<8x32x128xf32, #tpu.memory_space<vmem>> -> memref<1x32x128xf32, #tpu.memory_space<vmem>>
      %dma_start3A_189 = tpu.memref_squeeze %dma_start3A_188 : memref<1x32x128xf32, #tpu.memory_space<vmem>> -> memref<32x128xf32, #tpu.memory_space<vmem>>
      %dma_start3A_190 = arith.constant 0 : i32
      %dma_start3A_191 = tpu.memref_slice %arg4[%dma_start3A_190, %multiple_of3A_177] : memref<32x1000000xf32, #tpu.memory_space<hbm>> -> memref<32x128xf32, #tpu.memory_space<hbm>>
      %dma_start3A_192 = arith.constant 0 : i32
      %dma_start3A_193 = arith.constant 0 : i32
      %dma_start3A_194 = tpu.memref_slice %arg9[%dma_start3A_185, %dma_start3A_192, %dma_start3A_193] : memref<8x32x128xf32, #tpu.memory_space<vmem>> -> memref<1x32x128xf32, #tpu.memory_space<vmem>>
      %dma_start3A_195 = tpu.memref_squeeze %dma_start3A_194 : memref<1x32x128xf32, #tpu.memory_space<vmem>> -> memref<32x128xf32, #tpu.memory_space<vmem>>
      %dma_start3A_196 = arith.constant 0 : i32
      %dma_start3A_197 = tpu.memref_slice %arg4[%dma_start3A_196, %multiple_of3A_177] : memref<32x1000000xf32, #tpu.memory_space<hbm>> -> memref<32x128xf32, #tpu.memory_space<hbm>>
      tpu.enqueue_dma source(%dma_start3A_197 : memref<32x128xf32, #tpu.memory_space<hbm>>) target(%dma_start3A_195 : memref<32x128xf32, #tpu.memory_space<vmem>>) target_semaphore(%arg13 : memref<!tpu.dma_semaphore, #tpu.memory_space<semaphore_mem>>)
      %dma_start3A_198 = arith.constant 4 : i32
      %dma_start3A_199 = arith.constant 0 : i32
      %dma_start3A_200 = arith.constant 0 : i32
      %dma_start3A_201 = tpu.memref_slice %arg10[%dma_start3A_198, %dma_start3A_199, %dma_start3A_200] : memref<8x32x128xf32, #tpu.memory_space<vmem>> -> memref<1x32x128xf32, #tpu.memory_space<vmem>>
      %dma_start3A_202 = tpu.memref_squeeze %dma_start3A_201 : memref<1x32x128xf32, #tpu.memory_space<vmem>> -> memref<32x128xf32, #tpu.memory_space<vmem>>
      %dma_start3A_203 = arith.constant 0 : i32
      %dma_start3A_204 = tpu.memref_slice %arg5[%dma_start3A_203, %multiple_of3A_184] : memref<32x1000000xf32, #tpu.memory_space<hbm>> -> memref<32x128xf32, #tpu.memory_space<hbm>>
      %dma_start3A_205 = arith.constant 0 : i32
      %dma_start3A_206 = arith.constant 0 : i32
      %dma_start3A_207 = tpu.memref_slice %arg10[%dma_start3A_198, %dma_start3A_205, %dma_start3A_206] : memref<8x32x128xf32, #tpu.memory_space<vmem>> -> memref<1x32x128xf32, #tpu.memory_space<vmem>>
      %dma_start3A_208 = tpu.memref_squeeze %dma_start3A_207 : memref<1x32x128xf32, #tpu.memory_space<vmem>> -> memref<32x128xf32, #tpu.memory_space<vmem>>
      %dma_start3A_209 = arith.constant 0 : i32
      %dma_start3A_210 = tpu.memref_slice %arg5[%dma_start3A_209, %multiple_of3A_184] : memref<32x1000000xf32, #tpu.memory_space<hbm>> -> memref<32x128xf32, #tpu.memory_space<hbm>>
      tpu.enqueue_dma source(%dma_start3A_210 : memref<32x128xf32, #tpu.memory_space<hbm>>) target(%dma_start3A_208 : memref<32x128xf32, #tpu.memory_space<vmem>>) target_semaphore(%arg14 : memref<!tpu.dma_semaphore, #tpu.memory_space<semaphore_mem>>)
      %slice3A_211 = vector.extract_strided_slice %get3A_11 {offsets = [5], sizes = [1], strides = [1]} : vector<16xi32> to vector<1xi32>
      %squeeze3A_212 = vector.extract %slice3A_211[0] : i32 from vector<1xi32>
      %shift_right_arithmetic3A_213 = arith.constant 7 : i32
      %shift_right_arithmetic3A_214 = arith.shrsi %squeeze3A_212, %shift_right_arithmetic3A_213 : i32
      %mul3A_215 = arith.constant 128 : i32
      %mul3A_216 = arith.muli %shift_right_arithmetic3A_214, %mul3A_215 : i32
      %multiple_of3A_217 = tpu.assume_multiple %mul3A_216, 128 : i32
      %slice3A_218 = vector.extract_strided_slice %get3A_15 {offsets = [5], sizes = [1], strides = [1]} : vector<16xi32> to vector<1xi32>
      %squeeze3A_219 = vector.extract %slice3A_218[0] : i32 from vector<1xi32>
      %shift_right_arithmetic3A_220 = arith.constant 7 : i32
      %shift_right_arithmetic3A_221 = arith.shrsi %squeeze3A_219, %shift_right_arithmetic3A_220 : i32
      %mul3A_222 = arith.constant 128 : i32
      %mul3A_223 = arith.muli %shift_right_arithmetic3A_221, %mul3A_222 : i32
      %multiple_of3A_224 = tpu.assume_multiple %mul3A_223, 128 : i32
      %dma_start3A_225 = arith.constant 5 : i32
      %dma_start3A_226 = arith.constant 0 : i32
      %dma_start3A_227 = arith.constant 0 : i32
      %dma_start3A_228 = tpu.memref_slice %arg9[%dma_start3A_225, %dma_start3A_226, %dma_start3A_227] : memref<8x32x128xf32, #tpu.memory_space<vmem>> -> memref<1x32x128xf32, #tpu.memory_space<vmem>>
      %dma_start3A_229 = tpu.memref_squeeze %dma_start3A_228 : memref<1x32x128xf32, #tpu.memory_space<vmem>> -> memref<32x128xf32, #tpu.memory_space<vmem>>
      %dma_start3A_230 = arith.constant 0 : i32
      %dma_start3A_231 = tpu.memref_slice %arg4[%dma_start3A_230, %multiple_of3A_217] : memref<32x1000000xf32, #tpu.memory_space<hbm>> -> memref<32x128xf32, #tpu.memory_space<hbm>>
      %dma_start3A_232 = arith.constant 0 : i32
      %dma_start3A_233 = arith.constant 0 : i32
      %dma_start3A_234 = tpu.memref_slice %arg9[%dma_start3A_225, %dma_start3A_232, %dma_start3A_233] : memref<8x32x128xf32, #tpu.memory_space<vmem>> -> memref<1x32x128xf32, #tpu.memory_space<vmem>>
      %dma_start3A_235 = tpu.memref_squeeze %dma_start3A_234 : memref<1x32x128xf32, #tpu.memory_space<vmem>> -> memref<32x128xf32, #tpu.memory_space<vmem>>
      %dma_start3A_236 = arith.constant 0 : i32
      %dma_start3A_237 = tpu.memref_slice %arg4[%dma_start3A_236, %multiple_of3A_217] : memref<32x1000000xf32, #tpu.memory_space<hbm>> -> memref<32x128xf32, #tpu.memory_space<hbm>>
      tpu.enqueue_dma source(%dma_start3A_237 : memref<32x128xf32, #tpu.memory_space<hbm>>) target(%dma_start3A_235 : memref<32x128xf32, #tpu.memory_space<vmem>>) target_semaphore(%arg13 : memref<!tpu.dma_semaphore, #tpu.memory_space<semaphore_mem>>)
      %dma_start3A_238 = arith.constant 5 : i32
      %dma_start3A_239 = arith.constant 0 : i32
      %dma_start3A_240 = arith.constant 0 : i32
      %dma_start3A_241 = tpu.memref_slice %arg10[%dma_start3A_238, %dma_start3A_239, %dma_start3A_240] : memref<8x32x128xf32, #tpu.memory_space<vmem>> -> memref<1x32x128xf32, #tpu.memory_space<vmem>>
      %dma_start3A_242 = tpu.memref_squeeze %dma_start3A_241 : memref<1x32x128xf32, #tpu.memory_space<vmem>> -> memref<32x128xf32, #tpu.memory_space<vmem>>
      %dma_start3A_243 = arith.constant 0 : i32
      %dma_start3A_244 = tpu.memref_slice %arg5[%dma_start3A_243, %multiple_of3A_224] : memref<32x1000000xf32, #tpu.memory_space<hbm>> -> memref<32x128xf32, #tpu.memory_space<hbm>>
      %dma_start3A_245 = arith.constant 0 : i32
      %dma_start3A_246 = arith.constant 0 : i32
      %dma_start3A_247 = tpu.memref_slice %arg10[%dma_start3A_238, %dma_start3A_245, %dma_start3A_246] : memref<8x32x128xf32, #tpu.memory_space<vmem>> -> memref<1x32x128xf32, #tpu.memory_space<vmem>>
      %dma_start3A_248 = tpu.memref_squeeze %dma_start3A_247 : memref<1x32x128xf32, #tpu.memory_space<vmem>> -> memref<32x128xf32, #tpu.memory_space<vmem>>
      %dma_start3A_249 = arith.constant 0 : i32
      %dma_start3A_250 = tpu.memref_slice %arg5[%dma_start3A_249, %multiple_of3A_224] : memref<32x1000000xf32, #tpu.memory_space<hbm>> -> memref<32x128xf32, #tpu.memory_space<hbm>>
      tpu.enqueue_dma source(%dma_start3A_250 : memref<32x128xf32, #tpu.memory_space<hbm>>) target(%dma_start3A_248 : memref<32x128xf32, #tpu.memory_space<vmem>>) target_semaphore(%arg14 : memref<!tpu.dma_semaphore, #tpu.memory_space<semaphore_mem>>)
      %slice3A_251 = vector.extract_strided_slice %get3A_11 {offsets = [6], sizes = [1], strides = [1]} : vector<16xi32> to vector<1xi32>
      %squeeze3A_252 = vector.extract %slice3A_251[0] : i32 from vector<1xi32>
      %shift_right_arithmetic3A_253 = arith.constant 7 : i32
      %shift_right_arithmetic3A_254 = arith.shrsi %squeeze3A_252, %shift_right_arithmetic3A_253 : i32
      %mul3A_255 = arith.constant 128 : i32
      %mul3A_256 = arith.muli %shift_right_arithmetic3A_254, %mul3A_255 : i32
      %multiple_of3A_257 = tpu.assume_multiple %mul3A_256, 128 : i32
      %slice3A_258 = vector.extract_strided_slice %get3A_15 {offsets = [6], sizes = [1], strides = [1]} : vector<16xi32> to vector<1xi32>
      %squeeze3A_259 = vector.extract %slice3A_258[0] : i32 from vector<1xi32>
      %shift_right_arithmetic3A_260 = arith.constant 7 : i32
      %shift_right_arithmetic3A_261 = arith.shrsi %squeeze3A_259, %shift_right_arithmetic3A_260 : i32
      %mul3A_262 = arith.constant 128 : i32
      %mul3A_263 = arith.muli %shift_right_arithmetic3A_261, %mul3A_262 : i32
      %multiple_of3A_264 = tpu.assume_multiple %mul3A_263, 128 : i32
      %dma_start3A_265 = arith.constant 6 : i32
      %dma_start3A_266 = arith.constant 0 : i32
      %dma_start3A_267 = arith.constant 0 : i32
      %dma_start3A_268 = tpu.memref_slice %arg9[%dma_start3A_265, %dma_start3A_266, %dma_start3A_267] : memref<8x32x128xf32, #tpu.memory_space<vmem>> -> memref<1x32x128xf32, #tpu.memory_space<vmem>>
      %dma_start3A_269 = tpu.memref_squeeze %dma_start3A_268 : memref<1x32x128xf32, #tpu.memory_space<vmem>> -> memref<32x128xf32, #tpu.memory_space<vmem>>
      %dma_start3A_270 = arith.constant 0 : i32
      %dma_start3A_271 = tpu.memref_slice %arg4[%dma_start3A_270, %multiple_of3A_257] : memref<32x1000000xf32, #tpu.memory_space<hbm>> -> memref<32x128xf32, #tpu.memory_space<hbm>>
      %dma_start3A_272 = arith.constant 0 : i32
      %dma_start3A_273 = arith.constant 0 : i32
      %dma_start3A_274 = tpu.memref_slice %arg9[%dma_start3A_265, %dma_start3A_272, %dma_start3A_273] : memref<8x32x128xf32, #tpu.memory_space<vmem>> -> memref<1x32x128xf32, #tpu.memory_space<vmem>>
      %dma_start3A_275 = tpu.memref_squeeze %dma_start3A_274 : memref<1x32x128xf32, #tpu.memory_space<vmem>> -> memref<32x128xf32, #tpu.memory_space<vmem>>
      %dma_start3A_276 = arith.constant 0 : i32
      %dma_start3A_277 = tpu.memref_slice %arg4[%dma_start3A_276, %multiple_of3A_257] : memref<32x1000000xf32, #tpu.memory_space<hbm>> -> memref<32x128xf32, #tpu.memory_space<hbm>>
      tpu.enqueue_dma source(%dma_start3A_277 : memref<32x128xf32, #tpu.memory_space<hbm>>) target(%dma_start3A_275 : memref<32x128xf32, #tpu.memory_space<vmem>>) target_semaphore(%arg13 : memref<!tpu.dma_semaphore, #tpu.memory_space<semaphore_mem>>)
      %dma_start3A_278 = arith.constant 6 : i32
      %dma_start3A_279 = arith.constant 0 : i32
      %dma_start3A_280 = arith.constant 0 : i32
      %dma_start3A_281 = tpu.memref_slice %arg10[%dma_start3A_278, %dma_start3A_279, %dma_start3A_280] : memref<8x32x128xf32, #tpu.memory_space<vmem>> -> memref<1x32x128xf32, #tpu.memory_space<vmem>>
      %dma_start3A_282 = tpu.memref_squeeze %dma_start3A_281 : memref<1x32x128xf32, #tpu.memory_space<vmem>> -> memref<32x128xf32, #tpu.memory_space<vmem>>
      %dma_start3A_283 = arith.constant 0 : i32
      %dma_start3A_284 = tpu.memref_slice %arg5[%dma_start3A_283, %multiple_of3A_264] : memref<32x1000000xf32, #tpu.memory_space<hbm>> -> memref<32x128xf32, #tpu.memory_space<hbm>>
      %dma_start3A_285 = arith.constant 0 : i32
      %dma_start3A_286 = arith.constant 0 : i32
      %dma_start3A_287 = tpu.memref_slice %arg10[%dma_start3A_278, %dma_start3A_285, %dma_start3A_286] : memref<8x32x128xf32, #tpu.memory_space<vmem>> -> memref<1x32x128xf32, #tpu.memory_space<vmem>>
      %dma_start3A_288 = tpu.memref_squeeze %dma_start3A_287 : memref<1x32x128xf32, #tpu.memory_space<vmem>> -> memref<32x128xf32, #tpu.memory_space<vmem>>
      %dma_start3A_289 = arith.constant 0 : i32
      %dma_start3A_290 = tpu.memref_slice %arg5[%dma_start3A_289, %multiple_of3A_264] : memref<32x1000000xf32, #tpu.memory_space<hbm>> -> memref<32x128xf32, #tpu.memory_space<hbm>>
      tpu.enqueue_dma source(%dma_start3A_290 : memref<32x128xf32, #tpu.memory_space<hbm>>) target(%dma_start3A_288 : memref<32x128xf32, #tpu.memory_space<vmem>>) target_semaphore(%arg14 : memref<!tpu.dma_semaphore, #tpu.memory_space<semaphore_mem>>)
      %slice3A_291 = vector.extract_strided_slice %get3A_11 {offsets = [7], sizes = [1], strides = [1]} : vector<16xi32> to vector<1xi32>
      %squeeze3A_292 = vector.extract %slice3A_291[0] : i32 from vector<1xi32>
      %shift_right_arithmetic3A_293 = arith.constant 7 : i32
      %shift_right_arithmetic3A_294 = arith.shrsi %squeeze3A_292, %shift_right_arithmetic3A_293 : i32
      %mul3A_295 = arith.constant 128 : i32
      %mul3A_296 = arith.muli %shift_right_arithmetic3A_294, %mul3A_295 : i32
      %multiple_of3A_297 = tpu.assume_multiple %mul3A_296, 128 : i32
      %slice3A_298 = vector.extract_strided_slice %get3A_15 {offsets = [7], sizes = [1], strides = [1]} : vector<16xi32> to vector<1xi32>
      %squeeze3A_299 = vector.extract %slice3A_298[0] : i32 from vector<1xi32>
      %shift_right_arithmetic3A_300 = arith.constant 7 : i32
      %shift_right_arithmetic3A_301 = arith.shrsi %squeeze3A_299, %shift_right_arithmetic3A_300 : i32
      %mul3A_302 = arith.constant 128 : i32
      %mul3A_303 = arith.muli %shift_right_arithmetic3A_301, %mul3A_302 : i32
      %multiple_of3A_304 = tpu.assume_multiple %mul3A_303, 128 : i32
      %dma_start3A_305 = arith.constant 7 : i32
      %dma_start3A_306 = arith.constant 0 : i32
      %dma_start3A_307 = arith.constant 0 : i32
      %dma_start3A_308 = tpu.memref_slice %arg9[%dma_start3A_305, %dma_start3A_306, %dma_start3A_307] : memref<8x32x128xf32, #tpu.memory_space<vmem>> -> memref<1x32x128xf32, #tpu.memory_space<vmem>>
      %dma_start3A_309 = tpu.memref_squeeze %dma_start3A_308 : memref<1x32x128xf32, #tpu.memory_space<vmem>> -> memref<32x128xf32, #tpu.memory_space<vmem>>
      %dma_start3A_310 = arith.constant 0 : i32
      %dma_start3A_311 = tpu.memref_slice %arg4[%dma_start3A_310, %multiple_of3A_297] : memref<32x1000000xf32, #tpu.memory_space<hbm>> -> memref<32x128xf32, #tpu.memory_space<hbm>>
      %dma_start3A_312 = arith.constant 0 : i32
      %dma_start3A_313 = arith.constant 0 : i32
      %dma_start3A_314 = tpu.memref_slice %arg9[%dma_start3A_305, %dma_start3A_312, %dma_start3A_313] : memref<8x32x128xf32, #tpu.memory_space<vmem>> -> memref<1x32x128xf32, #tpu.memory_space<vmem>>
      %dma_start3A_315 = tpu.memref_squeeze %dma_start3A_314 : memref<1x32x128xf32, #tpu.memory_space<vmem>> -> memref<32x128xf32, #tpu.memory_space<vmem>>
      %dma_start3A_316 = arith.constant 0 : i32
      %dma_start3A_317 = tpu.memref_slice %arg4[%dma_start3A_316, %multiple_of3A_297] : memref<32x1000000xf32, #tpu.memory_space<hbm>> -> memref<32x128xf32, #tpu.memory_space<hbm>>
      tpu.enqueue_dma source(%dma_start3A_317 : memref<32x128xf32, #tpu.memory_space<hbm>>) target(%dma_start3A_315 : memref<32x128xf32, #tpu.memory_space<vmem>>) target_semaphore(%arg13 : memref<!tpu.dma_semaphore, #tpu.memory_space<semaphore_mem>>)
      %dma_start3A_318 = arith.constant 7 : i32
      %dma_start3A_319 = arith.constant 0 : i32
      %dma_start3A_320 = arith.constant 0 : i32
      %dma_start3A_321 = tpu.memref_slice %arg10[%dma_start3A_318, %dma_start3A_319, %dma_start3A_320] : memref<8x32x128xf32, #tpu.memory_space<vmem>> -> memref<1x32x128xf32, #tpu.memory_space<vmem>>
      %dma_start3A_322 = tpu.memref_squeeze %dma_start3A_321 : memref<1x32x128xf32, #tpu.memory_space<vmem>> -> memref<32x128xf32, #tpu.memory_space<vmem>>
      %dma_start3A_323 = arith.constant 0 : i32
      %dma_start3A_324 = tpu.memref_slice %arg5[%dma_start3A_323, %multiple_of3A_304] : memref<32x1000000xf32, #tpu.memory_space<hbm>> -> memref<32x128xf32, #tpu.memory_space<hbm>>
      %dma_start3A_325 = arith.constant 0 : i32
      %dma_start3A_326 = arith.constant 0 : i32
      %dma_start3A_327 = tpu.memref_slice %arg10[%dma_start3A_318, %dma_start3A_325, %dma_start3A_326] : memref<8x32x128xf32, #tpu.memory_space<vmem>> -> memref<1x32x128xf32, #tpu.memory_space<vmem>>
      %dma_start3A_328 = tpu.memref_squeeze %dma_start3A_327 : memref<1x32x128xf32, #tpu.memory_space<vmem>> -> memref<32x128xf32, #tpu.memory_space<vmem>>
      %dma_start3A_329 = arith.constant 0 : i32
      %dma_start3A_330 = tpu.memref_slice %arg5[%dma_start3A_329, %multiple_of3A_304] : memref<32x1000000xf32, #tpu.memory_space<hbm>> -> memref<32x128xf32, #tpu.memory_space<hbm>>
      tpu.enqueue_dma source(%dma_start3A_330 : memref<32x128xf32, #tpu.memory_space<hbm>>) target(%dma_start3A_328 : memref<32x128xf32, #tpu.memory_space<vmem>>) target_semaphore(%arg14 : memref<!tpu.dma_semaphore, #tpu.memory_space<semaphore_mem>>)
      %dma_wait3A = arith.constant 0 : i32
      %dma_wait3A_331 = arith.constant 0 : i32
      %dma_wait3A_332 = arith.constant 0 : i32
      %dma_wait3A_333 = tpu.memref_slice %arg9[%dma_wait3A, %dma_wait3A_331, %dma_wait3A_332] : memref<8x32x128xf32, #tpu.memory_space<vmem>> -> memref<1x32x128xf32, #tpu.memory_space<vmem>>
      %dma_wait3A_334 = tpu.memref_squeeze %dma_wait3A_333 : memref<1x32x128xf32, #tpu.memory_space<vmem>> -> memref<32x128xf32, #tpu.memory_space<vmem>>
      %dma_wait3A_335 = arith.constant 0 : i32
      %dma_wait3A_336 = arith.constant 0 : i32
      %dma_wait3A_337 = tpu.memref_slice %arg4[%dma_wait3A_335, %dma_wait3A_336] : memref<32x1000000xf32, #tpu.memory_space<hbm>> -> memref<32x128xf32, #tpu.memory_space<hbm>>
      %dma_wait3A_338 = arith.constant 0 : i32
      %dma_wait3A_339 = arith.constant 0 : i32
      %dma_wait3A_340 = tpu.memref_slice %arg9[%dma_wait3A, %dma_wait3A_338, %dma_wait3A_339] : memref<8x32x128xf32, #tpu.memory_space<vmem>> -> memref<1x32x128xf32, #tpu.memory_space<vmem>>
      %dma_wait3A_341 = tpu.memref_squeeze %dma_wait3A_340 : memref<1x32x128xf32, #tpu.memory_space<vmem>> -> memref<32x128xf32, #tpu.memory_space<vmem>>
      %dma_wait3A_342 = arith.constant 0 : i32
      %dma_wait3A_343 = arith.constant 0 : i32
      %dma_wait3A_344 = tpu.memref_slice %arg4[%dma_wait3A_342, %dma_wait3A_343] : memref<32x1000000xf32, #tpu.memory_space<hbm>> -> memref<32x128xf32, #tpu.memory_space<hbm>>
      tpu.wait_dma2 semaphore(%arg13 : memref<!tpu.dma_semaphore, #tpu.memory_space<semaphore_mem>>) src(%dma_wait3A_344 : memref<32x128xf32, #tpu.memory_space<hbm>>) dst(%dma_wait3A_341 : memref<32x128xf32, #tpu.memory_space<vmem>>)
      %dma_wait3A_345 = arith.constant 0 : i32
      %dma_wait3A_346 = arith.constant 0 : i32
      %dma_wait3A_347 = arith.constant 0 : i32
      %dma_wait3A_348 = tpu.memref_slice %arg10[%dma_wait3A_345, %dma_wait3A_346, %dma_wait3A_347] : memref<8x32x128xf32, #tpu.memory_space<vmem>> -> memref<1x32x128xf32, #tpu.memory_space<vmem>>
      %dma_wait3A_349 = tpu.memref_squeeze %dma_wait3A_348 : memref<1x32x128xf32, #tpu.memory_space<vmem>> -> memref<32x128xf32, #tpu.memory_space<vmem>>
      %dma_wait3A_350 = arith.constant 0 : i32
      %dma_wait3A_351 = arith.constant 0 : i32
      %dma_wait3A_352 = tpu.memref_slice %arg5[%dma_wait3A_350, %dma_wait3A_351] : memref<32x1000000xf32, #tpu.memory_space<hbm>> -> memref<32x128xf32, #tpu.memory_space<hbm>>
      %dma_wait3A_353 = arith.constant 0 : i32
      %dma_wait3A_354 = arith.constant 0 : i32
      %dma_wait3A_355 = tpu.memref_slice %arg10[%dma_wait3A_345, %dma_wait3A_353, %dma_wait3A_354] : memref<8x32x128xf32, #tpu.memory_space<vmem>> -> memref<1x32x128xf32, #tpu.memory_space<vmem>>
      %dma_wait3A_356 = tpu.memref_squeeze %dma_wait3A_355 : memref<1x32x128xf32, #tpu.memory_space<vmem>> -> memref<32x128xf32, #tpu.memory_space<vmem>>
      %dma_wait3A_357 = arith.constant 0 : i32
      %dma_wait3A_358 = arith.constant 0 : i32
      %dma_wait3A_359 = tpu.memref_slice %arg5[%dma_wait3A_357, %dma_wait3A_358] : memref<32x1000000xf32, #tpu.memory_space<hbm>> -> memref<32x128xf32, #tpu.memory_space<hbm>>
      tpu.wait_dma2 semaphore(%arg14 : memref<!tpu.dma_semaphore, #tpu.memory_space<semaphore_mem>>) src(%dma_wait3A_359 : memref<32x128xf32, #tpu.memory_space<hbm>>) dst(%dma_wait3A_356 : memref<32x128xf32, #tpu.memory_space<vmem>>)
      %dma_wait3A_360 = arith.constant 1 : i32
      %dma_wait3A_361 = arith.constant 0 : i32
      %dma_wait3A_362 = arith.constant 0 : i32
      %dma_wait3A_363 = tpu.memref_slice %arg9[%dma_wait3A_360, %dma_wait3A_361, %dma_wait3A_362] : memref<8x32x128xf32, #tpu.memory_space<vmem>> -> memref<1x32x128xf32, #tpu.memory_space<vmem>>
      %dma_wait3A_364 = tpu.memref_squeeze %dma_wait3A_363 : memref<1x32x128xf32, #tpu.memory_space<vmem>> -> memref<32x128xf32, #tpu.memory_space<vmem>>
      %dma_wait3A_365 = arith.constant 0 : i32
      %dma_wait3A_366 = arith.constant 0 : i32
      %dma_wait3A_367 = tpu.memref_slice %arg4[%dma_wait3A_365, %dma_wait3A_366] : memref<32x1000000xf32, #tpu.memory_space<hbm>> -> memref<32x128xf32, #tpu.memory_space<hbm>>
      %dma_wait3A_368 = arith.constant 0 : i32
      %dma_wait3A_369 = arith.constant 0 : i32
      %dma_wait3A_370 = tpu.memref_slice %arg9[%dma_wait3A_360, %dma_wait3A_368, %dma_wait3A_369] : memref<8x32x128xf32, #tpu.memory_space<vmem>> -> memref<1x32x128xf32, #tpu.memory_space<vmem>>
      %dma_wait3A_371 = tpu.memref_squeeze %dma_wait3A_370 : memref<1x32x128xf32, #tpu.memory_space<vmem>> -> memref<32x128xf32, #tpu.memory_space<vmem>>
      %dma_wait3A_372 = arith.constant 0 : i32
      %dma_wait3A_373 = arith.constant 0 : i32
      %dma_wait3A_374 = tpu.memref_slice %arg4[%dma_wait3A_372, %dma_wait3A_373] : memref<32x1000000xf32, #tpu.memory_space<hbm>> -> memref<32x128xf32, #tpu.memory_space<hbm>>
      tpu.wait_dma2 semaphore(%arg13 : memref<!tpu.dma_semaphore, #tpu.memory_space<semaphore_mem>>) src(%dma_wait3A_374 : memref<32x128xf32, #tpu.memory_space<hbm>>) dst(%dma_wait3A_371 : memref<32x128xf32, #tpu.memory_space<vmem>>)
      %dma_wait3A_375 = arith.constant 1 : i32
      %dma_wait3A_376 = arith.constant 0 : i32
      %dma_wait3A_377 = arith.constant 0 : i32
      %dma_wait3A_378 = tpu.memref_slice %arg10[%dma_wait3A_375, %dma_wait3A_376, %dma_wait3A_377] : memref<8x32x128xf32, #tpu.memory_space<vmem>> -> memref<1x32x128xf32, #tpu.memory_space<vmem>>
      %dma_wait3A_379 = tpu.memref_squeeze %dma_wait3A_378 : memref<1x32x128xf32, #tpu.memory_space<vmem>> -> memref<32x128xf32, #tpu.memory_space<vmem>>
      %dma_wait3A_380 = arith.constant 0 : i32
      %dma_wait3A_381 = arith.constant 0 : i32
      %dma_wait3A_382 = tpu.memref_slice %arg5[%dma_wait3A_380, %dma_wait3A_381] : memref<32x1000000xf32, #tpu.memory_space<hbm>> -> memref<32x128xf32, #tpu.memory_space<hbm>>
      %dma_wait3A_383 = arith.constant 0 : i32
      %dma_wait3A_384 = arith.constant 0 : i32
      %dma_wait3A_385 = tpu.memref_slice %arg10[%dma_wait3A_375, %dma_wait3A_383, %dma_wait3A_384] : memref<8x32x128xf32, #tpu.memory_space<vmem>> -> memref<1x32x128xf32, #tpu.memory_space<vmem>>
      %dma_wait3A_386 = tpu.memref_squeeze %dma_wait3A_385 : memref<1x32x128xf32, #tpu.memory_space<vmem>> -> memref<32x128xf32, #tpu.memory_space<vmem>>
      %dma_wait3A_387 = arith.constant 0 : i32
      %dma_wait3A_388 = arith.constant 0 : i32
      %dma_wait3A_389 = tpu.memref_slice %arg5[%dma_wait3A_387, %dma_wait3A_388] : memref<32x1000000xf32, #tpu.memory_space<hbm>> -> memref<32x128xf32, #tpu.memory_space<hbm>>
      tpu.wait_dma2 semaphore(%arg14 : memref<!tpu.dma_semaphore, #tpu.memory_space<semaphore_mem>>) src(%dma_wait3A_389 : memref<32x128xf32, #tpu.memory_space<hbm>>) dst(%dma_wait3A_386 : memref<32x128xf32, #tpu.memory_space<vmem>>)
      %dma_wait3A_390 = arith.constant 2 : i32
      %dma_wait3A_391 = arith.constant 0 : i32
      %dma_wait3A_392 = arith.constant 0 : i32
      %dma_wait3A_393 = tpu.memref_slice %arg9[%dma_wait3A_390, %dma_wait3A_391, %dma_wait3A_392] : memref<8x32x128xf32, #tpu.memory_space<vmem>> -> memref<1x32x128xf32, #tpu.memory_space<vmem>>
      %dma_wait3A_394 = tpu.memref_squeeze %dma_wait3A_393 : memref<1x32x128xf32, #tpu.memory_space<vmem>> -> memref<32x128xf32, #tpu.memory_space<vmem>>
      %dma_wait3A_395 = arith.constant 0 : i32
      %dma_wait3A_396 = arith.constant 0 : i32
      %dma_wait3A_397 = tpu.memref_slice %arg4[%dma_wait3A_395, %dma_wait3A_396] : memref<32x1000000xf32, #tpu.memory_space<hbm>> -> memref<32x128xf32, #tpu.memory_space<hbm>>
      %dma_wait3A_398 = arith.constant 0 : i32
      %dma_wait3A_399 = arith.constant 0 : i32
      %dma_wait3A_400 = tpu.memref_slice %arg9[%dma_wait3A_390, %dma_wait3A_398, %dma_wait3A_399] : memref<8x32x128xf32, #tpu.memory_space<vmem>> -> memref<1x32x128xf32, #tpu.memory_space<vmem>>
      %dma_wait3A_401 = tpu.memref_squeeze %dma_wait3A_400 : memref<1x32x128xf32, #tpu.memory_space<vmem>> -> memref<32x128xf32, #tpu.memory_space<vmem>>
      %dma_wait3A_402 = arith.constant 0 : i32
      %dma_wait3A_403 = arith.constant 0 : i32
      %dma_wait3A_404 = tpu.memref_slice %arg4[%dma_wait3A_402, %dma_wait3A_403] : memref<32x1000000xf32, #tpu.memory_space<hbm>> -> memref<32x128xf32, #tpu.memory_space<hbm>>
      tpu.wait_dma2 semaphore(%arg13 : memref<!tpu.dma_semaphore, #tpu.memory_space<semaphore_mem>>) src(%dma_wait3A_404 : memref<32x128xf32, #tpu.memory_space<hbm>>) dst(%dma_wait3A_401 : memref<32x128xf32, #tpu.memory_space<vmem>>)
      %dma_wait3A_405 = arith.constant 2 : i32
      %dma_wait3A_406 = arith.constant 0 : i32
      %dma_wait3A_407 = arith.constant 0 : i32
      %dma_wait3A_408 = tpu.memref_slice %arg10[%dma_wait3A_405, %dma_wait3A_406, %dma_wait3A_407] : memref<8x32x128xf32, #tpu.memory_space<vmem>> -> memref<1x32x128xf32, #tpu.memory_space<vmem>>
      %dma_wait3A_409 = tpu.memref_squeeze %dma_wait3A_408 : memref<1x32x128xf32, #tpu.memory_space<vmem>> -> memref<32x128xf32, #tpu.memory_space<vmem>>
      %dma_wait3A_410 = arith.constant 0 : i32
      %dma_wait3A_411 = arith.constant 0 : i32
      %dma_wait3A_412 = tpu.memref_slice %arg5[%dma_wait3A_410, %dma_wait3A_411] : memref<32x1000000xf32, #tpu.memory_space<hbm>> -> memref<32x128xf32, #tpu.memory_space<hbm>>
      %dma_wait3A_413 = arith.constant 0 : i32
      %dma_wait3A_414 = arith.constant 0 : i32
      %dma_wait3A_415 = tpu.memref_slice %arg10[%dma_wait3A_405, %dma_wait3A_413, %dma_wait3A_414] : memref<8x32x128xf32, #tpu.memory_space<vmem>> -> memref<1x32x128xf32, #tpu.memory_space<vmem>>
      %dma_wait3A_416 = tpu.memref_squeeze %dma_wait3A_415 : memref<1x32x128xf32, #tpu.memory_space<vmem>> -> memref<32x128xf32, #tpu.memory_space<vmem>>
      %dma_wait3A_417 = arith.constant 0 : i32
      %dma_wait3A_418 = arith.constant 0 : i32
      %dma_wait3A_419 = tpu.memref_slice %arg5[%dma_wait3A_417, %dma_wait3A_418] : memref<32x1000000xf32, #tpu.memory_space<hbm>> -> memref<32x128xf32, #tpu.memory_space<hbm>>
      tpu.wait_dma2 semaphore(%arg14 : memref<!tpu.dma_semaphore, #tpu.memory_space<semaphore_mem>>) src(%dma_wait3A_419 : memref<32x128xf32, #tpu.memory_space<hbm>>) dst(%dma_wait3A_416 : memref<32x128xf32, #tpu.memory_space<vmem>>)
      %dma_wait3A_420 = arith.constant 3 : i32
      %dma_wait3A_421 = arith.constant 0 : i32
      %dma_wait3A_422 = arith.constant 0 : i32
      %dma_wait3A_423 = tpu.memref_slice %arg9[%dma_wait3A_420, %dma_wait3A_421, %dma_wait3A_422] : memref<8x32x128xf32, #tpu.memory_space<vmem>> -> memref<1x32x128xf32, #tpu.memory_space<vmem>>
      %dma_wait3A_424 = tpu.memref_squeeze %dma_wait3A_423 : memref<1x32x128xf32, #tpu.memory_space<vmem>> -> memref<32x128xf32, #tpu.memory_space<vmem>>
      %dma_wait3A_425 = arith.constant 0 : i32
      %dma_wait3A_426 = arith.constant 0 : i32
      %dma_wait3A_427 = tpu.memref_slice %arg4[%dma_wait3A_425, %dma_wait3A_426] : memref<32x1000000xf32, #tpu.memory_space<hbm>> -> memref<32x128xf32, #tpu.memory_space<hbm>>
      %dma_wait3A_428 = arith.constant 0 : i32
      %dma_wait3A_429 = arith.constant 0 : i32
      %dma_wait3A_430 = tpu.memref_slice %arg9[%dma_wait3A_420, %dma_wait3A_428, %dma_wait3A_429] : memref<8x32x128xf32, #tpu.memory_space<vmem>> -> memref<1x32x128xf32, #tpu.memory_space<vmem>>
      %dma_wait3A_431 = tpu.memref_squeeze %dma_wait3A_430 : memref<1x32x128xf32, #tpu.memory_space<vmem>> -> memref<32x128xf32, #tpu.memory_space<vmem>>
      %dma_wait3A_432 = arith.constant 0 : i32
      %dma_wait3A_433 = arith.constant 0 : i32
      %dma_wait3A_434 = tpu.memref_slice %arg4[%dma_wait3A_432, %dma_wait3A_433] : memref<32x1000000xf32, #tpu.memory_space<hbm>> -> memref<32x128xf32, #tpu.memory_space<hbm>>
      tpu.wait_dma2 semaphore(%arg13 : memref<!tpu.dma_semaphore, #tpu.memory_space<semaphore_mem>>) src(%dma_wait3A_434 : memref<32x128xf32, #tpu.memory_space<hbm>>) dst(%dma_wait3A_431 : memref<32x128xf32, #tpu.memory_space<vmem>>)
      %dma_wait3A_435 = arith.constant 3 : i32
      %dma_wait3A_436 = arith.constant 0 : i32
      %dma_wait3A_437 = arith.constant 0 : i32
      %dma_wait3A_438 = tpu.memref_slice %arg10[%dma_wait3A_435, %dma_wait3A_436, %dma_wait3A_437] : memref<8x32x128xf32, #tpu.memory_space<vmem>> -> memref<1x32x128xf32, #tpu.memory_space<vmem>>
      %dma_wait3A_439 = tpu.memref_squeeze %dma_wait3A_438 : memref<1x32x128xf32, #tpu.memory_space<vmem>> -> memref<32x128xf32, #tpu.memory_space<vmem>>
      %dma_wait3A_440 = arith.constant 0 : i32
      %dma_wait3A_441 = arith.constant 0 : i32
      %dma_wait3A_442 = tpu.memref_slice %arg5[%dma_wait3A_440, %dma_wait3A_441] : memref<32x1000000xf32, #tpu.memory_space<hbm>> -> memref<32x128xf32, #tpu.memory_space<hbm>>
      %dma_wait3A_443 = arith.constant 0 : i32
      %dma_wait3A_444 = arith.constant 0 : i32
      %dma_wait3A_445 = tpu.memref_slice %arg10[%dma_wait3A_435, %dma_wait3A_443, %dma_wait3A_444] : memref<8x32x128xf32, #tpu.memory_space<vmem>> -> memref<1x32x128xf32, #tpu.memory_space<vmem>>
      %dma_wait3A_446 = tpu.memref_squeeze %dma_wait3A_445 : memref<1x32x128xf32, #tpu.memory_space<vmem>> -> memref<32x128xf32, #tpu.memory_space<vmem>>
      %dma_wait3A_447 = arith.constant 0 : i32
      %dma_wait3A_448 = arith.constant 0 : i32
      %dma_wait3A_449 = tpu.memref_slice %arg5[%dma_wait3A_447, %dma_wait3A_448] : memref<32x1000000xf32, #tpu.memory_space<hbm>> -> memref<32x128xf32, #tpu.memory_space<hbm>>
      tpu.wait_dma2 semaphore(%arg14 : memref<!tpu.dma_semaphore, #tpu.memory_space<semaphore_mem>>) src(%dma_wait3A_449 : memref<32x128xf32, #tpu.memory_space<hbm>>) dst(%dma_wait3A_446 : memref<32x128xf32, #tpu.memory_space<vmem>>)
      %dma_wait3A_450 = arith.constant 4 : i32
      %dma_wait3A_451 = arith.constant 0 : i32
      %dma_wait3A_452 = arith.constant 0 : i32
      %dma_wait3A_453 = tpu.memref_slice %arg9[%dma_wait3A_450, %dma_wait3A_451, %dma_wait3A_452] : memref<8x32x128xf32, #tpu.memory_space<vmem>> -> memref<1x32x128xf32, #tpu.memory_space<vmem>>
      %dma_wait3A_454 = tpu.memref_squeeze %dma_wait3A_453 : memref<1x32x128xf32, #tpu.memory_space<vmem>> -> memref<32x128xf32, #tpu.memory_space<vmem>>
      %dma_wait3A_455 = arith.constant 0 : i32
      %dma_wait3A_456 = arith.constant 0 : i32
      %dma_wait3A_457 = tpu.memref_slice %arg4[%dma_wait3A_455, %dma_wait3A_456] : memref<32x1000000xf32, #tpu.memory_space<hbm>> -> memref<32x128xf32, #tpu.memory_space<hbm>>
      %dma_wait3A_458 = arith.constant 0 : i32
      %dma_wait3A_459 = arith.constant 0 : i32
      %dma_wait3A_460 = tpu.memref_slice %arg9[%dma_wait3A_450, %dma_wait3A_458, %dma_wait3A_459] : memref<8x32x128xf32, #tpu.memory_space<vmem>> -> memref<1x32x128xf32, #tpu.memory_space<vmem>>
      %dma_wait3A_461 = tpu.memref_squeeze %dma_wait3A_460 : memref<1x32x128xf32, #tpu.memory_space<vmem>> -> memref<32x128xf32, #tpu.memory_space<vmem>>
      %dma_wait3A_462 = arith.constant 0 : i32
      %dma_wait3A_463 = arith.constant 0 : i32
      %dma_wait3A_464 = tpu.memref_slice %arg4[%dma_wait3A_462, %dma_wait3A_463] : memref<32x1000000xf32, #tpu.memory_space<hbm>> -> memref<32x128xf32, #tpu.memory_space<hbm>>
      tpu.wait_dma2 semaphore(%arg13 : memref<!tpu.dma_semaphore, #tpu.memory_space<semaphore_mem>>) src(%dma_wait3A_464 : memref<32x128xf32, #tpu.memory_space<hbm>>) dst(%dma_wait3A_461 : memref<32x128xf32, #tpu.memory_space<vmem>>)
      %dma_wait3A_465 = arith.constant 4 : i32
      %dma_wait3A_466 = arith.constant 0 : i32
      %dma_wait3A_467 = arith.constant 0 : i32
      %dma_wait3A_468 = tpu.memref_slice %arg10[%dma_wait3A_465, %dma_wait3A_466, %dma_wait3A_467] : memref<8x32x128xf32, #tpu.memory_space<vmem>> -> memref<1x32x128xf32, #tpu.memory_space<vmem>>
      %dma_wait3A_469 = tpu.memref_squeeze %dma_wait3A_468 : memref<1x32x128xf32, #tpu.memory_space<vmem>> -> memref<32x128xf32, #tpu.memory_space<vmem>>
      %dma_wait3A_470 = arith.constant 0 : i32
      %dma_wait3A_471 = arith.constant 0 : i32
      %dma_wait3A_472 = tpu.memref_slice %arg5[%dma_wait3A_470, %dma_wait3A_471] : memref<32x1000000xf32, #tpu.memory_space<hbm>> -> memref<32x128xf32, #tpu.memory_space<hbm>>
      %dma_wait3A_473 = arith.constant 0 : i32
      %dma_wait3A_474 = arith.constant 0 : i32
      %dma_wait3A_475 = tpu.memref_slice %arg10[%dma_wait3A_465, %dma_wait3A_473, %dma_wait3A_474] : memref<8x32x128xf32, #tpu.memory_space<vmem>> -> memref<1x32x128xf32, #tpu.memory_space<vmem>>
      %dma_wait3A_476 = tpu.memref_squeeze %dma_wait3A_475 : memref<1x32x128xf32, #tpu.memory_space<vmem>> -> memref<32x128xf32, #tpu.memory_space<vmem>>
      %dma_wait3A_477 = arith.constant 0 : i32
      %dma_wait3A_478 = arith.constant 0 : i32
      %dma_wait3A_479 = tpu.memref_slice %arg5[%dma_wait3A_477, %dma_wait3A_478] : memref<32x1000000xf32, #tpu.memory_space<hbm>> -> memref<32x128xf32, #tpu.memory_space<hbm>>
      tpu.wait_dma2 semaphore(%arg14 : memref<!tpu.dma_semaphore, #tpu.memory_space<semaphore_mem>>) src(%dma_wait3A_479 : memref<32x128xf32, #tpu.memory_space<hbm>>) dst(%dma_wait3A_476 : memref<32x128xf32, #tpu.memory_space<vmem>>)
      %dma_wait3A_480 = arith.constant 5 : i32
      %dma_wait3A_481 = arith.constant 0 : i32
      %dma_wait3A_482 = arith.constant 0 : i32
      %dma_wait3A_483 = tpu.memref_slice %arg9[%dma_wait3A_480, %dma_wait3A_481, %dma_wait3A_482] : memref<8x32x128xf32, #tpu.memory_space<vmem>> -> memref<1x32x128xf32, #tpu.memory_space<vmem>>
      %dma_wait3A_484 = tpu.memref_squeeze %dma_wait3A_483 : memref<1x32x128xf32, #tpu.memory_space<vmem>> -> memref<32x128xf32, #tpu.memory_space<vmem>>
      %dma_wait3A_485 = arith.constant 0 : i32
      %dma_wait3A_486 = arith.constant 0 : i32
      %dma_wait3A_487 = tpu.memref_slice %arg4[%dma_wait3A_485, %dma_wait3A_486] : memref<32x1000000xf32, #tpu.memory_space<hbm>> -> memref<32x128xf32, #tpu.memory_space<hbm>>
      %dma_wait3A_488 = arith.constant 0 : i32
      %dma_wait3A_489 = arith.constant 0 : i32
      %dma_wait3A_490 = tpu.memref_slice %arg9[%dma_wait3A_480, %dma_wait3A_488, %dma_wait3A_489] : memref<8x32x128xf32, #tpu.memory_space<vmem>> -> memref<1x32x128xf32, #tpu.memory_space<vmem>>
      %dma_wait3A_491 = tpu.memref_squeeze %dma_wait3A_490 : memref<1x32x128xf32, #tpu.memory_space<vmem>> -> memref<32x128xf32, #tpu.memory_space<vmem>>
      %dma_wait3A_492 = arith.constant 0 : i32
      %dma_wait3A_493 = arith.constant 0 : i32
      %dma_wait3A_494 = tpu.memref_slice %arg4[%dma_wait3A_492, %dma_wait3A_493] : memref<32x1000000xf32, #tpu.memory_space<hbm>> -> memref<32x128xf32, #tpu.memory_space<hbm>>
      tpu.wait_dma2 semaphore(%arg13 : memref<!tpu.dma_semaphore, #tpu.memory_space<semaphore_mem>>) src(%dma_wait3A_494 : memref<32x128xf32, #tpu.memory_space<hbm>>) dst(%dma_wait3A_491 : memref<32x128xf32, #tpu.memory_space<vmem>>)
      %dma_wait3A_495 = arith.constant 5 : i32
      %dma_wait3A_496 = arith.constant 0 : i32
      %dma_wait3A_497 = arith.constant 0 : i32
      %dma_wait3A_498 = tpu.memref_slice %arg10[%dma_wait3A_495, %dma_wait3A_496, %dma_wait3A_497] : memref<8x32x128xf32, #tpu.memory_space<vmem>> -> memref<1x32x128xf32, #tpu.memory_space<vmem>>
      %dma_wait3A_499 = tpu.memref_squeeze %dma_wait3A_498 : memref<1x32x128xf32, #tpu.memory_space<vmem>> -> memref<32x128xf32, #tpu.memory_space<vmem>>
      %dma_wait3A_500 = arith.constant 0 : i32
      %dma_wait3A_501 = arith.constant 0 : i32
      %dma_wait3A_502 = tpu.memref_slice %arg5[%dma_wait3A_500, %dma_wait3A_501] : memref<32x1000000xf32, #tpu.memory_space<hbm>> -> memref<32x128xf32, #tpu.memory_space<hbm>>
      %dma_wait3A_503 = arith.constant 0 : i32
      %dma_wait3A_504 = arith.constant 0 : i32
      %dma_wait3A_505 = tpu.memref_slice %arg10[%dma_wait3A_495, %dma_wait3A_503, %dma_wait3A_504] : memref<8x32x128xf32, #tpu.memory_space<vmem>> -> memref<1x32x128xf32, #tpu.memory_space<vmem>>
      %dma_wait3A_506 = tpu.memref_squeeze %dma_wait3A_505 : memref<1x32x128xf32, #tpu.memory_space<vmem>> -> memref<32x128xf32, #tpu.memory_space<vmem>>
      %dma_wait3A_507 = arith.constant 0 : i32
      %dma_wait3A_508 = arith.constant 0 : i32
      %dma_wait3A_509 = tpu.memref_slice %arg5[%dma_wait3A_507, %dma_wait3A_508] : memref<32x1000000xf32, #tpu.memory_space<hbm>> -> memref<32x128xf32, #tpu.memory_space<hbm>>
      tpu.wait_dma2 semaphore(%arg14 : memref<!tpu.dma_semaphore, #tpu.memory_space<semaphore_mem>>) src(%dma_wait3A_509 : memref<32x128xf32, #tpu.memory_space<hbm>>) dst(%dma_wait3A_506 : memref<32x128xf32, #tpu.memory_space<vmem>>)
      %dma_wait3A_510 = arith.constant 6 : i32
      %dma_wait3A_511 = arith.constant 0 : i32
      %dma_wait3A_512 = arith.constant 0 : i32
      %dma_wait3A_513 = tpu.memref_slice %arg9[%dma_wait3A_510, %dma_wait3A_511, %dma_wait3A_512] : memref<8x32x128xf32, #tpu.memory_space<vmem>> -> memref<1x32x128xf32, #tpu.memory_space<vmem>>
      %dma_wait3A_514 = tpu.memref_squeeze %dma_wait3A_513 : memref<1x32x128xf32, #tpu.memory_space<vmem>> -> memref<32x128xf32, #tpu.memory_space<vmem>>
      %dma_wait3A_515 = arith.constant 0 : i32
      %dma_wait3A_516 = arith.constant 0 : i32
      %dma_wait3A_517 = tpu.memref_slice %arg4[%dma_wait3A_515, %dma_wait3A_516] : memref<32x1000000xf32, #tpu.memory_space<hbm>> -> memref<32x128xf32, #tpu.memory_space<hbm>>
      %dma_wait3A_518 = arith.constant 0 : i32
      %dma_wait3A_519 = arith.constant 0 : i32
      %dma_wait3A_520 = tpu.memref_slice %arg9[%dma_wait3A_510, %dma_wait3A_518, %dma_wait3A_519] : memref<8x32x128xf32, #tpu.memory_space<vmem>> -> memref<1x32x128xf32, #tpu.memory_space<vmem>>
      %dma_wait3A_521 = tpu.memref_squeeze %dma_wait3A_520 : memref<1x32x128xf32, #tpu.memory_space<vmem>> -> memref<32x128xf32, #tpu.memory_space<vmem>>
      %dma_wait3A_522 = arith.constant 0 : i32
      %dma_wait3A_523 = arith.constant 0 : i32
      %dma_wait3A_524 = tpu.memref_slice %arg4[%dma_wait3A_522, %dma_wait3A_523] : memref<32x1000000xf32, #tpu.memory_space<hbm>> -> memref<32x128xf32, #tpu.memory_space<hbm>>
      tpu.wait_dma2 semaphore(%arg13 : memref<!tpu.dma_semaphore, #tpu.memory_space<semaphore_mem>>) src(%dma_wait3A_524 : memref<32x128xf32, #tpu.memory_space<hbm>>) dst(%dma_wait3A_521 : memref<32x128xf32, #tpu.memory_space<vmem>>)
      %dma_wait3A_525 = arith.constant 6 : i32
      %dma_wait3A_526 = arith.constant 0 : i32
      %dma_wait3A_527 = arith.constant 0 : i32
      %dma_wait3A_528 = tpu.memref_slice %arg10[%dma_wait3A_525, %dma_wait3A_526, %dma_wait3A_527] : memref<8x32x128xf32, #tpu.memory_space<vmem>> -> memref<1x32x128xf32, #tpu.memory_space<vmem>>
      %dma_wait3A_529 = tpu.memref_squeeze %dma_wait3A_528 : memref<1x32x128xf32, #tpu.memory_space<vmem>> -> memref<32x128xf32, #tpu.memory_space<vmem>>
      %dma_wait3A_530 = arith.constant 0 : i32
      %dma_wait3A_531 = arith.constant 0 : i32
      %dma_wait3A_532 = tpu.memref_slice %arg5[%dma_wait3A_530, %dma_wait3A_531] : memref<32x1000000xf32, #tpu.memory_space<hbm>> -> memref<32x128xf32, #tpu.memory_space<hbm>>
      %dma_wait3A_533 = arith.constant 0 : i32
      %dma_wait3A_534 = arith.constant 0 : i32
      %dma_wait3A_535 = tpu.memref_slice %arg10[%dma_wait3A_525, %dma_wait3A_533, %dma_wait3A_534] : memref<8x32x128xf32, #tpu.memory_space<vmem>> -> memref<1x32x128xf32, #tpu.memory_space<vmem>>
      %dma_wait3A_536 = tpu.memref_squeeze %dma_wait3A_535 : memref<1x32x128xf32, #tpu.memory_space<vmem>> -> memref<32x128xf32, #tpu.memory_space<vmem>>
      %dma_wait3A_537 = arith.constant 0 : i32
      %dma_wait3A_538 = arith.constant 0 : i32
      %dma_wait3A_539 = tpu.memref_slice %arg5[%dma_wait3A_537, %dma_wait3A_538] : memref<32x1000000xf32, #tpu.memory_space<hbm>> -> memref<32x128xf32, #tpu.memory_space<hbm>>
      tpu.wait_dma2 semaphore(%arg14 : memref<!tpu.dma_semaphore, #tpu.memory_space<semaphore_mem>>) src(%dma_wait3A_539 : memref<32x128xf32, #tpu.memory_space<hbm>>) dst(%dma_wait3A_536 : memref<32x128xf32, #tpu.memory_space<vmem>>)
      %dma_wait3A_540 = arith.constant 7 : i32
      %dma_wait3A_541 = arith.constant 0 : i32
      %dma_wait3A_542 = arith.constant 0 : i32
      %dma_wait3A_543 = tpu.memref_slice %arg9[%dma_wait3A_540, %dma_wait3A_541, %dma_wait3A_542] : memref<8x32x128xf32, #tpu.memory_space<vmem>> -> memref<1x32x128xf32, #tpu.memory_space<vmem>>
      %dma_wait3A_544 = tpu.memref_squeeze %dma_wait3A_543 : memref<1x32x128xf32, #tpu.memory_space<vmem>> -> memref<32x128xf32, #tpu.memory_space<vmem>>
      %dma_wait3A_545 = arith.constant 0 : i32
      %dma_wait3A_546 = arith.constant 0 : i32
      %dma_wait3A_547 = tpu.memref_slice %arg4[%dma_wait3A_545, %dma_wait3A_546] : memref<32x1000000xf32, #tpu.memory_space<hbm>> -> memref<32x128xf32, #tpu.memory_space<hbm>>
      %dma_wait3A_548 = arith.constant 0 : i32
      %dma_wait3A_549 = arith.constant 0 : i32
      %dma_wait3A_550 = tpu.memref_slice %arg9[%dma_wait3A_540, %dma_wait3A_548, %dma_wait3A_549] : memref<8x32x128xf32, #tpu.memory_space<vmem>> -> memref<1x32x128xf32, #tpu.memory_space<vmem>>
      %dma_wait3A_551 = tpu.memref_squeeze %dma_wait3A_550 : memref<1x32x128xf32, #tpu.memory_space<vmem>> -> memref<32x128xf32, #tpu.memory_space<vmem>>
      %dma_wait3A_552 = arith.constant 0 : i32
      %dma_wait3A_553 = arith.constant 0 : i32
      %dma_wait3A_554 = tpu.memref_slice %arg4[%dma_wait3A_552, %dma_wait3A_553] : memref<32x1000000xf32, #tpu.memory_space<hbm>> -> memref<32x128xf32, #tpu.memory_space<hbm>>
      tpu.wait_dma2 semaphore(%arg13 : memref<!tpu.dma_semaphore, #tpu.memory_space<semaphore_mem>>) src(%dma_wait3A_554 : memref<32x128xf32, #tpu.memory_space<hbm>>) dst(%dma_wait3A_551 : memref<32x128xf32, #tpu.memory_space<vmem>>)
      %dma_wait3A_555 = arith.constant 7 : i32
      %dma_wait3A_556 = arith.constant 0 : i32
      %dma_wait3A_557 = arith.constant 0 : i32
      %dma_wait3A_558 = tpu.memref_slice %arg10[%dma_wait3A_555, %dma_wait3A_556, %dma_wait3A_557] : memref<8x32x128xf32, #tpu.memory_space<vmem>> -> memref<1x32x128xf32, #tpu.memory_space<vmem>>
      %dma_wait3A_559 = tpu.memref_squeeze %dma_wait3A_558 : memref<1x32x128xf32, #tpu.memory_space<vmem>> -> memref<32x128xf32, #tpu.memory_space<vmem>>
      %dma_wait3A_560 = arith.constant 0 : i32
      %dma_wait3A_561 = arith.constant 0 : i32
      %dma_wait3A_562 = tpu.memref_slice %arg5[%dma_wait3A_560, %dma_wait3A_561] : memref<32x1000000xf32, #tpu.memory_space<hbm>> -> memref<32x128xf32, #tpu.memory_space<hbm>>
      %dma_wait3A_563 = arith.constant 0 : i32
      %dma_wait3A_564 = arith.constant 0 : i32
      %dma_wait3A_565 = tpu.memref_slice %arg10[%dma_wait3A_555, %dma_wait3A_563, %dma_wait3A_564] : memref<8x32x128xf32, #tpu.memory_space<vmem>> -> memref<1x32x128xf32, #tpu.memory_space<vmem>>
      %dma_wait3A_566 = tpu.memref_squeeze %dma_wait3A_565 : memref<1x32x128xf32, #tpu.memory_space<vmem>> -> memref<32x128xf32, #tpu.memory_space<vmem>>
      %dma_wait3A_567 = arith.constant 0 : i32
      %dma_wait3A_568 = arith.constant 0 : i32
      %dma_wait3A_569 = tpu.memref_slice %arg5[%dma_wait3A_567, %dma_wait3A_568] : memref<32x1000000xf32, #tpu.memory_space<hbm>> -> memref<32x128xf32, #tpu.memory_space<hbm>>
      tpu.wait_dma2 semaphore(%arg14 : memref<!tpu.dma_semaphore, #tpu.memory_space<semaphore_mem>>) src(%dma_wait3A_569 : memref<32x128xf32, #tpu.memory_space<hbm>>) dst(%dma_wait3A_566 : memref<32x128xf32, #tpu.memory_space<vmem>>)
      %broadcast_in_dim3A = arith.constant 0 : i32
      %broadcast_in_dim3A_570 = vector.broadcast %broadcast_in_dim3A : i32 to vector<16xi32>
      %slice3A_571 = vector.extract_strided_slice %get3A_11 {offsets = [0], sizes = [1], strides = [1]} : vector<16xi32> to vector<1xi32>
      %squeeze3A_572 = vector.extract %slice3A_571[0] : i32 from vector<1xi32>
      %and3A = arith.constant 127 : i32
      %and3A_573 = arith.andi %squeeze3A_572, %and3A : i32
      %add3A_574 = vector.broadcast %and3A_573 : i32 to vector<16xi32>
      %add3A_575 = arith.addi %broadcast_in_dim3A_570, %add3A_574 : vector<16xi32>
      %broadcast_in_dim3A_576 = arith.constant 0 : i32
      %broadcast_in_dim3A_577 = vector.broadcast %broadcast_in_dim3A_576 : i32 to vector<16xi32>
      %slice3A_578 = vector.extract_strided_slice %get3A_15 {offsets = [0], sizes = [1], strides = [1]} : vector<16xi32> to vector<1xi32>
      %squeeze3A_579 = vector.extract %slice3A_578[0] : i32 from vector<1xi32>
      %and3A_580 = arith.constant 127 : i32
      %and3A_581 = arith.andi %squeeze3A_579, %and3A_580 : i32
      %add3A_582 = vector.broadcast %and3A_581 : i32 to vector<16xi32>
      %add3A_583 = arith.addi %broadcast_in_dim3A_577, %add3A_582 : vector<16xi32>
      %broadcast_in_dim3A_584 = arith.constant 0 : i32
      %broadcast_in_dim3A_585 = vector.broadcast %broadcast_in_dim3A_584 : i32 to vector<16xi32>
      %gather3A = tpu.vector_load_idx %arg9[%broadcast_in_dim3A_585, %iota3A, %add3A_575] : memref<8x32x128xf32, #tpu.memory_space<vmem>>[vector<16xi32>, vector<16xi32>, vector<16xi32>], vector<16xf32>,
      %add3A_586 = arith.constant 16 : i32
      %add3A_587 = vector.broadcast %add3A_586 : i32 to vector<16xi32>
      %add3A_588 = arith.addi %iota3A, %add3A_587 : vector<16xi32>
      %gather3A_589 = tpu.vector_load_idx %arg9[%broadcast_in_dim3A_585, %add3A_588, %add3A_575] : memref<8x32x128xf32, #tpu.memory_space<vmem>>[vector<16xi32>, vector<16xi32>, vector<16xi32>], vector<16xf32>,
      %gather3A_590 = tpu.vector_load_idx %arg10[%broadcast_in_dim3A_585, %iota3A, %add3A_583] : memref<8x32x128xf32, #tpu.memory_space<vmem>>[vector<16xi32>, vector<16xi32>, vector<16xi32>], vector<16xf32>,
      %add3A_591 = arith.constant 16 : i32
      %add3A_592 = vector.broadcast %add3A_591 : i32 to vector<16xi32>
      %add3A_593 = arith.addi %iota3A, %add3A_592 : vector<16xi32>
      %gather3A_594 = tpu.vector_load_idx %arg10[%broadcast_in_dim3A_585, %add3A_593, %add3A_583] : memref<8x32x128xf32, #tpu.memory_space<vmem>>[vector<16xi32>, vector<16xi32>, vector<16xi32>], vector<16xf32>,
      %mul3A_595 = arith.mulf %gather3A, %gather3A_590 : vector<16xf32>
      %mul3A_596 = arith.mulf %gather3A_589, %gather3A_594 : vector<16xf32>
      %add3A_597 = arith.addf %mul3A_595, %mul3A_596 : vector<16xf32>
      %mul3A_598 = arith.constant 17 : i32
      %mul3A_599 = vector.broadcast %mul3A_598 : i32 to vector<16xi32>
      %mul3A_600 = arith.muli %iota3A, %mul3A_599 : vector<16xi32>
      %add3A_601 = arith.constant 0 : i32
      %add3A_602 = vector.broadcast %add3A_601 : i32 to vector<16xi32>
      %add3A_603 = arith.addi %mul3A_600, %add3A_602 : vector<16xi32>
      tpu.vector_store_idx %arg12[%add3A_603], %add3A_597 : memref<272xf32, #tpu.memory_space<vmem>>[vector<16xi32>], vector<16xf32>,
      %broadcast_in_dim3A_604 = arith.constant 0 : i32
      %broadcast_in_dim3A_605 = vector.broadcast %broadcast_in_dim3A_604 : i32 to vector<16xi32>
      %slice3A_606 = vector.extract_strided_slice %get3A_11 {offsets = [1], sizes = [1], strides = [1]} : vector<16xi32> to vector<1xi32>
      %squeeze3A_607 = vector.extract %slice3A_606[0] : i32 from vector<1xi32>
      %and3A_608 = arith.constant 127 : i32
      %and3A_609 = arith.andi %squeeze3A_607, %and3A_608 : i32
      %add3A_610 = vector.broadcast %and3A_609 : i32 to vector<16xi32>
      %add3A_611 = arith.addi %broadcast_in_dim3A_605, %add3A_610 : vector<16xi32>
      %broadcast_in_dim3A_612 = arith.constant 0 : i32
      %broadcast_in_dim3A_613 = vector.broadcast %broadcast_in_dim3A_612 : i32 to vector<16xi32>
      %slice3A_614 = vector.extract_strided_slice %get3A_15 {offsets = [1], sizes = [1], strides = [1]} : vector<16xi32> to vector<1xi32>
      %squeeze3A_615 = vector.extract %slice3A_614[0] : i32 from vector<1xi32>
      %and3A_616 = arith.constant 127 : i32
      %and3A_617 = arith.andi %squeeze3A_615, %and3A_616 : i32
      %add3A_618 = vector.broadcast %and3A_617 : i32 to vector<16xi32>
      %add3A_619 = arith.addi %broadcast_in_dim3A_613, %add3A_618 : vector<16xi32>
      %broadcast_in_dim3A_620 = arith.constant 1 : i32
      %broadcast_in_dim3A_621 = vector.broadcast %broadcast_in_dim3A_620 : i32 to vector<16xi32>
      %gather3A_622 = tpu.vector_load_idx %arg9[%broadcast_in_dim3A_621, %iota3A, %add3A_611] : memref<8x32x128xf32, #tpu.memory_space<vmem>>[vector<16xi32>, vector<16xi32>, vector<16xi32>], vector<16xf32>,
      %add3A_623 = arith.constant 16 : i32
      %add3A_624 = vector.broadcast %add3A_623 : i32 to vector<16xi32>
      %add3A_625 = arith.addi %iota3A, %add3A_624 : vector<16xi32>
      %gather3A_626 = tpu.vector_load_idx %arg9[%broadcast_in_dim3A_621, %add3A_625, %add3A_611] : memref<8x32x128xf32, #tpu.memory_space<vmem>>[vector<16xi32>, vector<16xi32>, vector<16xi32>], vector<16xf32>,
      %gather3A_627 = tpu.vector_load_idx %arg10[%broadcast_in_dim3A_621, %iota3A, %add3A_619] : memref<8x32x128xf32, #tpu.memory_space<vmem>>[vector<16xi32>, vector<16xi32>, vector<16xi32>], vector<16xf32>,
      %add3A_628 = arith.constant 16 : i32
      %add3A_629 = vector.broadcast %add3A_628 : i32 to vector<16xi32>
      %add3A_630 = arith.addi %iota3A, %add3A_629 : vector<16xi32>
      %gather3A_631 = tpu.vector_load_idx %arg10[%broadcast_in_dim3A_621, %add3A_630, %add3A_619] : memref<8x32x128xf32, #tpu.memory_space<vmem>>[vector<16xi32>, vector<16xi32>, vector<16xi32>], vector<16xf32>,
      %mul3A_632 = arith.mulf %gather3A_622, %gather3A_627 : vector<16xf32>
      %mul3A_633 = arith.mulf %gather3A_626, %gather3A_631 : vector<16xf32>
      %add3A_634 = arith.addf %mul3A_632, %mul3A_633 : vector<16xf32>
      %mul3A_635 = arith.constant 17 : i32
      %mul3A_636 = vector.broadcast %mul3A_635 : i32 to vector<16xi32>
      %mul3A_637 = arith.muli %iota3A, %mul3A_636 : vector<16xi32>
      %add3A_638 = arith.constant 1 : i32
      %add3A_639 = vector.broadcast %add3A_638 : i32 to vector<16xi32>
      %add3A_640 = arith.addi %mul3A_637, %add3A_639 : vector<16xi32>
      tpu.vector_store_idx %arg12[%add3A_640], %add3A_634 : memref<272xf32, #tpu.memory_space<vmem>>[vector<16xi32>], vector<16xf32>,
      %broadcast_in_dim3A_641 = arith.constant 0 : i32
      %broadcast_in_dim3A_642 = vector.broadcast %broadcast_in_dim3A_641 : i32 to vector<16xi32>
      %slice3A_643 = vector.extract_strided_slice %get3A_11 {offsets = [2], sizes = [1], strides = [1]} : vector<16xi32> to vector<1xi32>
      %squeeze3A_644 = vector.extract %slice3A_643[0] : i32 from vector<1xi32>
      %and3A_645 = arith.constant 127 : i32
      %and3A_646 = arith.andi %squeeze3A_644, %and3A_645 : i32
      %add3A_647 = vector.broadcast %and3A_646 : i32 to vector<16xi32>
      %add3A_648 = arith.addi %broadcast_in_dim3A_642, %add3A_647 : vector<16xi32>
      %broadcast_in_dim3A_649 = arith.constant 0 : i32
      %broadcast_in_dim3A_650 = vector.broadcast %broadcast_in_dim3A_649 : i32 to vector<16xi32>
      %slice3A_651 = vector.extract_strided_slice %get3A_15 {offsets = [2], sizes = [1], strides = [1]} : vector<16xi32> to vector<1xi32>
      %squeeze3A_652 = vector.extract %slice3A_651[0] : i32 from vector<1xi32>
      %and3A_653 = arith.constant 127 : i32
      %and3A_654 = arith.andi %squeeze3A_652, %and3A_653 : i32
      %add3A_655 = vector.broadcast %and3A_654 : i32 to vector<16xi32>
      %add3A_656 = arith.addi %broadcast_in_dim3A_650, %add3A_655 : vector<16xi32>
      %broadcast_in_dim3A_657 = arith.constant 2 : i32
      %broadcast_in_dim3A_658 = vector.broadcast %broadcast_in_dim3A_657 : i32 to vector<16xi32>
      %gather3A_659 = tpu.vector_load_idx %arg9[%broadcast_in_dim3A_658, %iota3A, %add3A_648] : memref<8x32x128xf32, #tpu.memory_space<vmem>>[vector<16xi32>, vector<16xi32>, vector<16xi32>], vector<16xf32>,
      %add3A_660 = arith.constant 16 : i32
      %add3A_661 = vector.broadcast %add3A_660 : i32 to vector<16xi32>
      %add3A_662 = arith.addi %iota3A, %add3A_661 : vector<16xi32>
      %gather3A_663 = tpu.vector_load_idx %arg9[%broadcast_in_dim3A_658, %add3A_662, %add3A_648] : memref<8x32x128xf32, #tpu.memory_space<vmem>>[vector<16xi32>, vector<16xi32>, vector<16xi32>], vector<16xf32>,
      %gather3A_664 = tpu.vector_load_idx %arg10[%broadcast_in_dim3A_658, %iota3A, %add3A_656] : memref<8x32x128xf32, #tpu.memory_space<vmem>>[vector<16xi32>, vector<16xi32>, vector<16xi32>], vector<16xf32>,
      %add3A_665 = arith.constant 16 : i32
      %add3A_666 = vector.broadcast %add3A_665 : i32 to vector<16xi32>
      %add3A_667 = arith.addi %iota3A, %add3A_666 : vector<16xi32>
      %gather3A_668 = tpu.vector_load_idx %arg10[%broadcast_in_dim3A_658, %add3A_667, %add3A_656] : memref<8x32x128xf32, #tpu.memory_space<vmem>>[vector<16xi32>, vector<16xi32>, vector<16xi32>], vector<16xf32>,
      %mul3A_669 = arith.mulf %gather3A_659, %gather3A_664 : vector<16xf32>
      %mul3A_670 = arith.mulf %gather3A_663, %gather3A_668 : vector<16xf32>
      %add3A_671 = arith.addf %mul3A_669, %mul3A_670 : vector<16xf32>
      %mul3A_672 = arith.constant 17 : i32
      %mul3A_673 = vector.broadcast %mul3A_672 : i32 to vector<16xi32>
      %mul3A_674 = arith.muli %iota3A, %mul3A_673 : vector<16xi32>
      %add3A_675 = arith.constant 2 : i32
      %add3A_676 = vector.broadcast %add3A_675 : i32 to vector<16xi32>
      %add3A_677 = arith.addi %mul3A_674, %add3A_676 : vector<16xi32>
      tpu.vector_store_idx %arg12[%add3A_677], %add3A_671 : memref<272xf32, #tpu.memory_space<vmem>>[vector<16xi32>], vector<16xf32>,
      %broadcast_in_dim3A_678 = arith.constant 0 : i32
      %broadcast_in_dim3A_679 = vector.broadcast %broadcast_in_dim3A_678 : i32 to vector<16xi32>
      %slice3A_680 = vector.extract_strided_slice %get3A_11 {offsets = [3], sizes = [1], strides = [1]} : vector<16xi32> to vector<1xi32>
      %squeeze3A_681 = vector.extract %slice3A_680[0] : i32 from vector<1xi32>
      %and3A_682 = arith.constant 127 : i32
      %and3A_683 = arith.andi %squeeze3A_681, %and3A_682 : i32
      %add3A_684 = vector.broadcast %and3A_683 : i32 to vector<16xi32>
      %add3A_685 = arith.addi %broadcast_in_dim3A_679, %add3A_684 : vector<16xi32>
      %broadcast_in_dim3A_686 = arith.constant 0 : i32
      %broadcast_in_dim3A_687 = vector.broadcast %broadcast_in_dim3A_686 : i32 to vector<16xi32>
      %slice3A_688 = vector.extract_strided_slice %get3A_15 {offsets = [3], sizes = [1], strides = [1]} : vector<16xi32> to vector<1xi32>
      %squeeze3A_689 = vector.extract %slice3A_688[0] : i32 from vector<1xi32>
      %and3A_690 = arith.constant 127 : i32
      %and3A_691 = arith.andi %squeeze3A_689, %and3A_690 : i32
      %add3A_692 = vector.broadcast %and3A_691 : i32 to vector<16xi32>
      %add3A_693 = arith.addi %broadcast_in_dim3A_687, %add3A_692 : vector<16xi32>
      %broadcast_in_dim3A_694 = arith.constant 3 : i32
      %broadcast_in_dim3A_695 = vector.broadcast %broadcast_in_dim3A_694 : i32 to vector<16xi32>
      %gather3A_696 = tpu.vector_load_idx %arg9[%broadcast_in_dim3A_695, %iota3A, %add3A_685] : memref<8x32x128xf32, #tpu.memory_space<vmem>>[vector<16xi32>, vector<16xi32>, vector<16xi32>], vector<16xf32>,
      %add3A_697 = arith.constant 16 : i32
      %add3A_698 = vector.broadcast %add3A_697 : i32 to vector<16xi32>
      %add3A_699 = arith.addi %iota3A, %add3A_698 : vector<16xi32>
      %gather3A_700 = tpu.vector_load_idx %arg9[%broadcast_in_dim3A_695, %add3A_699, %add3A_685] : memref<8x32x128xf32, #tpu.memory_space<vmem>>[vector<16xi32>, vector<16xi32>, vector<16xi32>], vector<16xf32>,
      %gather3A_701 = tpu.vector_load_idx %arg10[%broadcast_in_dim3A_695, %iota3A, %add3A_693] : memref<8x32x128xf32, #tpu.memory_space<vmem>>[vector<16xi32>, vector<16xi32>, vector<16xi32>], vector<16xf32>,
      %add3A_702 = arith.constant 16 : i32
      %add3A_703 = vector.broadcast %add3A_702 : i32 to vector<16xi32>
      %add3A_704 = arith.addi %iota3A, %add3A_703 : vector<16xi32>
      %gather3A_705 = tpu.vector_load_idx %arg10[%broadcast_in_dim3A_695, %add3A_704, %add3A_693] : memref<8x32x128xf32, #tpu.memory_space<vmem>>[vector<16xi32>, vector<16xi32>, vector<16xi32>], vector<16xf32>,
      %mul3A_706 = arith.mulf %gather3A_696, %gather3A_701 : vector<16xf32>
      %mul3A_707 = arith.mulf %gather3A_700, %gather3A_705 : vector<16xf32>
      %add3A_708 = arith.addf %mul3A_706, %mul3A_707 : vector<16xf32>
      %mul3A_709 = arith.constant 17 : i32
      %mul3A_710 = vector.broadcast %mul3A_709 : i32 to vector<16xi32>
      %mul3A_711 = arith.muli %iota3A, %mul3A_710 : vector<16xi32>
      %add3A_712 = arith.constant 3 : i32
      %add3A_713 = vector.broadcast %add3A_712 : i32 to vector<16xi32>
      %add3A_714 = arith.addi %mul3A_711, %add3A_713 : vector<16xi32>
      tpu.vector_store_idx %arg12[%add3A_714], %add3A_708 : memref<272xf32, #tpu.memory_space<vmem>>[vector<16xi32>], vector<16xf32>,
      %broadcast_in_dim3A_715 = arith.constant 0 : i32
      %broadcast_in_dim3A_716 = vector.broadcast %broadcast_in_dim3A_715 : i32 to vector<16xi32>
      %slice3A_717 = vector.extract_strided_slice %get3A_11 {offsets = [4], sizes = [1], strides = [1]} : vector<16xi32> to vector<1xi32>
      %squeeze3A_718 = vector.extract %slice3A_717[0] : i32 from vector<1xi32>
      %and3A_719 = arith.constant 127 : i32
      %and3A_720 = arith.andi %squeeze3A_718, %and3A_719 : i32
      %add3A_721 = vector.broadcast %and3A_720 : i32 to vector<16xi32>
      %add3A_722 = arith.addi %broadcast_in_dim3A_716, %add3A_721 : vector<16xi32>
      %broadcast_in_dim3A_723 = arith.constant 0 : i32
      %broadcast_in_dim3A_724 = vector.broadcast %broadcast_in_dim3A_723 : i32 to vector<16xi32>
      %slice3A_725 = vector.extract_strided_slice %get3A_15 {offsets = [4], sizes = [1], strides = [1]} : vector<16xi32> to vector<1xi32>
      %squeeze3A_726 = vector.extract %slice3A_725[0] : i32 from vector<1xi32>
      %and3A_727 = arith.constant 127 : i32
      %and3A_728 = arith.andi %squeeze3A_726, %and3A_727 : i32
      %add3A_729 = vector.broadcast %and3A_728 : i32 to vector<16xi32>
      %add3A_730 = arith.addi %broadcast_in_dim3A_724, %add3A_729 : vector<16xi32>
      %broadcast_in_dim3A_731 = arith.constant 4 : i32
      %broadcast_in_dim3A_732 = vector.broadcast %broadcast_in_dim3A_731 : i32 to vector<16xi32>
      %gather3A_733 = tpu.vector_load_idx %arg9[%broadcast_in_dim3A_732, %iota3A, %add3A_722] : memref<8x32x128xf32, #tpu.memory_space<vmem>>[vector<16xi32>, vector<16xi32>, vector<16xi32>], vector<16xf32>,
      %add3A_734 = arith.constant 16 : i32
      %add3A_735 = vector.broadcast %add3A_734 : i32 to vector<16xi32>
      %add3A_736 = arith.addi %iota3A, %add3A_735 : vector<16xi32>
      %gather3A_737 = tpu.vector_load_idx %arg9[%broadcast_in_dim3A_732, %add3A_736, %add3A_722] : memref<8x32x128xf32, #tpu.memory_space<vmem>>[vector<16xi32>, vector<16xi32>, vector<16xi32>], vector<16xf32>,
      %gather3A_738 = tpu.vector_load_idx %arg10[%broadcast_in_dim3A_732, %iota3A, %add3A_730] : memref<8x32x128xf32, #tpu.memory_space<vmem>>[vector<16xi32>, vector<16xi32>, vector<16xi32>], vector<16xf32>,
      %add3A_739 = arith.constant 16 : i32
      %add3A_740 = vector.broadcast %add3A_739 : i32 to vector<16xi32>
      %add3A_741 = arith.addi %iota3A, %add3A_740 : vector<16xi32>
      %gather3A_742 = tpu.vector_load_idx %arg10[%broadcast_in_dim3A_732, %add3A_741, %add3A_730] : memref<8x32x128xf32, #tpu.memory_space<vmem>>[vector<16xi32>, vector<16xi32>, vector<16xi32>], vector<16xf32>,
      %mul3A_743 = arith.mulf %gather3A_733, %gather3A_738 : vector<16xf32>
      %mul3A_744 = arith.mulf %gather3A_737, %gather3A_742 : vector<16xf32>
      %add3A_745 = arith.addf %mul3A_743, %mul3A_744 : vector<16xf32>
      %mul3A_746 = arith.constant 17 : i32
      %mul3A_747 = vector.broadcast %mul3A_746 : i32 to vector<16xi32>
      %mul3A_748 = arith.muli %iota3A, %mul3A_747 : vector<16xi32>
      %add3A_749 = arith.constant 4 : i32
      %add3A_750 = vector.broadcast %add3A_749 : i32 to vector<16xi32>
      %add3A_751 = arith.addi %mul3A_748, %add3A_750 : vector<16xi32>
      tpu.vector_store_idx %arg12[%add3A_751], %add3A_745 : memref<272xf32, #tpu.memory_space<vmem>>[vector<16xi32>], vector<16xf32>,
      %broadcast_in_dim3A_752 = arith.constant 0 : i32
      %broadcast_in_dim3A_753 = vector.broadcast %broadcast_in_dim3A_752 : i32 to vector<16xi32>
      %slice3A_754 = vector.extract_strided_slice %get3A_11 {offsets = [5], sizes = [1], strides = [1]} : vector<16xi32> to vector<1xi32>
      %squeeze3A_755 = vector.extract %slice3A_754[0] : i32 from vector<1xi32>
      %and3A_756 = arith.constant 127 : i32
      %and3A_757 = arith.andi %squeeze3A_755, %and3A_756 : i32
      %add3A_758 = vector.broadcast %and3A_757 : i32 to vector<16xi32>
      %add3A_759 = arith.addi %broadcast_in_dim3A_753, %add3A_758 : vector<16xi32>
      %broadcast_in_dim3A_760 = arith.constant 0 : i32
      %broadcast_in_dim3A_761 = vector.broadcast %broadcast_in_dim3A_760 : i32 to vector<16xi32>
      %slice3A_762 = vector.extract_strided_slice %get3A_15 {offsets = [5], sizes = [1], strides = [1]} : vector<16xi32> to vector<1xi32>
      %squeeze3A_763 = vector.extract %slice3A_762[0] : i32 from vector<1xi32>
      %and3A_764 = arith.constant 127 : i32
      %and3A_765 = arith.andi %squeeze3A_763, %and3A_764 : i32
      %add3A_766 = vector.broadcast %and3A_765 : i32 to vector<16xi32>
      %add3A_767 = arith.addi %broadcast_in_dim3A_761, %add3A_766 : vector<16xi32>
      %broadcast_in_dim3A_768 = arith.constant 5 : i32
      %broadcast_in_dim3A_769 = vector.broadcast %broadcast_in_dim3A_768 : i32 to vector<16xi32>
      %gather3A_770 = tpu.vector_load_idx %arg9[%broadcast_in_dim3A_769, %iota3A, %add3A_759] : memref<8x32x128xf32, #tpu.memory_space<vmem>>[vector<16xi32>, vector<16xi32>, vector<16xi32>], vector<16xf32>,
      %add3A_771 = arith.constant 16 : i32
      %add3A_772 = vector.broadcast %add3A_771 : i32 to vector<16xi32>
      %add3A_773 = arith.addi %iota3A, %add3A_772 : vector<16xi32>
      %gather3A_774 = tpu.vector_load_idx %arg9[%broadcast_in_dim3A_769, %add3A_773, %add3A_759] : memref<8x32x128xf32, #tpu.memory_space<vmem>>[vector<16xi32>, vector<16xi32>, vector<16xi32>], vector<16xf32>,
      %gather3A_775 = tpu.vector_load_idx %arg10[%broadcast_in_dim3A_769, %iota3A, %add3A_767] : memref<8x32x128xf32, #tpu.memory_space<vmem>>[vector<16xi32>, vector<16xi32>, vector<16xi32>], vector<16xf32>,
      %add3A_776 = arith.constant 16 : i32
      %add3A_777 = vector.broadcast %add3A_776 : i32 to vector<16xi32>
      %add3A_778 = arith.addi %iota3A, %add3A_777 : vector<16xi32>
      %gather3A_779 = tpu.vector_load_idx %arg10[%broadcast_in_dim3A_769, %add3A_778, %add3A_767] : memref<8x32x128xf32, #tpu.memory_space<vmem>>[vector<16xi32>, vector<16xi32>, vector<16xi32>], vector<16xf32>,
      %mul3A_780 = arith.mulf %gather3A_770, %gather3A_775 : vector<16xf32>
      %mul3A_781 = arith.mulf %gather3A_774, %gather3A_779 : vector<16xf32>
      %add3A_782 = arith.addf %mul3A_780, %mul3A_781 : vector<16xf32>
      %mul3A_783 = arith.constant 17 : i32
      %mul3A_784 = vector.broadcast %mul3A_783 : i32 to vector<16xi32>
      %mul3A_785 = arith.muli %iota3A, %mul3A_784 : vector<16xi32>
      %add3A_786 = arith.constant 5 : i32
      %add3A_787 = vector.broadcast %add3A_786 : i32 to vector<16xi32>
      %add3A_788 = arith.addi %mul3A_785, %add3A_787 : vector<16xi32>
      tpu.vector_store_idx %arg12[%add3A_788], %add3A_782 : memref<272xf32, #tpu.memory_space<vmem>>[vector<16xi32>], vector<16xf32>,
      %broadcast_in_dim3A_789 = arith.constant 0 : i32
      %broadcast_in_dim3A_790 = vector.broadcast %broadcast_in_dim3A_789 : i32 to vector<16xi32>
      %slice3A_791 = vector.extract_strided_slice %get3A_11 {offsets = [6], sizes = [1], strides = [1]} : vector<16xi32> to vector<1xi32>
      %squeeze3A_792 = vector.extract %slice3A_791[0] : i32 from vector<1xi32>
      %and3A_793 = arith.constant 127 : i32
      %and3A_794 = arith.andi %squeeze3A_792, %and3A_793 : i32
      %add3A_795 = vector.broadcast %and3A_794 : i32 to vector<16xi32>
      %add3A_796 = arith.addi %broadcast_in_dim3A_790, %add3A_795 : vector<16xi32>
      %broadcast_in_dim3A_797 = arith.constant 0 : i32
      %broadcast_in_dim3A_798 = vector.broadcast %broadcast_in_dim3A_797 : i32 to vector<16xi32>
      %slice3A_799 = vector.extract_strided_slice %get3A_15 {offsets = [6], sizes = [1], strides = [1]} : vector<16xi32> to vector<1xi32>
      %squeeze3A_800 = vector.extract %slice3A_799[0] : i32 from vector<1xi32>
      %and3A_801 = arith.constant 127 : i32
      %and3A_802 = arith.andi %squeeze3A_800, %and3A_801 : i32
      %add3A_803 = vector.broadcast %and3A_802 : i32 to vector<16xi32>
      %add3A_804 = arith.addi %broadcast_in_dim3A_798, %add3A_803 : vector<16xi32>
      %broadcast_in_dim3A_805 = arith.constant 6 : i32
      %broadcast_in_dim3A_806 = vector.broadcast %broadcast_in_dim3A_805 : i32 to vector<16xi32>
      %gather3A_807 = tpu.vector_load_idx %arg9[%broadcast_in_dim3A_806, %iota3A, %add3A_796] : memref<8x32x128xf32, #tpu.memory_space<vmem>>[vector<16xi32>, vector<16xi32>, vector<16xi32>], vector<16xf32>,
      %add3A_808 = arith.constant 16 : i32
      %add3A_809 = vector.broadcast %add3A_808 : i32 to vector<16xi32>
      %add3A_810 = arith.addi %iota3A, %add3A_809 : vector<16xi32>
      %gather3A_811 = tpu.vector_load_idx %arg9[%broadcast_in_dim3A_806, %add3A_810, %add3A_796] : memref<8x32x128xf32, #tpu.memory_space<vmem>>[vector<16xi32>, vector<16xi32>, vector<16xi32>], vector<16xf32>,
      %gather3A_812 = tpu.vector_load_idx %arg10[%broadcast_in_dim3A_806, %iota3A, %add3A_804] : memref<8x32x128xf32, #tpu.memory_space<vmem>>[vector<16xi32>, vector<16xi32>, vector<16xi32>], vector<16xf32>,
      %add3A_813 = arith.constant 16 : i32
      %add3A_814 = vector.broadcast %add3A_813 : i32 to vector<16xi32>
      %add3A_815 = arith.addi %iota3A, %add3A_814 : vector<16xi32>
      %gather3A_816 = tpu.vector_load_idx %arg10[%broadcast_in_dim3A_806, %add3A_815, %add3A_804] : memref<8x32x128xf32, #tpu.memory_space<vmem>>[vector<16xi32>, vector<16xi32>, vector<16xi32>], vector<16xf32>,
      %mul3A_817 = arith.mulf %gather3A_807, %gather3A_812 : vector<16xf32>
      %mul3A_818 = arith.mulf %gather3A_811, %gather3A_816 : vector<16xf32>
      %add3A_819 = arith.addf %mul3A_817, %mul3A_818 : vector<16xf32>
      %mul3A_820 = arith.constant 17 : i32
      %mul3A_821 = vector.broadcast %mul3A_820 : i32 to vector<16xi32>
      %mul3A_822 = arith.muli %iota3A, %mul3A_821 : vector<16xi32>
      %add3A_823 = arith.constant 6 : i32
      %add3A_824 = vector.broadcast %add3A_823 : i32 to vector<16xi32>
      %add3A_825 = arith.addi %mul3A_822, %add3A_824 : vector<16xi32>
      tpu.vector_store_idx %arg12[%add3A_825], %add3A_819 : memref<272xf32, #tpu.memory_space<vmem>>[vector<16xi32>], vector<16xf32>,
      %broadcast_in_dim3A_826 = arith.constant 0 : i32
      %broadcast_in_dim3A_827 = vector.broadcast %broadcast_in_dim3A_826 : i32 to vector<16xi32>
      %slice3A_828 = vector.extract_strided_slice %get3A_11 {offsets = [7], sizes = [1], strides = [1]} : vector<16xi32> to vector<1xi32>
      %squeeze3A_829 = vector.extract %slice3A_828[0] : i32 from vector<1xi32>
      %and3A_830 = arith.constant 127 : i32
      %and3A_831 = arith.andi %squeeze3A_829, %and3A_830 : i32
      %add3A_832 = vector.broadcast %and3A_831 : i32 to vector<16xi32>
      %add3A_833 = arith.addi %broadcast_in_dim3A_827, %add3A_832 : vector<16xi32>
      %broadcast_in_dim3A_834 = arith.constant 0 : i32
      %broadcast_in_dim3A_835 = vector.broadcast %broadcast_in_dim3A_834 : i32 to vector<16xi32>
      %slice3A_836 = vector.extract_strided_slice %get3A_15 {offsets = [7], sizes = [1], strides = [1]} : vector<16xi32> to vector<1xi32>
      %squeeze3A_837 = vector.extract %slice3A_836[0] : i32 from vector<1xi32>
      %and3A_838 = arith.constant 127 : i32
      %and3A_839 = arith.andi %squeeze3A_837, %and3A_838 : i32
      %add3A_840 = vector.broadcast %and3A_839 : i32 to vector<16xi32>
      %add3A_841 = arith.addi %broadcast_in_dim3A_835, %add3A_840 : vector<16xi32>
      %broadcast_in_dim3A_842 = arith.constant 7 : i32
      %broadcast_in_dim3A_843 = vector.broadcast %broadcast_in_dim3A_842 : i32 to vector<16xi32>
      %gather3A_844 = tpu.vector_load_idx %arg9[%broadcast_in_dim3A_843, %iota3A, %add3A_833] : memref<8x32x128xf32, #tpu.memory_space<vmem>>[vector<16xi32>, vector<16xi32>, vector<16xi32>], vector<16xf32>,
      %add3A_845 = arith.constant 16 : i32
      %add3A_846 = vector.broadcast %add3A_845 : i32 to vector<16xi32>
      %add3A_847 = arith.addi %iota3A, %add3A_846 : vector<16xi32>
      %gather3A_848 = tpu.vector_load_idx %arg9[%broadcast_in_dim3A_843, %add3A_847, %add3A_833] : memref<8x32x128xf32, #tpu.memory_space<vmem>>[vector<16xi32>, vector<16xi32>, vector<16xi32>], vector<16xf32>,
      %gather3A_849 = tpu.vector_load_idx %arg10[%broadcast_in_dim3A_843, %iota3A, %add3A_841] : memref<8x32x128xf32, #tpu.memory_space<vmem>>[vector<16xi32>, vector<16xi32>, vector<16xi32>], vector<16xf32>,
      %add3A_850 = arith.constant 16 : i32
      %add3A_851 = vector.broadcast %add3A_850 : i32 to vector<16xi32>
      %add3A_852 = arith.addi %iota3A, %add3A_851 : vector<16xi32>
      %gather3A_853 = tpu.vector_load_idx %arg10[%broadcast_in_dim3A_843, %add3A_852, %add3A_841] : memref<8x32x128xf32, #tpu.memory_space<vmem>>[vector<16xi32>, vector<16xi32>, vector<16xi32>], vector<16xf32>,
      %mul3A_854 = arith.mulf %gather3A_844, %gather3A_849 : vector<16xf32>
      %mul3A_855 = arith.mulf %gather3A_848, %gather3A_853 : vector<16xf32>
      %add3A_856 = arith.addf %mul3A_854, %mul3A_855 : vector<16xf32>
      %mul3A_857 = arith.constant 17 : i32
      %mul3A_858 = vector.broadcast %mul3A_857 : i32 to vector<16xi32>
      %mul3A_859 = arith.muli %iota3A, %mul3A_858 : vector<16xi32>
      %add3A_860 = arith.constant 7 : i32
      %add3A_861 = vector.broadcast %add3A_860 : i32 to vector<16xi32>
      %add3A_862 = arith.addi %mul3A_859, %add3A_861 : vector<16xi32>
      tpu.vector_store_idx %arg12[%add3A_862], %add3A_856 : memref<272xf32, #tpu.memory_space<vmem>>[vector<16xi32>], vector<16xf32>,
      %slice3A_863 = vector.extract_strided_slice %get3A_11 {offsets = [8], sizes = [1], strides = [1]} : vector<16xi32> to vector<1xi32>
      %squeeze3A_864 = vector.extract %slice3A_863[0] : i32 from vector<1xi32>
      %shift_right_arithmetic3A_865 = arith.constant 7 : i32
      %shift_right_arithmetic3A_866 = arith.shrsi %squeeze3A_864, %shift_right_arithmetic3A_865 : i32
      %mul3A_867 = arith.constant 128 : i32
      %mul3A_868 = arith.muli %shift_right_arithmetic3A_866, %mul3A_867 : i32
      %multiple_of3A_869 = tpu.assume_multiple %mul3A_868, 128 : i32
      %slice3A_870 = vector.extract_strided_slice %get3A_15 {offsets = [8], sizes = [1], strides = [1]} : vector<16xi32> to vector<1xi32>
      %squeeze3A_871 = vector.extract %slice3A_870[0] : i32 from vector<1xi32>
      %shift_right_arithmetic3A_872 = arith.constant 7 : i32
      %shift_right_arithmetic3A_873 = arith.shrsi %squeeze3A_871, %shift_right_arithmetic3A_872 : i32
      %mul3A_874 = arith.constant 128 : i32
      %mul3A_875 = arith.muli %shift_right_arithmetic3A_873, %mul3A_874 : i32
      %multiple_of3A_876 = tpu.assume_multiple %mul3A_875, 128 : i32
      %dma_start3A_877 = arith.constant 0 : i32
      %dma_start3A_878 = arith.constant 0 : i32
      %dma_start3A_879 = arith.constant 0 : i32
      %dma_start3A_880 = tpu.memref_slice %arg9[%dma_start3A_877, %dma_start3A_878, %dma_start3A_879] : memref<8x32x128xf32, #tpu.memory_space<vmem>> -> memref<1x32x128xf32, #tpu.memory_space<vmem>>
      %dma_start3A_881 = tpu.memref_squeeze %dma_start3A_880 : memref<1x32x128xf32, #tpu.memory_space<vmem>> -> memref<32x128xf32, #tpu.memory_space<vmem>>
      %dma_start3A_882 = arith.constant 0 : i32
      %dma_start3A_883 = tpu.memref_slice %arg4[%dma_start3A_882, %multiple_of3A_869] : memref<32x1000000xf32, #tpu.memory_space<hbm>> -> memref<32x128xf32, #tpu.memory_space<hbm>>
      %dma_start3A_884 = arith.constant 0 : i32
      %dma_start3A_885 = arith.constant 0 : i32
      %dma_start3A_886 = tpu.memref_slice %arg9[%dma_start3A_877, %dma_start3A_884, %dma_start3A_885] : memref<8x32x128xf32, #tpu.memory_space<vmem>> -> memref<1x32x128xf32, #tpu.memory_space<vmem>>
      %dma_start3A_887 = tpu.memref_squeeze %dma_start3A_886 : memref<1x32x128xf32, #tpu.memory_space<vmem>> -> memref<32x128xf32, #tpu.memory_space<vmem>>
      %dma_start3A_888 = arith.constant 0 : i32
      %dma_start3A_889 = tpu.memref_slice %arg4[%dma_start3A_888, %multiple_of3A_869] : memref<32x1000000xf32, #tpu.memory_space<hbm>> -> memref<32x128xf32, #tpu.memory_space<hbm>>
      tpu.enqueue_dma source(%dma_start3A_889 : memref<32x128xf32, #tpu.memory_space<hbm>>) target(%dma_start3A_887 : memref<32x128xf32, #tpu.memory_space<vmem>>) target_semaphore(%arg13 : memref<!tpu.dma_semaphore, #tpu.memory_space<semaphore_mem>>)
      %dma_start3A_890 = arith.constant 0 : i32
      %dma_start3A_891 = arith.constant 0 : i32
      %dma_start3A_892 = arith.constant 0 : i32
      %dma_start3A_893 = tpu.memref_slice %arg10[%dma_start3A_890, %dma_start3A_891, %dma_start3A_892] : memref<8x32x128xf32, #tpu.memory_space<vmem>> -> memref<1x32x128xf32, #tpu.memory_space<vmem>>
      %dma_start3A_894 = tpu.memref_squeeze %dma_start3A_893 : memref<1x32x128xf32, #tpu.memory_space<vmem>> -> memref<32x128xf32, #tpu.memory_space<vmem>>
      %dma_start3A_895 = arith.constant 0 : i32
      %dma_start3A_896 = tpu.memref_slice %arg5[%dma_start3A_895, %multiple_of3A_876] : memref<32x1000000xf32, #tpu.memory_space<hbm>> -> memref<32x128xf32, #tpu.memory_space<hbm>>
      %dma_start3A_897 = arith.constant 0 : i32
      %dma_start3A_898 = arith.constant 0 : i32
      %dma_start3A_899 = tpu.memref_slice %arg10[%dma_start3A_890, %dma_start3A_897, %dma_start3A_898] : memref<8x32x128xf32, #tpu.memory_space<vmem>> -> memref<1x32x128xf32, #tpu.memory_space<vmem>>
      %dma_start3A_900 = tpu.memref_squeeze %dma_start3A_899 : memref<1x32x128xf32, #tpu.memory_space<vmem>> -> memref<32x128xf32, #tpu.memory_space<vmem>>
      %dma_start3A_901 = arith.constant 0 : i32
      %dma_start3A_902 = tpu.memref_slice %arg5[%dma_start3A_901, %multiple_of3A_876] : memref<32x1000000xf32, #tpu.memory_space<hbm>> -> memref<32x128xf32, #tpu.memory_space<hbm>>
      tpu.enqueue_dma source(%dma_start3A_902 : memref<32x128xf32, #tpu.memory_space<hbm>>) target(%dma_start3A_900 : memref<32x128xf32, #tpu.memory_space<vmem>>) target_semaphore(%arg14 : memref<!tpu.dma_semaphore, #tpu.memory_space<semaphore_mem>>)
      %slice3A_903 = vector.extract_strided_slice %get3A_11 {offsets = [9], sizes = [1], strides = [1]} : vector<16xi32> to vector<1xi32>
      %squeeze3A_904 = vector.extract %slice3A_903[0] : i32 from vector<1xi32>
      %shift_right_arithmetic3A_905 = arith.constant 7 : i32
      %shift_right_arithmetic3A_906 = arith.shrsi %squeeze3A_904, %shift_right_arithmetic3A_905 : i32
      %mul3A_907 = arith.constant 128 : i32
      %mul3A_908 = arith.muli %shift_right_arithmetic3A_906, %mul3A_907 : i32
      %multiple_of3A_909 = tpu.assume_multiple %mul3A_908, 128 : i32
      %slice3A_910 = vector.extract_strided_slice %get3A_15 {offsets = [9], sizes = [1], strides = [1]} : vector<16xi32> to vector<1xi32>
      %squeeze3A_911 = vector.extract %slice3A_910[0] : i32 from vector<1xi32>
      %shift_right_arithmetic3A_912 = arith.constant 7 : i32
      %shift_right_arithmetic3A_913 = arith.shrsi %squeeze3A_911, %shift_right_arithmetic3A_912 : i32
      %mul3A_914 = arith.constant 128 : i32
      %mul3A_915 = arith.muli %shift_right_arithmetic3A_913, %mul3A_914 : i32
      %multiple_of3A_916 = tpu.assume_multiple %mul3A_915, 128 : i32
      %dma_start3A_917 = arith.constant 1 : i32
      %dma_start3A_918 = arith.constant 0 : i32
      %dma_start3A_919 = arith.constant 0 : i32
      %dma_start3A_920 = tpu.memref_slice %arg9[%dma_start3A_917, %dma_start3A_918, %dma_start3A_919] : memref<8x32x128xf32, #tpu.memory_space<vmem>> -> memref<1x32x128xf32, #tpu.memory_space<vmem>>
      %dma_start3A_921 = tpu.memref_squeeze %dma_start3A_920 : memref<1x32x128xf32, #tpu.memory_space<vmem>> -> memref<32x128xf32, #tpu.memory_space<vmem>>
      %dma_start3A_922 = arith.constant 0 : i32
      %dma_start3A_923 = tpu.memref_slice %arg4[%dma_start3A_922, %multiple_of3A_909] : memref<32x1000000xf32, #tpu.memory_space<hbm>> -> memref<32x128xf32, #tpu.memory_space<hbm>>
      %dma_start3A_924 = arith.constant 0 : i32
      %dma_start3A_925 = arith.constant 0 : i32
      %dma_start3A_926 = tpu.memref_slice %arg9[%dma_start3A_917, %dma_start3A_924, %dma_start3A_925] : memref<8x32x128xf32, #tpu.memory_space<vmem>> -> memref<1x32x128xf32, #tpu.memory_space<vmem>>
      %dma_start3A_927 = tpu.memref_squeeze %dma_start3A_926 : memref<1x32x128xf32, #tpu.memory_space<vmem>> -> memref<32x128xf32, #tpu.memory_space<vmem>>
      %dma_start3A_928 = arith.constant 0 : i32
      %dma_start3A_929 = tpu.memref_slice %arg4[%dma_start3A_928, %multiple_of3A_909] : memref<32x1000000xf32, #tpu.memory_space<hbm>> -> memref<32x128xf32, #tpu.memory_space<hbm>>
      tpu.enqueue_dma source(%dma_start3A_929 : memref<32x128xf32, #tpu.memory_space<hbm>>) target(%dma_start3A_927 : memref<32x128xf32, #tpu.memory_space<vmem>>) target_semaphore(%arg13 : memref<!tpu.dma_semaphore, #tpu.memory_space<semaphore_mem>>)
      %dma_start3A_930 = arith.constant 1 : i32
      %dma_start3A_931 = arith.constant 0 : i32
      %dma_start3A_932 = arith.constant 0 : i32
      %dma_start3A_933 = tpu.memref_slice %arg10[%dma_start3A_930, %dma_start3A_931, %dma_start3A_932] : memref<8x32x128xf32, #tpu.memory_space<vmem>> -> memref<1x32x128xf32, #tpu.memory_space<vmem>>
      %dma_start3A_934 = tpu.memref_squeeze %dma_start3A_933 : memref<1x32x128xf32, #tpu.memory_space<vmem>> -> memref<32x128xf32, #tpu.memory_space<vmem>>
      %dma_start3A_935 = arith.constant 0 : i32
      %dma_start3A_936 = tpu.memref_slice %arg5[%dma_start3A_935, %multiple_of3A_916] : memref<32x1000000xf32, #tpu.memory_space<hbm>> -> memref<32x128xf32, #tpu.memory_space<hbm>>
      %dma_start3A_937 = arith.constant 0 : i32
      %dma_start3A_938 = arith.constant 0 : i32
      %dma_start3A_939 = tpu.memref_slice %arg10[%dma_start3A_930, %dma_start3A_937, %dma_start3A_938] : memref<8x32x128xf32, #tpu.memory_space<vmem>> -> memref<1x32x128xf32, #tpu.memory_space<vmem>>
      %dma_start3A_940 = tpu.memref_squeeze %dma_start3A_939 : memref<1x32x128xf32, #tpu.memory_space<vmem>> -> memref<32x128xf32, #tpu.memory_space<vmem>>
      %dma_start3A_941 = arith.constant 0 : i32
      %dma_start3A_942 = tpu.memref_slice %arg5[%dma_start3A_941, %multiple_of3A_916] : memref<32x1000000xf32, #tpu.memory_space<hbm>> -> memref<32x128xf32, #tpu.memory_space<hbm>>
      tpu.enqueue_dma source(%dma_start3A_942 : memref<32x128xf32, #tpu.memory_space<hbm>>) target(%dma_start3A_940 : memref<32x128xf32, #tpu.memory_space<vmem>>) target_semaphore(%arg14 : memref<!tpu.dma_semaphore, #tpu.memory_space<semaphore_mem>>)
      %slice3A_943 = vector.extract_strided_slice %get3A_11 {offsets = [10], sizes = [1], strides = [1]} : vector<16xi32> to vector<1xi32>
      %squeeze3A_944 = vector.extract %slice3A_943[0] : i32 from vector<1xi32>
      %shift_right_arithmetic3A_945 = arith.constant 7 : i32
      %shift_right_arithmetic3A_946 = arith.shrsi %squeeze3A_944, %shift_right_arithmetic3A_945 : i32
      %mul3A_947 = arith.constant 128 : i32
      %mul3A_948 = arith.muli %shift_right_arithmetic3A_946, %mul3A_947 : i32
      %multiple_of3A_949 = tpu.assume_multiple %mul3A_948, 128 : i32
      %slice3A_950 = vector.extract_strided_slice %get3A_15 {offsets = [10], sizes = [1], strides = [1]} : vector<16xi32> to vector<1xi32>
      %squeeze3A_951 = vector.extract %slice3A_950[0] : i32 from vector<1xi32>
      %shift_right_arithmetic3A_952 = arith.constant 7 : i32
      %shift_right_arithmetic3A_953 = arith.shrsi %squeeze3A_951, %shift_right_arithmetic3A_952 : i32
      %mul3A_954 = arith.constant 128 : i32
      %mul3A_955 = arith.muli %shift_right_arithmetic3A_953, %mul3A_954 : i32
      %multiple_of3A_956 = tpu.assume_multiple %mul3A_955, 128 : i32
      %dma_start3A_957 = arith.constant 2 : i32
      %dma_start3A_958 = arith.constant 0 : i32
      %dma_start3A_959 = arith.constant 0 : i32
      %dma_start3A_960 = tpu.memref_slice %arg9[%dma_start3A_957, %dma_start3A_958, %dma_start3A_959] : memref<8x32x128xf32, #tpu.memory_space<vmem>> -> memref<1x32x128xf32, #tpu.memory_space<vmem>>
      %dma_start3A_961 = tpu.memref_squeeze %dma_start3A_960 : memref<1x32x128xf32, #tpu.memory_space<vmem>> -> memref<32x128xf32, #tpu.memory_space<vmem>>
      %dma_start3A_962 = arith.constant 0 : i32
      %dma_start3A_963 = tpu.memref_slice %arg4[%dma_start3A_962, %multiple_of3A_949] : memref<32x1000000xf32, #tpu.memory_space<hbm>> -> memref<32x128xf32, #tpu.memory_space<hbm>>
      %dma_start3A_964 = arith.constant 0 : i32
      %dma_start3A_965 = arith.constant 0 : i32
      %dma_start3A_966 = tpu.memref_slice %arg9[%dma_start3A_957, %dma_start3A_964, %dma_start3A_965] : memref<8x32x128xf32, #tpu.memory_space<vmem>> -> memref<1x32x128xf32, #tpu.memory_space<vmem>>
      %dma_start3A_967 = tpu.memref_squeeze %dma_start3A_966 : memref<1x32x128xf32, #tpu.memory_space<vmem>> -> memref<32x128xf32, #tpu.memory_space<vmem>>
      %dma_start3A_968 = arith.constant 0 : i32
      %dma_start3A_969 = tpu.memref_slice %arg4[%dma_start3A_968, %multiple_of3A_949] : memref<32x1000000xf32, #tpu.memory_space<hbm>> -> memref<32x128xf32, #tpu.memory_space<hbm>>
      tpu.enqueue_dma source(%dma_start3A_969 : memref<32x128xf32, #tpu.memory_space<hbm>>) target(%dma_start3A_967 : memref<32x128xf32, #tpu.memory_space<vmem>>) target_semaphore(%arg13 : memref<!tpu.dma_semaphore, #tpu.memory_space<semaphore_mem>>)
      %dma_start3A_970 = arith.constant 2 : i32
      %dma_start3A_971 = arith.constant 0 : i32
      %dma_start3A_972 = arith.constant 0 : i32
      %dma_start3A_973 = tpu.memref_slice %arg10[%dma_start3A_970, %dma_start3A_971, %dma_start3A_972] : memref<8x32x128xf32, #tpu.memory_space<vmem>> -> memref<1x32x128xf32, #tpu.memory_space<vmem>>
      %dma_start3A_974 = tpu.memref_squeeze %dma_start3A_973 : memref<1x32x128xf32, #tpu.memory_space<vmem>> -> memref<32x128xf32, #tpu.memory_space<vmem>>
      %dma_start3A_975 = arith.constant 0 : i32
      %dma_start3A_976 = tpu.memref_slice %arg5[%dma_start3A_975, %multiple_of3A_956] : memref<32x1000000xf32, #tpu.memory_space<hbm>> -> memref<32x128xf32, #tpu.memory_space<hbm>>
      %dma_start3A_977 = arith.constant 0 : i32
      %dma_start3A_978 = arith.constant 0 : i32
      %dma_start3A_979 = tpu.memref_slice %arg10[%dma_start3A_970, %dma_start3A_977, %dma_start3A_978] : memref<8x32x128xf32, #tpu.memory_space<vmem>> -> memref<1x32x128xf32, #tpu.memory_space<vmem>>
      %dma_start3A_980 = tpu.memref_squeeze %dma_start3A_979 : memref<1x32x128xf32, #tpu.memory_space<vmem>> -> memref<32x128xf32, #tpu.memory_space<vmem>>
      %dma_start3A_981 = arith.constant 0 : i32
      %dma_start3A_982 = tpu.memref_slice %arg5[%dma_start3A_981, %multiple_of3A_956] : memref<32x1000000xf32, #tpu.memory_space<hbm>> -> memref<32x128xf32, #tpu.memory_space<hbm>>
      tpu.enqueue_dma source(%dma_start3A_982 : memref<32x128xf32, #tpu.memory_space<hbm>>) target(%dma_start3A_980 : memref<32x128xf32, #tpu.memory_space<vmem>>) target_semaphore(%arg14 : memref<!tpu.dma_semaphore, #tpu.memory_space<semaphore_mem>>)
      %slice3A_983 = vector.extract_strided_slice %get3A_11 {offsets = [11], sizes = [1], strides = [1]} : vector<16xi32> to vector<1xi32>
      %squeeze3A_984 = vector.extract %slice3A_983[0] : i32 from vector<1xi32>
      %shift_right_arithmetic3A_985 = arith.constant 7 : i32
      %shift_right_arithmetic3A_986 = arith.shrsi %squeeze3A_984, %shift_right_arithmetic3A_985 : i32
      %mul3A_987 = arith.constant 128 : i32
      %mul3A_988 = arith.muli %shift_right_arithmetic3A_986, %mul3A_987 : i32
      %multiple_of3A_989 = tpu.assume_multiple %mul3A_988, 128 : i32
      %slice3A_990 = vector.extract_strided_slice %get3A_15 {offsets = [11], sizes = [1], strides = [1]} : vector<16xi32> to vector<1xi32>
      %squeeze3A_991 = vector.extract %slice3A_990[0] : i32 from vector<1xi32>
      %shift_right_arithmetic3A_992 = arith.constant 7 : i32
      %shift_right_arithmetic3A_993 = arith.shrsi %squeeze3A_991, %shift_right_arithmetic3A_992 : i32
      %mul3A_994 = arith.constant 128 : i32
      %mul3A_995 = arith.muli %shift_right_arithmetic3A_993, %mul3A_994 : i32
      %multiple_of3A_996 = tpu.assume_multiple %mul3A_995, 128 : i32
      %dma_start3A_997 = arith.constant 3 : i32
      %dma_start3A_998 = arith.constant 0 : i32
      %dma_start3A_999 = arith.constant 0 : i32
      %dma_start3A_1000 = tpu.memref_slice %arg9[%dma_start3A_997, %dma_start3A_998, %dma_start3A_999] : memref<8x32x128xf32, #tpu.memory_space<vmem>> -> memref<1x32x128xf32, #tpu.memory_space<vmem>>
      %dma_start3A_1001 = tpu.memref_squeeze %dma_start3A_1000 : memref<1x32x128xf32, #tpu.memory_space<vmem>> -> memref<32x128xf32, #tpu.memory_space<vmem>>
      %dma_start3A_1002 = arith.constant 0 : i32
      %dma_start3A_1003 = tpu.memref_slice %arg4[%dma_start3A_1002, %multiple_of3A_989] : memref<32x1000000xf32, #tpu.memory_space<hbm>> -> memref<32x128xf32, #tpu.memory_space<hbm>>
      %dma_start3A_1004 = arith.constant 0 : i32
      %dma_start3A_1005 = arith.constant 0 : i32
      %dma_start3A_1006 = tpu.memref_slice %arg9[%dma_start3A_997, %dma_start3A_1004, %dma_start3A_1005] : memref<8x32x128xf32, #tpu.memory_space<vmem>> -> memref<1x32x128xf32, #tpu.memory_space<vmem>>
      %dma_start3A_1007 = tpu.memref_squeeze %dma_start3A_1006 : memref<1x32x128xf32, #tpu.memory_space<vmem>> -> memref<32x128xf32, #tpu.memory_space<vmem>>
      %dma_start3A_1008 = arith.constant 0 : i32
      %dma_start3A_1009 = tpu.memref_slice %arg4[%dma_start3A_1008, %multiple_of3A_989] : memref<32x1000000xf32, #tpu.memory_space<hbm>> -> memref<32x128xf32, #tpu.memory_space<hbm>>
      tpu.enqueue_dma source(%dma_start3A_1009 : memref<32x128xf32, #tpu.memory_space<hbm>>) target(%dma_start3A_1007 : memref<32x128xf32, #tpu.memory_space<vmem>>) target_semaphore(%arg13 : memref<!tpu.dma_semaphore, #tpu.memory_space<semaphore_mem>>)
      %dma_start3A_1010 = arith.constant 3 : i32
      %dma_start3A_1011 = arith.constant 0 : i32
      %dma_start3A_1012 = arith.constant 0 : i32
      %dma_start3A_1013 = tpu.memref_slice %arg10[%dma_start3A_1010, %dma_start3A_1011, %dma_start3A_1012] : memref<8x32x128xf32, #tpu.memory_space<vmem>> -> memref<1x32x128xf32, #tpu.memory_space<vmem>>
      %dma_start3A_1014 = tpu.memref_squeeze %dma_start3A_1013 : memref<1x32x128xf32, #tpu.memory_space<vmem>> -> memref<32x128xf32, #tpu.memory_space<vmem>>
      %dma_start3A_1015 = arith.constant 0 : i32
      %dma_start3A_1016 = tpu.memref_slice %arg5[%dma_start3A_1015, %multiple_of3A_996] : memref<32x1000000xf32, #tpu.memory_space<hbm>> -> memref<32x128xf32, #tpu.memory_space<hbm>>
      %dma_start3A_1017 = arith.constant 0 : i32
      %dma_start3A_1018 = arith.constant 0 : i32
      %dma_start3A_1019 = tpu.memref_slice %arg10[%dma_start3A_1010, %dma_start3A_1017, %dma_start3A_1018] : memref<8x32x128xf32, #tpu.memory_space<vmem>> -> memref<1x32x128xf32, #tpu.memory_space<vmem>>
      %dma_start3A_1020 = tpu.memref_squeeze %dma_start3A_1019 : memref<1x32x128xf32, #tpu.memory_space<vmem>> -> memref<32x128xf32, #tpu.memory_space<vmem>>
      %dma_start3A_1021 = arith.constant 0 : i32
      %dma_start3A_1022 = tpu.memref_slice %arg5[%dma_start3A_1021, %multiple_of3A_996] : memref<32x1000000xf32, #tpu.memory_space<hbm>> -> memref<32x128xf32, #tpu.memory_space<hbm>>
      tpu.enqueue_dma source(%dma_start3A_1022 : memref<32x128xf32, #tpu.memory_space<hbm>>) target(%dma_start3A_1020 : memref<32x128xf32, #tpu.memory_space<vmem>>) target_semaphore(%arg14 : memref<!tpu.dma_semaphore, #tpu.memory_space<semaphore_mem>>)
      %slice3A_1023 = vector.extract_strided_slice %get3A_11 {offsets = [12], sizes = [1], strides = [1]} : vector<16xi32> to vector<1xi32>
      %squeeze3A_1024 = vector.extract %slice3A_1023[0] : i32 from vector<1xi32>
      %shift_right_arithmetic3A_1025 = arith.constant 7 : i32
      %shift_right_arithmetic3A_1026 = arith.shrsi %squeeze3A_1024, %shift_right_arithmetic3A_1025 : i32
      %mul3A_1027 = arith.constant 128 : i32
      %mul3A_1028 = arith.muli %shift_right_arithmetic3A_1026, %mul3A_1027 : i32
      %multiple_of3A_1029 = tpu.assume_multiple %mul3A_1028, 128 : i32
      %slice3A_1030 = vector.extract_strided_slice %get3A_15 {offsets = [12], sizes = [1], strides = [1]} : vector<16xi32> to vector<1xi32>
      %squeeze3A_1031 = vector.extract %slice3A_1030[0] : i32 from vector<1xi32>
      %shift_right_arithmetic3A_1032 = arith.constant 7 : i32
      %shift_right_arithmetic3A_1033 = arith.shrsi %squeeze3A_1031, %shift_right_arithmetic3A_1032 : i32
      %mul3A_1034 = arith.constant 128 : i32
      %mul3A_1035 = arith.muli %shift_right_arithmetic3A_1033, %mul3A_1034 : i32
      %multiple_of3A_1036 = tpu.assume_multiple %mul3A_1035, 128 : i32
      %dma_start3A_1037 = arith.constant 4 : i32
      %dma_start3A_1038 = arith.constant 0 : i32
      %dma_start3A_1039 = arith.constant 0 : i32
      %dma_start3A_1040 = tpu.memref_slice %arg9[%dma_start3A_1037, %dma_start3A_1038, %dma_start3A_1039] : memref<8x32x128xf32, #tpu.memory_space<vmem>> -> memref<1x32x128xf32, #tpu.memory_space<vmem>>
      %dma_start3A_1041 = tpu.memref_squeeze %dma_start3A_1040 : memref<1x32x128xf32, #tpu.memory_space<vmem>> -> memref<32x128xf32, #tpu.memory_space<vmem>>
      %dma_start3A_1042 = arith.constant 0 : i32
      %dma_start3A_1043 = tpu.memref_slice %arg4[%dma_start3A_1042, %multiple_of3A_1029] : memref<32x1000000xf32, #tpu.memory_space<hbm>> -> memref<32x128xf32, #tpu.memory_space<hbm>>
      %dma_start3A_1044 = arith.constant 0 : i32
      %dma_start3A_1045 = arith.constant 0 : i32
      %dma_start3A_1046 = tpu.memref_slice %arg9[%dma_start3A_1037, %dma_start3A_1044, %dma_start3A_1045] : memref<8x32x128xf32, #tpu.memory_space<vmem>> -> memref<1x32x128xf32, #tpu.memory_space<vmem>>
      %dma_start3A_1047 = tpu.memref_squeeze %dma_start3A_1046 : memref<1x32x128xf32, #tpu.memory_space<vmem>> -> memref<32x128xf32, #tpu.memory_space<vmem>>
      %dma_start3A_1048 = arith.constant 0 : i32
      %dma_start3A_1049 = tpu.memref_slice %arg4[%dma_start3A_1048, %multiple_of3A_1029] : memref<32x1000000xf32, #tpu.memory_space<hbm>> -> memref<32x128xf32, #tpu.memory_space<hbm>>
      tpu.enqueue_dma source(%dma_start3A_1049 : memref<32x128xf32, #tpu.memory_space<hbm>>) target(%dma_start3A_1047 : memref<32x128xf32, #tpu.memory_space<vmem>>) target_semaphore(%arg13 : memref<!tpu.dma_semaphore, #tpu.memory_space<semaphore_mem>>)
      %dma_start3A_1050 = arith.constant 4 : i32
      %dma_start3A_1051 = arith.constant 0 : i32
      %dma_start3A_1052 = arith.constant 0 : i32
      %dma_start3A_1053 = tpu.memref_slice %arg10[%dma_start3A_1050, %dma_start3A_1051, %dma_start3A_1052] : memref<8x32x128xf32, #tpu.memory_space<vmem>> -> memref<1x32x128xf32, #tpu.memory_space<vmem>>
      %dma_start3A_1054 = tpu.memref_squeeze %dma_start3A_1053 : memref<1x32x128xf32, #tpu.memory_space<vmem>> -> memref<32x128xf32, #tpu.memory_space<vmem>>
      %dma_start3A_1055 = arith.constant 0 : i32
      %dma_start3A_1056 = tpu.memref_slice %arg5[%dma_start3A_1055, %multiple_of3A_1036] : memref<32x1000000xf32, #tpu.memory_space<hbm>> -> memref<32x128xf32, #tpu.memory_space<hbm>>
      %dma_start3A_1057 = arith.constant 0 : i32
      %dma_start3A_1058 = arith.constant 0 : i32
      %dma_start3A_1059 = tpu.memref_slice %arg10[%dma_start3A_1050, %dma_start3A_1057, %dma_start3A_1058] : memref<8x32x128xf32, #tpu.memory_space<vmem>> -> memref<1x32x128xf32, #tpu.memory_space<vmem>>
      %dma_start3A_1060 = tpu.memref_squeeze %dma_start3A_1059 : memref<1x32x128xf32, #tpu.memory_space<vmem>> -> memref<32x128xf32, #tpu.memory_space<vmem>>
      %dma_start3A_1061 = arith.constant 0 : i32
      %dma_start3A_1062 = tpu.memref_slice %arg5[%dma_start3A_1061, %multiple_of3A_1036] : memref<32x1000000xf32, #tpu.memory_space<hbm>> -> memref<32x128xf32, #tpu.memory_space<hbm>>
      tpu.enqueue_dma source(%dma_start3A_1062 : memref<32x128xf32, #tpu.memory_space<hbm>>) target(%dma_start3A_1060 : memref<32x128xf32, #tpu.memory_space<vmem>>) target_semaphore(%arg14 : memref<!tpu.dma_semaphore, #tpu.memory_space<semaphore_mem>>)
      %slice3A_1063 = vector.extract_strided_slice %get3A_11 {offsets = [13], sizes = [1], strides = [1]} : vector<16xi32> to vector<1xi32>
      %squeeze3A_1064 = vector.extract %slice3A_1063[0] : i32 from vector<1xi32>
      %shift_right_arithmetic3A_1065 = arith.constant 7 : i32
      %shift_right_arithmetic3A_1066 = arith.shrsi %squeeze3A_1064, %shift_right_arithmetic3A_1065 : i32
      %mul3A_1067 = arith.constant 128 : i32
      %mul3A_1068 = arith.muli %shift_right_arithmetic3A_1066, %mul3A_1067 : i32
      %multiple_of3A_1069 = tpu.assume_multiple %mul3A_1068, 128 : i32
      %slice3A_1070 = vector.extract_strided_slice %get3A_15 {offsets = [13], sizes = [1], strides = [1]} : vector<16xi32> to vector<1xi32>
      %squeeze3A_1071 = vector.extract %slice3A_1070[0] : i32 from vector<1xi32>
      %shift_right_arithmetic3A_1072 = arith.constant 7 : i32
      %shift_right_arithmetic3A_1073 = arith.shrsi %squeeze3A_1071, %shift_right_arithmetic3A_1072 : i32
      %mul3A_1074 = arith.constant 128 : i32
      %mul3A_1075 = arith.muli %shift_right_arithmetic3A_1073, %mul3A_1074 : i32
      %multiple_of3A_1076 = tpu.assume_multiple %mul3A_1075, 128 : i32
      %dma_start3A_1077 = arith.constant 5 : i32
      %dma_start3A_1078 = arith.constant 0 : i32
      %dma_start3A_1079 = arith.constant 0 : i32
      %dma_start3A_1080 = tpu.memref_slice %arg9[%dma_start3A_1077, %dma_start3A_1078, %dma_start3A_1079] : memref<8x32x128xf32, #tpu.memory_space<vmem>> -> memref<1x32x128xf32, #tpu.memory_space<vmem>>
      %dma_start3A_1081 = tpu.memref_squeeze %dma_start3A_1080 : memref<1x32x128xf32, #tpu.memory_space<vmem>> -> memref<32x128xf32, #tpu.memory_space<vmem>>
      %dma_start3A_1082 = arith.constant 0 : i32
      %dma_start3A_1083 = tpu.memref_slice %arg4[%dma_start3A_1082, %multiple_of3A_1069] : memref<32x1000000xf32, #tpu.memory_space<hbm>> -> memref<32x128xf32, #tpu.memory_space<hbm>>
      %dma_start3A_1084 = arith.constant 0 : i32
      %dma_start3A_1085 = arith.constant 0 : i32
      %dma_start3A_1086 = tpu.memref_slice %arg9[%dma_start3A_1077, %dma_start3A_1084, %dma_start3A_1085] : memref<8x32x128xf32, #tpu.memory_space<vmem>> -> memref<1x32x128xf32, #tpu.memory_space<vmem>>
      %dma_start3A_1087 = tpu.memref_squeeze %dma_start3A_1086 : memref<1x32x128xf32, #tpu.memory_space<vmem>> -> memref<32x128xf32, #tpu.memory_space<vmem>>
      %dma_start3A_1088 = arith.constant 0 : i32
      %dma_start3A_1089 = tpu.memref_slice %arg4[%dma_start3A_1088, %multiple_of3A_1069] : memref<32x1000000xf32, #tpu.memory_space<hbm>> -> memref<32x128xf32, #tpu.memory_space<hbm>>
      tpu.enqueue_dma source(%dma_start3A_1089 : memref<32x128xf32, #tpu.memory_space<hbm>>) target(%dma_start3A_1087 : memref<32x128xf32, #tpu.memory_space<vmem>>) target_semaphore(%arg13 : memref<!tpu.dma_semaphore, #tpu.memory_space<semaphore_mem>>)
      %dma_start3A_1090 = arith.constant 5 : i32
      %dma_start3A_1091 = arith.constant 0 : i32
      %dma_start3A_1092 = arith.constant 0 : i32
      %dma_start3A_1093 = tpu.memref_slice %arg10[%dma_start3A_1090, %dma_start3A_1091, %dma_start3A_1092] : memref<8x32x128xf32, #tpu.memory_space<vmem>> -> memref<1x32x128xf32, #tpu.memory_space<vmem>>
      %dma_start3A_1094 = tpu.memref_squeeze %dma_start3A_1093 : memref<1x32x128xf32, #tpu.memory_space<vmem>> -> memref<32x128xf32, #tpu.memory_space<vmem>>
      %dma_start3A_1095 = arith.constant 0 : i32
      %dma_start3A_1096 = tpu.memref_slice %arg5[%dma_start3A_1095, %multiple_of3A_1076] : memref<32x1000000xf32, #tpu.memory_space<hbm>> -> memref<32x128xf32, #tpu.memory_space<hbm>>
      %dma_start3A_1097 = arith.constant 0 : i32
      %dma_start3A_1098 = arith.constant 0 : i32
      %dma_start3A_1099 = tpu.memref_slice %arg10[%dma_start3A_1090, %dma_start3A_1097, %dma_start3A_1098] : memref<8x32x128xf32, #tpu.memory_space<vmem>> -> memref<1x32x128xf32, #tpu.memory_space<vmem>>
      %dma_start3A_1100 = tpu.memref_squeeze %dma_start3A_1099 : memref<1x32x128xf32, #tpu.memory_space<vmem>> -> memref<32x128xf32, #tpu.memory_space<vmem>>
      %dma_start3A_1101 = arith.constant 0 : i32
      %dma_start3A_1102 = tpu.memref_slice %arg5[%dma_start3A_1101, %multiple_of3A_1076] : memref<32x1000000xf32, #tpu.memory_space<hbm>> -> memref<32x128xf32, #tpu.memory_space<hbm>>
      tpu.enqueue_dma source(%dma_start3A_1102 : memref<32x128xf32, #tpu.memory_space<hbm>>) target(%dma_start3A_1100 : memref<32x128xf32, #tpu.memory_space<vmem>>) target_semaphore(%arg14 : memref<!tpu.dma_semaphore, #tpu.memory_space<semaphore_mem>>)
      %slice3A_1103 = vector.extract_strided_slice %get3A_11 {offsets = [14], sizes = [1], strides = [1]} : vector<16xi32> to vector<1xi32>
      %squeeze3A_1104 = vector.extract %slice3A_1103[0] : i32 from vector<1xi32>
      %shift_right_arithmetic3A_1105 = arith.constant 7 : i32
      %shift_right_arithmetic3A_1106 = arith.shrsi %squeeze3A_1104, %shift_right_arithmetic3A_1105 : i32
      %mul3A_1107 = arith.constant 128 : i32
      %mul3A_1108 = arith.muli %shift_right_arithmetic3A_1106, %mul3A_1107 : i32
      %multiple_of3A_1109 = tpu.assume_multiple %mul3A_1108, 128 : i32
      %slice3A_1110 = vector.extract_strided_slice %get3A_15 {offsets = [14], sizes = [1], strides = [1]} : vector<16xi32> to vector<1xi32>
      %squeeze3A_1111 = vector.extract %slice3A_1110[0] : i32 from vector<1xi32>
      %shift_right_arithmetic3A_1112 = arith.constant 7 : i32
      %shift_right_arithmetic3A_1113 = arith.shrsi %squeeze3A_1111, %shift_right_arithmetic3A_1112 : i32
      %mul3A_1114 = arith.constant 128 : i32
      %mul3A_1115 = arith.muli %shift_right_arithmetic3A_1113, %mul3A_1114 : i32
      %multiple_of3A_1116 = tpu.assume_multiple %mul3A_1115, 128 : i32
      %dma_start3A_1117 = arith.constant 6 : i32
      %dma_start3A_1118 = arith.constant 0 : i32
      %dma_start3A_1119 = arith.constant 0 : i32
      %dma_start3A_1120 = tpu.memref_slice %arg9[%dma_start3A_1117, %dma_start3A_1118, %dma_start3A_1119] : memref<8x32x128xf32, #tpu.memory_space<vmem>> -> memref<1x32x128xf32, #tpu.memory_space<vmem>>
      %dma_start3A_1121 = tpu.memref_squeeze %dma_start3A_1120 : memref<1x32x128xf32, #tpu.memory_space<vmem>> -> memref<32x128xf32, #tpu.memory_space<vmem>>
      %dma_start3A_1122 = arith.constant 0 : i32
      %dma_start3A_1123 = tpu.memref_slice %arg4[%dma_start3A_1122, %multiple_of3A_1109] : memref<32x1000000xf32, #tpu.memory_space<hbm>> -> memref<32x128xf32, #tpu.memory_space<hbm>>
      %dma_start3A_1124 = arith.constant 0 : i32
      %dma_start3A_1125 = arith.constant 0 : i32
      %dma_start3A_1126 = tpu.memref_slice %arg9[%dma_start3A_1117, %dma_start3A_1124, %dma_start3A_1125] : memref<8x32x128xf32, #tpu.memory_space<vmem>> -> memref<1x32x128xf32, #tpu.memory_space<vmem>>
      %dma_start3A_1127 = tpu.memref_squeeze %dma_start3A_1126 : memref<1x32x128xf32, #tpu.memory_space<vmem>> -> memref<32x128xf32, #tpu.memory_space<vmem>>
      %dma_start3A_1128 = arith.constant 0 : i32
      %dma_start3A_1129 = tpu.memref_slice %arg4[%dma_start3A_1128, %multiple_of3A_1109] : memref<32x1000000xf32, #tpu.memory_space<hbm>> -> memref<32x128xf32, #tpu.memory_space<hbm>>
      tpu.enqueue_dma source(%dma_start3A_1129 : memref<32x128xf32, #tpu.memory_space<hbm>>) target(%dma_start3A_1127 : memref<32x128xf32, #tpu.memory_space<vmem>>) target_semaphore(%arg13 : memref<!tpu.dma_semaphore, #tpu.memory_space<semaphore_mem>>)
      %dma_start3A_1130 = arith.constant 6 : i32
      %dma_start3A_1131 = arith.constant 0 : i32
      %dma_start3A_1132 = arith.constant 0 : i32
      %dma_start3A_1133 = tpu.memref_slice %arg10[%dma_start3A_1130, %dma_start3A_1131, %dma_start3A_1132] : memref<8x32x128xf32, #tpu.memory_space<vmem>> -> memref<1x32x128xf32, #tpu.memory_space<vmem>>
      %dma_start3A_1134 = tpu.memref_squeeze %dma_start3A_1133 : memref<1x32x128xf32, #tpu.memory_space<vmem>> -> memref<32x128xf32, #tpu.memory_space<vmem>>
      %dma_start3A_1135 = arith.constant 0 : i32
      %dma_start3A_1136 = tpu.memref_slice %arg5[%dma_start3A_1135, %multiple_of3A_1116] : memref<32x1000000xf32, #tpu.memory_space<hbm>> -> memref<32x128xf32, #tpu.memory_space<hbm>>
      %dma_start3A_1137 = arith.constant 0 : i32
      %dma_start3A_1138 = arith.constant 0 : i32
      %dma_start3A_1139 = tpu.memref_slice %arg10[%dma_start3A_1130, %dma_start3A_1137, %dma_start3A_1138] : memref<8x32x128xf32, #tpu.memory_space<vmem>> -> memref<1x32x128xf32, #tpu.memory_space<vmem>>
      %dma_start3A_1140 = tpu.memref_squeeze %dma_start3A_1139 : memref<1x32x128xf32, #tpu.memory_space<vmem>> -> memref<32x128xf32, #tpu.memory_space<vmem>>
      %dma_start3A_1141 = arith.constant 0 : i32
      %dma_start3A_1142 = tpu.memref_slice %arg5[%dma_start3A_1141, %multiple_of3A_1116] : memref<32x1000000xf32, #tpu.memory_space<hbm>> -> memref<32x128xf32, #tpu.memory_space<hbm>>
      tpu.enqueue_dma source(%dma_start3A_1142 : memref<32x128xf32, #tpu.memory_space<hbm>>) target(%dma_start3A_1140 : memref<32x128xf32, #tpu.memory_space<vmem>>) target_semaphore(%arg14 : memref<!tpu.dma_semaphore, #tpu.memory_space<semaphore_mem>>)
      %slice3A_1143 = vector.extract_strided_slice %get3A_11 {offsets = [15], sizes = [1], strides = [1]} : vector<16xi32> to vector<1xi32>
      %squeeze3A_1144 = vector.extract %slice3A_1143[0] : i32 from vector<1xi32>
      %shift_right_arithmetic3A_1145 = arith.constant 7 : i32
      %shift_right_arithmetic3A_1146 = arith.shrsi %squeeze3A_1144, %shift_right_arithmetic3A_1145 : i32
      %mul3A_1147 = arith.constant 128 : i32
      %mul3A_1148 = arith.muli %shift_right_arithmetic3A_1146, %mul3A_1147 : i32
      %multiple_of3A_1149 = tpu.assume_multiple %mul3A_1148, 128 : i32
      %slice3A_1150 = vector.extract_strided_slice %get3A_15 {offsets = [15], sizes = [1], strides = [1]} : vector<16xi32> to vector<1xi32>
      %squeeze3A_1151 = vector.extract %slice3A_1150[0] : i32 from vector<1xi32>
      %shift_right_arithmetic3A_1152 = arith.constant 7 : i32
      %shift_right_arithmetic3A_1153 = arith.shrsi %squeeze3A_1151, %shift_right_arithmetic3A_1152 : i32
      %mul3A_1154 = arith.constant 128 : i32
      %mul3A_1155 = arith.muli %shift_right_arithmetic3A_1153, %mul3A_1154 : i32
      %multiple_of3A_1156 = tpu.assume_multiple %mul3A_1155, 128 : i32
      %dma_start3A_1157 = arith.constant 7 : i32
      %dma_start3A_1158 = arith.constant 0 : i32
      %dma_start3A_1159 = arith.constant 0 : i32
      %dma_start3A_1160 = tpu.memref_slice %arg9[%dma_start3A_1157, %dma_start3A_1158, %dma_start3A_1159] : memref<8x32x128xf32, #tpu.memory_space<vmem>> -> memref<1x32x128xf32, #tpu.memory_space<vmem>>
      %dma_start3A_1161 = tpu.memref_squeeze %dma_start3A_1160 : memref<1x32x128xf32, #tpu.memory_space<vmem>> -> memref<32x128xf32, #tpu.memory_space<vmem>>
      %dma_start3A_1162 = arith.constant 0 : i32
      %dma_start3A_1163 = tpu.memref_slice %arg4[%dma_start3A_1162, %multiple_of3A_1149] : memref<32x1000000xf32, #tpu.memory_space<hbm>> -> memref<32x128xf32, #tpu.memory_space<hbm>>
      %dma_start3A_1164 = arith.constant 0 : i32
      %dma_start3A_1165 = arith.constant 0 : i32
      %dma_start3A_1166 = tpu.memref_slice %arg9[%dma_start3A_1157, %dma_start3A_1164, %dma_start3A_1165] : memref<8x32x128xf32, #tpu.memory_space<vmem>> -> memref<1x32x128xf32, #tpu.memory_space<vmem>>
      %dma_start3A_1167 = tpu.memref_squeeze %dma_start3A_1166 : memref<1x32x128xf32, #tpu.memory_space<vmem>> -> memref<32x128xf32, #tpu.memory_space<vmem>>
      %dma_start3A_1168 = arith.constant 0 : i32
      %dma_start3A_1169 = tpu.memref_slice %arg4[%dma_start3A_1168, %multiple_of3A_1149] : memref<32x1000000xf32, #tpu.memory_space<hbm>> -> memref<32x128xf32, #tpu.memory_space<hbm>>
      tpu.enqueue_dma source(%dma_start3A_1169 : memref<32x128xf32, #tpu.memory_space<hbm>>) target(%dma_start3A_1167 : memref<32x128xf32, #tpu.memory_space<vmem>>) target_semaphore(%arg13 : memref<!tpu.dma_semaphore, #tpu.memory_space<semaphore_mem>>)
      %dma_start3A_1170 = arith.constant 7 : i32
      %dma_start3A_1171 = arith.constant 0 : i32
      %dma_start3A_1172 = arith.constant 0 : i32
      %dma_start3A_1173 = tpu.memref_slice %arg10[%dma_start3A_1170, %dma_start3A_1171, %dma_start3A_1172] : memref<8x32x128xf32, #tpu.memory_space<vmem>> -> memref<1x32x128xf32, #tpu.memory_space<vmem>>
      %dma_start3A_1174 = tpu.memref_squeeze %dma_start3A_1173 : memref<1x32x128xf32, #tpu.memory_space<vmem>> -> memref<32x128xf32, #tpu.memory_space<vmem>>
      %dma_start3A_1175 = arith.constant 0 : i32
      %dma_start3A_1176 = tpu.memref_slice %arg5[%dma_start3A_1175, %multiple_of3A_1156] : memref<32x1000000xf32, #tpu.memory_space<hbm>> -> memref<32x128xf32, #tpu.memory_space<hbm>>
      %dma_start3A_1177 = arith.constant 0 : i32
      %dma_start3A_1178 = arith.constant 0 : i32
      %dma_start3A_1179 = tpu.memref_slice %arg10[%dma_start3A_1170, %dma_start3A_1177, %dma_start3A_1178] : memref<8x32x128xf32, #tpu.memory_space<vmem>> -> memref<1x32x128xf32, #tpu.memory_space<vmem>>
      %dma_start3A_1180 = tpu.memref_squeeze %dma_start3A_1179 : memref<1x32x128xf32, #tpu.memory_space<vmem>> -> memref<32x128xf32, #tpu.memory_space<vmem>>
      %dma_start3A_1181 = arith.constant 0 : i32
      %dma_start3A_1182 = tpu.memref_slice %arg5[%dma_start3A_1181, %multiple_of3A_1156] : memref<32x1000000xf32, #tpu.memory_space<hbm>> -> memref<32x128xf32, #tpu.memory_space<hbm>>
      tpu.enqueue_dma source(%dma_start3A_1182 : memref<32x128xf32, #tpu.memory_space<hbm>>) target(%dma_start3A_1180 : memref<32x128xf32, #tpu.memory_space<vmem>>) target_semaphore(%arg14 : memref<!tpu.dma_semaphore, #tpu.memory_space<semaphore_mem>>)
      %dma_wait3A_1183 = arith.constant 0 : i32
      %dma_wait3A_1184 = arith.constant 0 : i32
      %dma_wait3A_1185 = arith.constant 0 : i32
      %dma_wait3A_1186 = tpu.memref_slice %arg9[%dma_wait3A_1183, %dma_wait3A_1184, %dma_wait3A_1185] : memref<8x32x128xf32, #tpu.memory_space<vmem>> -> memref<1x32x128xf32, #tpu.memory_space<vmem>>
      %dma_wait3A_1187 = tpu.memref_squeeze %dma_wait3A_1186 : memref<1x32x128xf32, #tpu.memory_space<vmem>> -> memref<32x128xf32, #tpu.memory_space<vmem>>
      %dma_wait3A_1188 = arith.constant 0 : i32
      %dma_wait3A_1189 = arith.constant 0 : i32
      %dma_wait3A_1190 = tpu.memref_slice %arg4[%dma_wait3A_1188, %dma_wait3A_1189] : memref<32x1000000xf32, #tpu.memory_space<hbm>> -> memref<32x128xf32, #tpu.memory_space<hbm>>
      %dma_wait3A_1191 = arith.constant 0 : i32
      %dma_wait3A_1192 = arith.constant 0 : i32
      %dma_wait3A_1193 = tpu.memref_slice %arg9[%dma_wait3A_1183, %dma_wait3A_1191, %dma_wait3A_1192] : memref<8x32x128xf32, #tpu.memory_space<vmem>> -> memref<1x32x128xf32, #tpu.memory_space<vmem>>
      %dma_wait3A_1194 = tpu.memref_squeeze %dma_wait3A_1193 : memref<1x32x128xf32, #tpu.memory_space<vmem>> -> memref<32x128xf32, #tpu.memory_space<vmem>>
      %dma_wait3A_1195 = arith.constant 0 : i32
      %dma_wait3A_1196 = arith.constant 0 : i32
      %dma_wait3A_1197 = tpu.memref_slice %arg4[%dma_wait3A_1195, %dma_wait3A_1196] : memref<32x1000000xf32, #tpu.memory_space<hbm>> -> memref<32x128xf32, #tpu.memory_space<hbm>>
      tpu.wait_dma2 semaphore(%arg13 : memref<!tpu.dma_semaphore, #tpu.memory_space<semaphore_mem>>) src(%dma_wait3A_1197 : memref<32x128xf32, #tpu.memory_space<hbm>>) dst(%dma_wait3A_1194 : memref<32x128xf32, #tpu.memory_space<vmem>>)
      %dma_wait3A_1198 = arith.constant 0 : i32
      %dma_wait3A_1199 = arith.constant 0 : i32
      %dma_wait3A_1200 = arith.constant 0 : i32
      %dma_wait3A_1201 = tpu.memref_slice %arg10[%dma_wait3A_1198, %dma_wait3A_1199, %dma_wait3A_1200] : memref<8x32x128xf32, #tpu.memory_space<vmem>> -> memref<1x32x128xf32, #tpu.memory_space<vmem>>
      %dma_wait3A_1202 = tpu.memref_squeeze %dma_wait3A_1201 : memref<1x32x128xf32, #tpu.memory_space<vmem>> -> memref<32x128xf32, #tpu.memory_space<vmem>>
      %dma_wait3A_1203 = arith.constant 0 : i32
      %dma_wait3A_1204 = arith.constant 0 : i32
      %dma_wait3A_1205 = tpu.memref_slice %arg5[%dma_wait3A_1203, %dma_wait3A_1204] : memref<32x1000000xf32, #tpu.memory_space<hbm>> -> memref<32x128xf32, #tpu.memory_space<hbm>>
      %dma_wait3A_1206 = arith.constant 0 : i32
      %dma_wait3A_1207 = arith.constant 0 : i32
      %dma_wait3A_1208 = tpu.memref_slice %arg10[%dma_wait3A_1198, %dma_wait3A_1206, %dma_wait3A_1207] : memref<8x32x128xf32, #tpu.memory_space<vmem>> -> memref<1x32x128xf32, #tpu.memory_space<vmem>>
      %dma_wait3A_1209 = tpu.memref_squeeze %dma_wait3A_1208 : memref<1x32x128xf32, #tpu.memory_space<vmem>> -> memref<32x128xf32, #tpu.memory_space<vmem>>
      %dma_wait3A_1210 = arith.constant 0 : i32
      %dma_wait3A_1211 = arith.constant 0 : i32
      %dma_wait3A_1212 = tpu.memref_slice %arg5[%dma_wait3A_1210, %dma_wait3A_1211] : memref<32x1000000xf32, #tpu.memory_space<hbm>> -> memref<32x128xf32, #tpu.memory_space<hbm>>
      tpu.wait_dma2 semaphore(%arg14 : memref<!tpu.dma_semaphore, #tpu.memory_space<semaphore_mem>>) src(%dma_wait3A_1212 : memref<32x128xf32, #tpu.memory_space<hbm>>) dst(%dma_wait3A_1209 : memref<32x128xf32, #tpu.memory_space<vmem>>)
      %dma_wait3A_1213 = arith.constant 1 : i32
      %dma_wait3A_1214 = arith.constant 0 : i32
      %dma_wait3A_1215 = arith.constant 0 : i32
      %dma_wait3A_1216 = tpu.memref_slice %arg9[%dma_wait3A_1213, %dma_wait3A_1214, %dma_wait3A_1215] : memref<8x32x128xf32, #tpu.memory_space<vmem>> -> memref<1x32x128xf32, #tpu.memory_space<vmem>>
      %dma_wait3A_1217 = tpu.memref_squeeze %dma_wait3A_1216 : memref<1x32x128xf32, #tpu.memory_space<vmem>> -> memref<32x128xf32, #tpu.memory_space<vmem>>
      %dma_wait3A_1218 = arith.constant 0 : i32
      %dma_wait3A_1219 = arith.constant 0 : i32
      %dma_wait3A_1220 = tpu.memref_slice %arg4[%dma_wait3A_1218, %dma_wait3A_1219] : memref<32x1000000xf32, #tpu.memory_space<hbm>> -> memref<32x128xf32, #tpu.memory_space<hbm>>
      %dma_wait3A_1221 = arith.constant 0 : i32
      %dma_wait3A_1222 = arith.constant 0 : i32
      %dma_wait3A_1223 = tpu.memref_slice %arg9[%dma_wait3A_1213, %dma_wait3A_1221, %dma_wait3A_1222] : memref<8x32x128xf32, #tpu.memory_space<vmem>> -> memref<1x32x128xf32, #tpu.memory_space<vmem>>
      %dma_wait3A_1224 = tpu.memref_squeeze %dma_wait3A_1223 : memref<1x32x128xf32, #tpu.memory_space<vmem>> -> memref<32x128xf32, #tpu.memory_space<vmem>>
      %dma_wait3A_1225 = arith.constant 0 : i32
      %dma_wait3A_1226 = arith.constant 0 : i32
      %dma_wait3A_1227 = tpu.memref_slice %arg4[%dma_wait3A_1225, %dma_wait3A_1226] : memref<32x1000000xf32, #tpu.memory_space<hbm>> -> memref<32x128xf32, #tpu.memory_space<hbm>>
      tpu.wait_dma2 semaphore(%arg13 : memref<!tpu.dma_semaphore, #tpu.memory_space<semaphore_mem>>) src(%dma_wait3A_1227 : memref<32x128xf32, #tpu.memory_space<hbm>>) dst(%dma_wait3A_1224 : memref<32x128xf32, #tpu.memory_space<vmem>>)
      %dma_wait3A_1228 = arith.constant 1 : i32
      %dma_wait3A_1229 = arith.constant 0 : i32
      %dma_wait3A_1230 = arith.constant 0 : i32
      %dma_wait3A_1231 = tpu.memref_slice %arg10[%dma_wait3A_1228, %dma_wait3A_1229, %dma_wait3A_1230] : memref<8x32x128xf32, #tpu.memory_space<vmem>> -> memref<1x32x128xf32, #tpu.memory_space<vmem>>
      %dma_wait3A_1232 = tpu.memref_squeeze %dma_wait3A_1231 : memref<1x32x128xf32, #tpu.memory_space<vmem>> -> memref<32x128xf32, #tpu.memory_space<vmem>>
      %dma_wait3A_1233 = arith.constant 0 : i32
      %dma_wait3A_1234 = arith.constant 0 : i32
      %dma_wait3A_1235 = tpu.memref_slice %arg5[%dma_wait3A_1233, %dma_wait3A_1234] : memref<32x1000000xf32, #tpu.memory_space<hbm>> -> memref<32x128xf32, #tpu.memory_space<hbm>>
      %dma_wait3A_1236 = arith.constant 0 : i32
      %dma_wait3A_1237 = arith.constant 0 : i32
      %dma_wait3A_1238 = tpu.memref_slice %arg10[%dma_wait3A_1228, %dma_wait3A_1236, %dma_wait3A_1237] : memref<8x32x128xf32, #tpu.memory_space<vmem>> -> memref<1x32x128xf32, #tpu.memory_space<vmem>>
      %dma_wait3A_1239 = tpu.memref_squeeze %dma_wait3A_1238 : memref<1x32x128xf32, #tpu.memory_space<vmem>> -> memref<32x128xf32, #tpu.memory_space<vmem>>
      %dma_wait3A_1240 = arith.constant 0 : i32
      %dma_wait3A_1241 = arith.constant 0 : i32
      %dma_wait3A_1242 = tpu.memref_slice %arg5[%dma_wait3A_1240, %dma_wait3A_1241] : memref<32x1000000xf32, #tpu.memory_space<hbm>> -> memref<32x128xf32, #tpu.memory_space<hbm>>
      tpu.wait_dma2 semaphore(%arg14 : memref<!tpu.dma_semaphore, #tpu.memory_space<semaphore_mem>>) src(%dma_wait3A_1242 : memref<32x128xf32, #tpu.memory_space<hbm>>) dst(%dma_wait3A_1239 : memref<32x128xf32, #tpu.memory_space<vmem>>)
      %dma_wait3A_1243 = arith.constant 2 : i32
      %dma_wait3A_1244 = arith.constant 0 : i32
      %dma_wait3A_1245 = arith.constant 0 : i32
      %dma_wait3A_1246 = tpu.memref_slice %arg9[%dma_wait3A_1243, %dma_wait3A_1244, %dma_wait3A_1245] : memref<8x32x128xf32, #tpu.memory_space<vmem>> -> memref<1x32x128xf32, #tpu.memory_space<vmem>>
      %dma_wait3A_1247 = tpu.memref_squeeze %dma_wait3A_1246 : memref<1x32x128xf32, #tpu.memory_space<vmem>> -> memref<32x128xf32, #tpu.memory_space<vmem>>
      %dma_wait3A_1248 = arith.constant 0 : i32
      %dma_wait3A_1249 = arith.constant 0 : i32
      %dma_wait3A_1250 = tpu.memref_slice %arg4[%dma_wait3A_1248, %dma_wait3A_1249] : memref<32x1000000xf32, #tpu.memory_space<hbm>> -> memref<32x128xf32, #tpu.memory_space<hbm>>
      %dma_wait3A_1251 = arith.constant 0 : i32
      %dma_wait3A_1252 = arith.constant 0 : i32
      %dma_wait3A_1253 = tpu.memref_slice %arg9[%dma_wait3A_1243, %dma_wait3A_1251, %dma_wait3A_1252] : memref<8x32x128xf32, #tpu.memory_space<vmem>> -> memref<1x32x128xf32, #tpu.memory_space<vmem>>
      %dma_wait3A_1254 = tpu.memref_squeeze %dma_wait3A_1253 : memref<1x32x128xf32, #tpu.memory_space<vmem>> -> memref<32x128xf32, #tpu.memory_space<vmem>>
      %dma_wait3A_1255 = arith.constant 0 : i32
      %dma_wait3A_1256 = arith.constant 0 : i32
      %dma_wait3A_1257 = tpu.memref_slice %arg4[%dma_wait3A_1255, %dma_wait3A_1256] : memref<32x1000000xf32, #tpu.memory_space<hbm>> -> memref<32x128xf32, #tpu.memory_space<hbm>>
      tpu.wait_dma2 semaphore(%arg13 : memref<!tpu.dma_semaphore, #tpu.memory_space<semaphore_mem>>) src(%dma_wait3A_1257 : memref<32x128xf32, #tpu.memory_space<hbm>>) dst(%dma_wait3A_1254 : memref<32x128xf32, #tpu.memory_space<vmem>>)
      %dma_wait3A_1258 = arith.constant 2 : i32
      %dma_wait3A_1259 = arith.constant 0 : i32
      %dma_wait3A_1260 = arith.constant 0 : i32
      %dma_wait3A_1261 = tpu.memref_slice %arg10[%dma_wait3A_1258, %dma_wait3A_1259, %dma_wait3A_1260] : memref<8x32x128xf32, #tpu.memory_space<vmem>> -> memref<1x32x128xf32, #tpu.memory_space<vmem>>
      %dma_wait3A_1262 = tpu.memref_squeeze %dma_wait3A_1261 : memref<1x32x128xf32, #tpu.memory_space<vmem>> -> memref<32x128xf32, #tpu.memory_space<vmem>>
      %dma_wait3A_1263 = arith.constant 0 : i32
      %dma_wait3A_1264 = arith.constant 0 : i32
      %dma_wait3A_1265 = tpu.memref_slice %arg5[%dma_wait3A_1263, %dma_wait3A_1264] : memref<32x1000000xf32, #tpu.memory_space<hbm>> -> memref<32x128xf32, #tpu.memory_space<hbm>>
      %dma_wait3A_1266 = arith.constant 0 : i32
      %dma_wait3A_1267 = arith.constant 0 : i32
      %dma_wait3A_1268 = tpu.memref_slice %arg10[%dma_wait3A_1258, %dma_wait3A_1266, %dma_wait3A_1267] : memref<8x32x128xf32, #tpu.memory_space<vmem>> -> memref<1x32x128xf32, #tpu.memory_space<vmem>>
      %dma_wait3A_1269 = tpu.memref_squeeze %dma_wait3A_1268 : memref<1x32x128xf32, #tpu.memory_space<vmem>> -> memref<32x128xf32, #tpu.memory_space<vmem>>
      %dma_wait3A_1270 = arith.constant 0 : i32
      %dma_wait3A_1271 = arith.constant 0 : i32
      %dma_wait3A_1272 = tpu.memref_slice %arg5[%dma_wait3A_1270, %dma_wait3A_1271] : memref<32x1000000xf32, #tpu.memory_space<hbm>> -> memref<32x128xf32, #tpu.memory_space<hbm>>
      tpu.wait_dma2 semaphore(%arg14 : memref<!tpu.dma_semaphore, #tpu.memory_space<semaphore_mem>>) src(%dma_wait3A_1272 : memref<32x128xf32, #tpu.memory_space<hbm>>) dst(%dma_wait3A_1269 : memref<32x128xf32, #tpu.memory_space<vmem>>)
      %dma_wait3A_1273 = arith.constant 3 : i32
      %dma_wait3A_1274 = arith.constant 0 : i32
      %dma_wait3A_1275 = arith.constant 0 : i32
      %dma_wait3A_1276 = tpu.memref_slice %arg9[%dma_wait3A_1273, %dma_wait3A_1274, %dma_wait3A_1275] : memref<8x32x128xf32, #tpu.memory_space<vmem>> -> memref<1x32x128xf32, #tpu.memory_space<vmem>>
      %dma_wait3A_1277 = tpu.memref_squeeze %dma_wait3A_1276 : memref<1x32x128xf32, #tpu.memory_space<vmem>> -> memref<32x128xf32, #tpu.memory_space<vmem>>
      %dma_wait3A_1278 = arith.constant 0 : i32
      %dma_wait3A_1279 = arith.constant 0 : i32
      %dma_wait3A_1280 = tpu.memref_slice %arg4[%dma_wait3A_1278, %dma_wait3A_1279] : memref<32x1000000xf32, #tpu.memory_space<hbm>> -> memref<32x128xf32, #tpu.memory_space<hbm>>
      %dma_wait3A_1281 = arith.constant 0 : i32
      %dma_wait3A_1282 = arith.constant 0 : i32
      %dma_wait3A_1283 = tpu.memref_slice %arg9[%dma_wait3A_1273, %dma_wait3A_1281, %dma_wait3A_1282] : memref<8x32x128xf32, #tpu.memory_space<vmem>> -> memref<1x32x128xf32, #tpu.memory_space<vmem>>
      %dma_wait3A_1284 = tpu.memref_squeeze %dma_wait3A_1283 : memref<1x32x128xf32, #tpu.memory_space<vmem>> -> memref<32x128xf32, #tpu.memory_space<vmem>>
      %dma_wait3A_1285 = arith.constant 0 : i32
      %dma_wait3A_1286 = arith.constant 0 : i32
      %dma_wait3A_1287 = tpu.memref_slice %arg4[%dma_wait3A_1285, %dma_wait3A_1286] : memref<32x1000000xf32, #tpu.memory_space<hbm>> -> memref<32x128xf32, #tpu.memory_space<hbm>>
      tpu.wait_dma2 semaphore(%arg13 : memref<!tpu.dma_semaphore, #tpu.memory_space<semaphore_mem>>) src(%dma_wait3A_1287 : memref<32x128xf32, #tpu.memory_space<hbm>>) dst(%dma_wait3A_1284 : memref<32x128xf32, #tpu.memory_space<vmem>>)
      %dma_wait3A_1288 = arith.constant 3 : i32
      %dma_wait3A_1289 = arith.constant 0 : i32
      %dma_wait3A_1290 = arith.constant 0 : i32
      %dma_wait3A_1291 = tpu.memref_slice %arg10[%dma_wait3A_1288, %dma_wait3A_1289, %dma_wait3A_1290] : memref<8x32x128xf32, #tpu.memory_space<vmem>> -> memref<1x32x128xf32, #tpu.memory_space<vmem>>
      %dma_wait3A_1292 = tpu.memref_squeeze %dma_wait3A_1291 : memref<1x32x128xf32, #tpu.memory_space<vmem>> -> memref<32x128xf32, #tpu.memory_space<vmem>>
      %dma_wait3A_1293 = arith.constant 0 : i32
      %dma_wait3A_1294 = arith.constant 0 : i32
      %dma_wait3A_1295 = tpu.memref_slice %arg5[%dma_wait3A_1293, %dma_wait3A_1294] : memref<32x1000000xf32, #tpu.memory_space<hbm>> -> memref<32x128xf32, #tpu.memory_space<hbm>>
      %dma_wait3A_1296 = arith.constant 0 : i32
      %dma_wait3A_1297 = arith.constant 0 : i32
      %dma_wait3A_1298 = tpu.memref_slice %arg10[%dma_wait3A_1288, %dma_wait3A_1296, %dma_wait3A_1297] : memref<8x32x128xf32, #tpu.memory_space<vmem>> -> memref<1x32x128xf32, #tpu.memory_space<vmem>>
      %dma_wait3A_1299 = tpu.memref_squeeze %dma_wait3A_1298 : memref<1x32x128xf32, #tpu.memory_space<vmem>> -> memref<32x128xf32, #tpu.memory_space<vmem>>
      %dma_wait3A_1300 = arith.constant 0 : i32
      %dma_wait3A_1301 = arith.constant 0 : i32
      %dma_wait3A_1302 = tpu.memref_slice %arg5[%dma_wait3A_1300, %dma_wait3A_1301] : memref<32x1000000xf32, #tpu.memory_space<hbm>> -> memref<32x128xf32, #tpu.memory_space<hbm>>
      tpu.wait_dma2 semaphore(%arg14 : memref<!tpu.dma_semaphore, #tpu.memory_space<semaphore_mem>>) src(%dma_wait3A_1302 : memref<32x128xf32, #tpu.memory_space<hbm>>) dst(%dma_wait3A_1299 : memref<32x128xf32, #tpu.memory_space<vmem>>)
      %dma_wait3A_1303 = arith.constant 4 : i32
      %dma_wait3A_1304 = arith.constant 0 : i32
      %dma_wait3A_1305 = arith.constant 0 : i32
      %dma_wait3A_1306 = tpu.memref_slice %arg9[%dma_wait3A_1303, %dma_wait3A_1304, %dma_wait3A_1305] : memref<8x32x128xf32, #tpu.memory_space<vmem>> -> memref<1x32x128xf32, #tpu.memory_space<vmem>>
      %dma_wait3A_1307 = tpu.memref_squeeze %dma_wait3A_1306 : memref<1x32x128xf32, #tpu.memory_space<vmem>> -> memref<32x128xf32, #tpu.memory_space<vmem>>
      %dma_wait3A_1308 = arith.constant 0 : i32
      %dma_wait3A_1309 = arith.constant 0 : i32
      %dma_wait3A_1310 = tpu.memref_slice %arg4[%dma_wait3A_1308, %dma_wait3A_1309] : memref<32x1000000xf32, #tpu.memory_space<hbm>> -> memref<32x128xf32, #tpu.memory_space<hbm>>
      %dma_wait3A_1311 = arith.constant 0 : i32
      %dma_wait3A_1312 = arith.constant 0 : i32
      %dma_wait3A_1313 = tpu.memref_slice %arg9[%dma_wait3A_1303, %dma_wait3A_1311, %dma_wait3A_1312] : memref<8x32x128xf32, #tpu.memory_space<vmem>> -> memref<1x32x128xf32, #tpu.memory_space<vmem>>
      %dma_wait3A_1314 = tpu.memref_squeeze %dma_wait3A_1313 : memref<1x32x128xf32, #tpu.memory_space<vmem>> -> memref<32x128xf32, #tpu.memory_space<vmem>>
      %dma_wait3A_1315 = arith.constant 0 : i32
      %dma_wait3A_1316 = arith.constant 0 : i32
      %dma_wait3A_1317 = tpu.memref_slice %arg4[%dma_wait3A_1315, %dma_wait3A_1316] : memref<32x1000000xf32, #tpu.memory_space<hbm>> -> memref<32x128xf32, #tpu.memory_space<hbm>>
      tpu.wait_dma2 semaphore(%arg13 : memref<!tpu.dma_semaphore, #tpu.memory_space<semaphore_mem>>) src(%dma_wait3A_1317 : memref<32x128xf32, #tpu.memory_space<hbm>>) dst(%dma_wait3A_1314 : memref<32x128xf32, #tpu.memory_space<vmem>>)
      %dma_wait3A_1318 = arith.constant 4 : i32
      %dma_wait3A_1319 = arith.constant 0 : i32
      %dma_wait3A_1320 = arith.constant 0 : i32
      %dma_wait3A_1321 = tpu.memref_slice %arg10[%dma_wait3A_1318, %dma_wait3A_1319, %dma_wait3A_1320] : memref<8x32x128xf32, #tpu.memory_space<vmem>> -> memref<1x32x128xf32, #tpu.memory_space<vmem>>
      %dma_wait3A_1322 = tpu.memref_squeeze %dma_wait3A_1321 : memref<1x32x128xf32, #tpu.memory_space<vmem>> -> memref<32x128xf32, #tpu.memory_space<vmem>>
      %dma_wait3A_1323 = arith.constant 0 : i32
      %dma_wait3A_1324 = arith.constant 0 : i32
      %dma_wait3A_1325 = tpu.memref_slice %arg5[%dma_wait3A_1323, %dma_wait3A_1324] : memref<32x1000000xf32, #tpu.memory_space<hbm>> -> memref<32x128xf32, #tpu.memory_space<hbm>>
      %dma_wait3A_1326 = arith.constant 0 : i32
      %dma_wait3A_1327 = arith.constant 0 : i32
      %dma_wait3A_1328 = tpu.memref_slice %arg10[%dma_wait3A_1318, %dma_wait3A_1326, %dma_wait3A_1327] : memref<8x32x128xf32, #tpu.memory_space<vmem>> -> memref<1x32x128xf32, #tpu.memory_space<vmem>>
      %dma_wait3A_1329 = tpu.memref_squeeze %dma_wait3A_1328 : memref<1x32x128xf32, #tpu.memory_space<vmem>> -> memref<32x128xf32, #tpu.memory_space<vmem>>
      %dma_wait3A_1330 = arith.constant 0 : i32
      %dma_wait3A_1331 = arith.constant 0 : i32
      %dma_wait3A_1332 = tpu.memref_slice %arg5[%dma_wait3A_1330, %dma_wait3A_1331] : memref<32x1000000xf32, #tpu.memory_space<hbm>> -> memref<32x128xf32, #tpu.memory_space<hbm>>
      tpu.wait_dma2 semaphore(%arg14 : memref<!tpu.dma_semaphore, #tpu.memory_space<semaphore_mem>>) src(%dma_wait3A_1332 : memref<32x128xf32, #tpu.memory_space<hbm>>) dst(%dma_wait3A_1329 : memref<32x128xf32, #tpu.memory_space<vmem>>)
      %dma_wait3A_1333 = arith.constant 5 : i32
      %dma_wait3A_1334 = arith.constant 0 : i32
      %dma_wait3A_1335 = arith.constant 0 : i32
      %dma_wait3A_1336 = tpu.memref_slice %arg9[%dma_wait3A_1333, %dma_wait3A_1334, %dma_wait3A_1335] : memref<8x32x128xf32, #tpu.memory_space<vmem>> -> memref<1x32x128xf32, #tpu.memory_space<vmem>>
      %dma_wait3A_1337 = tpu.memref_squeeze %dma_wait3A_1336 : memref<1x32x128xf32, #tpu.memory_space<vmem>> -> memref<32x128xf32, #tpu.memory_space<vmem>>
      %dma_wait3A_1338 = arith.constant 0 : i32
      %dma_wait3A_1339 = arith.constant 0 : i32
      %dma_wait3A_1340 = tpu.memref_slice %arg4[%dma_wait3A_1338, %dma_wait3A_1339] : memref<32x1000000xf32, #tpu.memory_space<hbm>> -> memref<32x128xf32, #tpu.memory_space<hbm>>
      %dma_wait3A_1341 = arith.constant 0 : i32
      %dma_wait3A_1342 = arith.constant 0 : i32
      %dma_wait3A_1343 = tpu.memref_slice %arg9[%dma_wait3A_1333, %dma_wait3A_1341, %dma_wait3A_1342] : memref<8x32x128xf32, #tpu.memory_space<vmem>> -> memref<1x32x128xf32, #tpu.memory_space<vmem>>
      %dma_wait3A_1344 = tpu.memref_squeeze %dma_wait3A_1343 : memref<1x32x128xf32, #tpu.memory_space<vmem>> -> memref<32x128xf32, #tpu.memory_space<vmem>>
      %dma_wait3A_1345 = arith.constant 0 : i32
      %dma_wait3A_1346 = arith.constant 0 : i32
      %dma_wait3A_1347 = tpu.memref_slice %arg4[%dma_wait3A_1345, %dma_wait3A_1346] : memref<32x1000000xf32, #tpu.memory_space<hbm>> -> memref<32x128xf32, #tpu.memory_space<hbm>>
      tpu.wait_dma2 semaphore(%arg13 : memref<!tpu.dma_semaphore, #tpu.memory_space<semaphore_mem>>) src(%dma_wait3A_1347 : memref<32x128xf32, #tpu.memory_space<hbm>>) dst(%dma_wait3A_1344 : memref<32x128xf32, #tpu.memory_space<vmem>>)
      %dma_wait3A_1348 = arith.constant 5 : i32
      %dma_wait3A_1349 = arith.constant 0 : i32
      %dma_wait3A_1350 = arith.constant 0 : i32
      %dma_wait3A_1351 = tpu.memref_slice %arg10[%dma_wait3A_1348, %dma_wait3A_1349, %dma_wait3A_1350] : memref<8x32x128xf32, #tpu.memory_space<vmem>> -> memref<1x32x128xf32, #tpu.memory_space<vmem>>
      %dma_wait3A_1352 = tpu.memref_squeeze %dma_wait3A_1351 : memref<1x32x128xf32, #tpu.memory_space<vmem>> -> memref<32x128xf32, #tpu.memory_space<vmem>>
      %dma_wait3A_1353 = arith.constant 0 : i32
      %dma_wait3A_1354 = arith.constant 0 : i32
      %dma_wait3A_1355 = tpu.memref_slice %arg5[%dma_wait3A_1353, %dma_wait3A_1354] : memref<32x1000000xf32, #tpu.memory_space<hbm>> -> memref<32x128xf32, #tpu.memory_space<hbm>>
      %dma_wait3A_1356 = arith.constant 0 : i32
      %dma_wait3A_1357 = arith.constant 0 : i32
      %dma_wait3A_1358 = tpu.memref_slice %arg10[%dma_wait3A_1348, %dma_wait3A_1356, %dma_wait3A_1357] : memref<8x32x128xf32, #tpu.memory_space<vmem>> -> memref<1x32x128xf32, #tpu.memory_space<vmem>>
      %dma_wait3A_1359 = tpu.memref_squeeze %dma_wait3A_1358 : memref<1x32x128xf32, #tpu.memory_space<vmem>> -> memref<32x128xf32, #tpu.memory_space<vmem>>
      %dma_wait3A_1360 = arith.constant 0 : i32
      %dma_wait3A_1361 = arith.constant 0 : i32
      %dma_wait3A_1362 = tpu.memref_slice %arg5[%dma_wait3A_1360, %dma_wait3A_1361] : memref<32x1000000xf32, #tpu.memory_space<hbm>> -> memref<32x128xf32, #tpu.memory_space<hbm>>
      tpu.wait_dma2 semaphore(%arg14 : memref<!tpu.dma_semaphore, #tpu.memory_space<semaphore_mem>>) src(%dma_wait3A_1362 : memref<32x128xf32, #tpu.memory_space<hbm>>) dst(%dma_wait3A_1359 : memref<32x128xf32, #tpu.memory_space<vmem>>)
      %dma_wait3A_1363 = arith.constant 6 : i32
      %dma_wait3A_1364 = arith.constant 0 : i32
      %dma_wait3A_1365 = arith.constant 0 : i32
      %dma_wait3A_1366 = tpu.memref_slice %arg9[%dma_wait3A_1363, %dma_wait3A_1364, %dma_wait3A_1365] : memref<8x32x128xf32, #tpu.memory_space<vmem>> -> memref<1x32x128xf32, #tpu.memory_space<vmem>>
      %dma_wait3A_1367 = tpu.memref_squeeze %dma_wait3A_1366 : memref<1x32x128xf32, #tpu.memory_space<vmem>> -> memref<32x128xf32, #tpu.memory_space<vmem>>
      %dma_wait3A_1368 = arith.constant 0 : i32
      %dma_wait3A_1369 = arith.constant 0 : i32
      %dma_wait3A_1370 = tpu.memref_slice %arg4[%dma_wait3A_1368, %dma_wait3A_1369] : memref<32x1000000xf32, #tpu.memory_space<hbm>> -> memref<32x128xf32, #tpu.memory_space<hbm>>
      %dma_wait3A_1371 = arith.constant 0 : i32
      %dma_wait3A_1372 = arith.constant 0 : i32
      %dma_wait3A_1373 = tpu.memref_slice %arg9[%dma_wait3A_1363, %dma_wait3A_1371, %dma_wait3A_1372] : memref<8x32x128xf32, #tpu.memory_space<vmem>> -> memref<1x32x128xf32, #tpu.memory_space<vmem>>
      %dma_wait3A_1374 = tpu.memref_squeeze %dma_wait3A_1373 : memref<1x32x128xf32, #tpu.memory_space<vmem>> -> memref<32x128xf32, #tpu.memory_space<vmem>>
      %dma_wait3A_1375 = arith.constant 0 : i32
      %dma_wait3A_1376 = arith.constant 0 : i32
      %dma_wait3A_1377 = tpu.memref_slice %arg4[%dma_wait3A_1375, %dma_wait3A_1376] : memref<32x1000000xf32, #tpu.memory_space<hbm>> -> memref<32x128xf32, #tpu.memory_space<hbm>>
      tpu.wait_dma2 semaphore(%arg13 : memref<!tpu.dma_semaphore, #tpu.memory_space<semaphore_mem>>) src(%dma_wait3A_1377 : memref<32x128xf32, #tpu.memory_space<hbm>>) dst(%dma_wait3A_1374 : memref<32x128xf32, #tpu.memory_space<vmem>>)
      %dma_wait3A_1378 = arith.constant 6 : i32
      %dma_wait3A_1379 = arith.constant 0 : i32
      %dma_wait3A_1380 = arith.constant 0 : i32
      %dma_wait3A_1381 = tpu.memref_slice %arg10[%dma_wait3A_1378, %dma_wait3A_1379, %dma_wait3A_1380] : memref<8x32x128xf32, #tpu.memory_space<vmem>> -> memref<1x32x128xf32, #tpu.memory_space<vmem>>
      %dma_wait3A_1382 = tpu.memref_squeeze %dma_wait3A_1381 : memref<1x32x128xf32, #tpu.memory_space<vmem>> -> memref<32x128xf32, #tpu.memory_space<vmem>>
      %dma_wait3A_1383 = arith.constant 0 : i32
      %dma_wait3A_1384 = arith.constant 0 : i32
      %dma_wait3A_1385 = tpu.memref_slice %arg5[%dma_wait3A_1383, %dma_wait3A_1384] : memref<32x1000000xf32, #tpu.memory_space<hbm>> -> memref<32x128xf32, #tpu.memory_space<hbm>>
      %dma_wait3A_1386 = arith.constant 0 : i32
      %dma_wait3A_1387 = arith.constant 0 : i32
      %dma_wait3A_1388 = tpu.memref_slice %arg10[%dma_wait3A_1378, %dma_wait3A_1386, %dma_wait3A_1387] : memref<8x32x128xf32, #tpu.memory_space<vmem>> -> memref<1x32x128xf32, #tpu.memory_space<vmem>>
      %dma_wait3A_1389 = tpu.memref_squeeze %dma_wait3A_1388 : memref<1x32x128xf32, #tpu.memory_space<vmem>> -> memref<32x128xf32, #tpu.memory_space<vmem>>
      %dma_wait3A_1390 = arith.constant 0 : i32
      %dma_wait3A_1391 = arith.constant 0 : i32
      %dma_wait3A_1392 = tpu.memref_slice %arg5[%dma_wait3A_1390, %dma_wait3A_1391] : memref<32x1000000xf32, #tpu.memory_space<hbm>> -> memref<32x128xf32, #tpu.memory_space<hbm>>
      tpu.wait_dma2 semaphore(%arg14 : memref<!tpu.dma_semaphore, #tpu.memory_space<semaphore_mem>>) src(%dma_wait3A_1392 : memref<32x128xf32, #tpu.memory_space<hbm>>) dst(%dma_wait3A_1389 : memref<32x128xf32, #tpu.memory_space<vmem>>)
      %dma_wait3A_1393 = arith.constant 7 : i32
      %dma_wait3A_1394 = arith.constant 0 : i32
      %dma_wait3A_1395 = arith.constant 0 : i32
      %dma_wait3A_1396 = tpu.memref_slice %arg9[%dma_wait3A_1393, %dma_wait3A_1394, %dma_wait3A_1395] : memref<8x32x128xf32, #tpu.memory_space<vmem>> -> memref<1x32x128xf32, #tpu.memory_space<vmem>>
      %dma_wait3A_1397 = tpu.memref_squeeze %dma_wait3A_1396 : memref<1x32x128xf32, #tpu.memory_space<vmem>> -> memref<32x128xf32, #tpu.memory_space<vmem>>
      %dma_wait3A_1398 = arith.constant 0 : i32
      %dma_wait3A_1399 = arith.constant 0 : i32
      %dma_wait3A_1400 = tpu.memref_slice %arg4[%dma_wait3A_1398, %dma_wait3A_1399] : memref<32x1000000xf32, #tpu.memory_space<hbm>> -> memref<32x128xf32, #tpu.memory_space<hbm>>
      %dma_wait3A_1401 = arith.constant 0 : i32
      %dma_wait3A_1402 = arith.constant 0 : i32
      %dma_wait3A_1403 = tpu.memref_slice %arg9[%dma_wait3A_1393, %dma_wait3A_1401, %dma_wait3A_1402] : memref<8x32x128xf32, #tpu.memory_space<vmem>> -> memref<1x32x128xf32, #tpu.memory_space<vmem>>
      %dma_wait3A_1404 = tpu.memref_squeeze %dma_wait3A_1403 : memref<1x32x128xf32, #tpu.memory_space<vmem>> -> memref<32x128xf32, #tpu.memory_space<vmem>>
      %dma_wait3A_1405 = arith.constant 0 : i32
      %dma_wait3A_1406 = arith.constant 0 : i32
      %dma_wait3A_1407 = tpu.memref_slice %arg4[%dma_wait3A_1405, %dma_wait3A_1406] : memref<32x1000000xf32, #tpu.memory_space<hbm>> -> memref<32x128xf32, #tpu.memory_space<hbm>>
      tpu.wait_dma2 semaphore(%arg13 : memref<!tpu.dma_semaphore, #tpu.memory_space<semaphore_mem>>) src(%dma_wait3A_1407 : memref<32x128xf32, #tpu.memory_space<hbm>>) dst(%dma_wait3A_1404 : memref<32x128xf32, #tpu.memory_space<vmem>>)
      %dma_wait3A_1408 = arith.constant 7 : i32
      %dma_wait3A_1409 = arith.constant 0 : i32
      %dma_wait3A_1410 = arith.constant 0 : i32
      %dma_wait3A_1411 = tpu.memref_slice %arg10[%dma_wait3A_1408, %dma_wait3A_1409, %dma_wait3A_1410] : memref<8x32x128xf32, #tpu.memory_space<vmem>> -> memref<1x32x128xf32, #tpu.memory_space<vmem>>
      %dma_wait3A_1412 = tpu.memref_squeeze %dma_wait3A_1411 : memref<1x32x128xf32, #tpu.memory_space<vmem>> -> memref<32x128xf32, #tpu.memory_space<vmem>>
      %dma_wait3A_1413 = arith.constant 0 : i32
      %dma_wait3A_1414 = arith.constant 0 : i32
      %dma_wait3A_1415 = tpu.memref_slice %arg5[%dma_wait3A_1413, %dma_wait3A_1414] : memref<32x1000000xf32, #tpu.memory_space<hbm>> -> memref<32x128xf32, #tpu.memory_space<hbm>>
      %dma_wait3A_1416 = arith.constant 0 : i32
      %dma_wait3A_1417 = arith.constant 0 : i32
      %dma_wait3A_1418 = tpu.memref_slice %arg10[%dma_wait3A_1408, %dma_wait3A_1416, %dma_wait3A_1417] : memref<8x32x128xf32, #tpu.memory_space<vmem>> -> memref<1x32x128xf32, #tpu.memory_space<vmem>>
      %dma_wait3A_1419 = tpu.memref_squeeze %dma_wait3A_1418 : memref<1x32x128xf32, #tpu.memory_space<vmem>> -> memref<32x128xf32, #tpu.memory_space<vmem>>
      %dma_wait3A_1420 = arith.constant 0 : i32
      %dma_wait3A_1421 = arith.constant 0 : i32
      %dma_wait3A_1422 = tpu.memref_slice %arg5[%dma_wait3A_1420, %dma_wait3A_1421] : memref<32x1000000xf32, #tpu.memory_space<hbm>> -> memref<32x128xf32, #tpu.memory_space<hbm>>
      tpu.wait_dma2 semaphore(%arg14 : memref<!tpu.dma_semaphore, #tpu.memory_space<semaphore_mem>>) src(%dma_wait3A_1422 : memref<32x128xf32, #tpu.memory_space<hbm>>) dst(%dma_wait3A_1419 : memref<32x128xf32, #tpu.memory_space<vmem>>)
      %broadcast_in_dim3A_1423 = arith.constant 0 : i32
      %broadcast_in_dim3A_1424 = vector.broadcast %broadcast_in_dim3A_1423 : i32 to vector<16xi32>
      %slice3A_1425 = vector.extract_strided_slice %get3A_11 {offsets = [8], sizes = [1], strides = [1]} : vector<16xi32> to vector<1xi32>
      %squeeze3A_1426 = vector.extract %slice3A_1425[0] : i32 from vector<1xi32>
      %and3A_1427 = arith.constant 127 : i32
      %and3A_1428 = arith.andi %squeeze3A_1426, %and3A_1427 : i32
      %add3A_1429 = vector.broadcast %and3A_1428 : i32 to vector<16xi32>
      %add3A_1430 = arith.addi %broadcast_in_dim3A_1424, %add3A_1429 : vector<16xi32>
      %broadcast_in_dim3A_1431 = arith.constant 0 : i32
      %broadcast_in_dim3A_1432 = vector.broadcast %broadcast_in_dim3A_1431 : i32 to vector<16xi32>
      %slice3A_1433 = vector.extract_strided_slice %get3A_15 {offsets = [8], sizes = [1], strides = [1]} : vector<16xi32> to vector<1xi32>
      %squeeze3A_1434 = vector.extract %slice3A_1433[0] : i32 from vector<1xi32>
      %and3A_1435 = arith.constant 127 : i32
      %and3A_1436 = arith.andi %squeeze3A_1434, %and3A_1435 : i32
      %add3A_1437 = vector.broadcast %and3A_1436 : i32 to vector<16xi32>
      %add3A_1438 = arith.addi %broadcast_in_dim3A_1432, %add3A_1437 : vector<16xi32>
      %broadcast_in_dim3A_1439 = arith.constant 0 : i32
      %broadcast_in_dim3A_1440 = vector.broadcast %broadcast_in_dim3A_1439 : i32 to vector<16xi32>
      %gather3A_1441 = tpu.vector_load_idx %arg9[%broadcast_in_dim3A_1440, %iota3A, %add3A_1430] : memref<8x32x128xf32, #tpu.memory_space<vmem>>[vector<16xi32>, vector<16xi32>, vector<16xi32>], vector<16xf32>,
      %add3A_1442 = arith.constant 16 : i32
      %add3A_1443 = vector.broadcast %add3A_1442 : i32 to vector<16xi32>
      %add3A_1444 = arith.addi %iota3A, %add3A_1443 : vector<16xi32>
      %gather3A_1445 = tpu.vector_load_idx %arg9[%broadcast_in_dim3A_1440, %add3A_1444, %add3A_1430] : memref<8x32x128xf32, #tpu.memory_space<vmem>>[vector<16xi32>, vector<16xi32>, vector<16xi32>], vector<16xf32>,
      %gather3A_1446 = tpu.vector_load_idx %arg10[%broadcast_in_dim3A_1440, %iota3A, %add3A_1438] : memref<8x32x128xf32, #tpu.memory_space<vmem>>[vector<16xi32>, vector<16xi32>, vector<16xi32>], vector<16xf32>,
      %add3A_1447 = arith.constant 16 : i32
      %add3A_1448 = vector.broadcast %add3A_1447 : i32 to vector<16xi32>
      %add3A_1449 = arith.addi %iota3A, %add3A_1448 : vector<16xi32>
      %gather3A_1450 = tpu.vector_load_idx %arg10[%broadcast_in_dim3A_1440, %add3A_1449, %add3A_1438] : memref<8x32x128xf32, #tpu.memory_space<vmem>>[vector<16xi32>, vector<16xi32>, vector<16xi32>], vector<16xf32>,
      %mul3A_1451 = arith.mulf %gather3A_1441, %gather3A_1446 : vector<16xf32>
      %mul3A_1452 = arith.mulf %gather3A_1445, %gather3A_1450 : vector<16xf32>
      %add3A_1453 = arith.addf %mul3A_1451, %mul3A_1452 : vector<16xf32>
      %mul3A_1454 = arith.constant 17 : i32
      %mul3A_1455 = vector.broadcast %mul3A_1454 : i32 to vector<16xi32>
      %mul3A_1456 = arith.muli %iota3A, %mul3A_1455 : vector<16xi32>
      %add3A_1457 = arith.constant 8 : i32
      %add3A_1458 = vector.broadcast %add3A_1457 : i32 to vector<16xi32>
      %add3A_1459 = arith.addi %mul3A_1456, %add3A_1458 : vector<16xi32>
      tpu.vector_store_idx %arg12[%add3A_1459], %add3A_1453 : memref<272xf32, #tpu.memory_space<vmem>>[vector<16xi32>], vector<16xf32>,
      %broadcast_in_dim3A_1460 = arith.constant 0 : i32
      %broadcast_in_dim3A_1461 = vector.broadcast %broadcast_in_dim3A_1460 : i32 to vector<16xi32>
      %slice3A_1462 = vector.extract_strided_slice %get3A_11 {offsets = [9], sizes = [1], strides = [1]} : vector<16xi32> to vector<1xi32>
      %squeeze3A_1463 = vector.extract %slice3A_1462[0] : i32 from vector<1xi32>
      %and3A_1464 = arith.constant 127 : i32
      %and3A_1465 = arith.andi %squeeze3A_1463, %and3A_1464 : i32
      %add3A_1466 = vector.broadcast %and3A_1465 : i32 to vector<16xi32>
      %add3A_1467 = arith.addi %broadcast_in_dim3A_1461, %add3A_1466 : vector<16xi32>
      %broadcast_in_dim3A_1468 = arith.constant 0 : i32
      %broadcast_in_dim3A_1469 = vector.broadcast %broadcast_in_dim3A_1468 : i32 to vector<16xi32>
      %slice3A_1470 = vector.extract_strided_slice %get3A_15 {offsets = [9], sizes = [1], strides = [1]} : vector<16xi32> to vector<1xi32>
      %squeeze3A_1471 = vector.extract %slice3A_1470[0] : i32 from vector<1xi32>
      %and3A_1472 = arith.constant 127 : i32
      %and3A_1473 = arith.andi %squeeze3A_1471, %and3A_1472 : i32
      %add3A_1474 = vector.broadcast %and3A_1473 : i32 to vector<16xi32>
      %add3A_1475 = arith.addi %broadcast_in_dim3A_1469, %add3A_1474 : vector<16xi32>
      %broadcast_in_dim3A_1476 = arith.constant 1 : i32
      %broadcast_in_dim3A_1477 = vector.broadcast %broadcast_in_dim3A_1476 : i32 to vector<16xi32>
      %gather3A_1478 = tpu.vector_load_idx %arg9[%broadcast_in_dim3A_1477, %iota3A, %add3A_1467] : memref<8x32x128xf32, #tpu.memory_space<vmem>>[vector<16xi32>, vector<16xi32>, vector<16xi32>], vector<16xf32>,
      %add3A_1479 = arith.constant 16 : i32
      %add3A_1480 = vector.broadcast %add3A_1479 : i32 to vector<16xi32>
      %add3A_1481 = arith.addi %iota3A, %add3A_1480 : vector<16xi32>
      %gather3A_1482 = tpu.vector_load_idx %arg9[%broadcast_in_dim3A_1477, %add3A_1481, %add3A_1467] : memref<8x32x128xf32, #tpu.memory_space<vmem>>[vector<16xi32>, vector<16xi32>, vector<16xi32>], vector<16xf32>,
      %gather3A_1483 = tpu.vector_load_idx %arg10[%broadcast_in_dim3A_1477, %iota3A, %add3A_1475] : memref<8x32x128xf32, #tpu.memory_space<vmem>>[vector<16xi32>, vector<16xi32>, vector<16xi32>], vector<16xf32>,
      %add3A_1484 = arith.constant 16 : i32
      %add3A_1485 = vector.broadcast %add3A_1484 : i32 to vector<16xi32>
      %add3A_1486 = arith.addi %iota3A, %add3A_1485 : vector<16xi32>
      %gather3A_1487 = tpu.vector_load_idx %arg10[%broadcast_in_dim3A_1477, %add3A_1486, %add3A_1475] : memref<8x32x128xf32, #tpu.memory_space<vmem>>[vector<16xi32>, vector<16xi32>, vector<16xi32>], vector<16xf32>,
      %mul3A_1488 = arith.mulf %gather3A_1478, %gather3A_1483 : vector<16xf32>
      %mul3A_1489 = arith.mulf %gather3A_1482, %gather3A_1487 : vector<16xf32>
      %add3A_1490 = arith.addf %mul3A_1488, %mul3A_1489 : vector<16xf32>
      %mul3A_1491 = arith.constant 17 : i32
      %mul3A_1492 = vector.broadcast %mul3A_1491 : i32 to vector<16xi32>
      %mul3A_1493 = arith.muli %iota3A, %mul3A_1492 : vector<16xi32>
      %add3A_1494 = arith.constant 9 : i32
      %add3A_1495 = vector.broadcast %add3A_1494 : i32 to vector<16xi32>
      %add3A_1496 = arith.addi %mul3A_1493, %add3A_1495 : vector<16xi32>
      tpu.vector_store_idx %arg12[%add3A_1496], %add3A_1490 : memref<272xf32, #tpu.memory_space<vmem>>[vector<16xi32>], vector<16xf32>,
      %broadcast_in_dim3A_1497 = arith.constant 0 : i32
      %broadcast_in_dim3A_1498 = vector.broadcast %broadcast_in_dim3A_1497 : i32 to vector<16xi32>
      %slice3A_1499 = vector.extract_strided_slice %get3A_11 {offsets = [10], sizes = [1], strides = [1]} : vector<16xi32> to vector<1xi32>
      %squeeze3A_1500 = vector.extract %slice3A_1499[0] : i32 from vector<1xi32>
      %and3A_1501 = arith.constant 127 : i32
      %and3A_1502 = arith.andi %squeeze3A_1500, %and3A_1501 : i32
      %add3A_1503 = vector.broadcast %and3A_1502 : i32 to vector<16xi32>
      %add3A_1504 = arith.addi %broadcast_in_dim3A_1498, %add3A_1503 : vector<16xi32>
      %broadcast_in_dim3A_1505 = arith.constant 0 : i32
      %broadcast_in_dim3A_1506 = vector.broadcast %broadcast_in_dim3A_1505 : i32 to vector<16xi32>
      %slice3A_1507 = vector.extract_strided_slice %get3A_15 {offsets = [10], sizes = [1], strides = [1]} : vector<16xi32> to vector<1xi32>
      %squeeze3A_1508 = vector.extract %slice3A_1507[0] : i32 from vector<1xi32>
      %and3A_1509 = arith.constant 127 : i32
      %and3A_1510 = arith.andi %squeeze3A_1508, %and3A_1509 : i32
      %add3A_1511 = vector.broadcast %and3A_1510 : i32 to vector<16xi32>
      %add3A_1512 = arith.addi %broadcast_in_dim3A_1506, %add3A_1511 : vector<16xi32>
      %broadcast_in_dim3A_1513 = arith.constant 2 : i32
      %broadcast_in_dim3A_1514 = vector.broadcast %broadcast_in_dim3A_1513 : i32 to vector<16xi32>
      %gather3A_1515 = tpu.vector_load_idx %arg9[%broadcast_in_dim3A_1514, %iota3A, %add3A_1504] : memref<8x32x128xf32, #tpu.memory_space<vmem>>[vector<16xi32>, vector<16xi32>, vector<16xi32>], vector<16xf32>,
      %add3A_1516 = arith.constant 16 : i32
      %add3A_1517 = vector.broadcast %add3A_1516 : i32 to vector<16xi32>
      %add3A_1518 = arith.addi %iota3A, %add3A_1517 : vector<16xi32>
      %gather3A_1519 = tpu.vector_load_idx %arg9[%broadcast_in_dim3A_1514, %add3A_1518, %add3A_1504] : memref<8x32x128xf32, #tpu.memory_space<vmem>>[vector<16xi32>, vector<16xi32>, vector<16xi32>], vector<16xf32>,
      %gather3A_1520 = tpu.vector_load_idx %arg10[%broadcast_in_dim3A_1514, %iota3A, %add3A_1512] : memref<8x32x128xf32, #tpu.memory_space<vmem>>[vector<16xi32>, vector<16xi32>, vector<16xi32>], vector<16xf32>,
      %add3A_1521 = arith.constant 16 : i32
      %add3A_1522 = vector.broadcast %add3A_1521 : i32 to vector<16xi32>
      %add3A_1523 = arith.addi %iota3A, %add3A_1522 : vector<16xi32>
      %gather3A_1524 = tpu.vector_load_idx %arg10[%broadcast_in_dim3A_1514, %add3A_1523, %add3A_1512] : memref<8x32x128xf32, #tpu.memory_space<vmem>>[vector<16xi32>, vector<16xi32>, vector<16xi32>], vector<16xf32>,
      %mul3A_1525 = arith.mulf %gather3A_1515, %gather3A_1520 : vector<16xf32>
      %mul3A_1526 = arith.mulf %gather3A_1519, %gather3A_1524 : vector<16xf32>
      %add3A_1527 = arith.addf %mul3A_1525, %mul3A_1526 : vector<16xf32>
      %mul3A_1528 = arith.constant 17 : i32
      %mul3A_1529 = vector.broadcast %mul3A_1528 : i32 to vector<16xi32>
      %mul3A_1530 = arith.muli %iota3A, %mul3A_1529 : vector<16xi32>
      %add3A_1531 = arith.constant 10 : i32
      %add3A_1532 = vector.broadcast %add3A_1531 : i32 to vector<16xi32>
      %add3A_1533 = arith.addi %mul3A_1530, %add3A_1532 : vector<16xi32>
      tpu.vector_store_idx %arg12[%add3A_1533], %add3A_1527 : memref<272xf32, #tpu.memory_space<vmem>>[vector<16xi32>], vector<16xf32>,
      %broadcast_in_dim3A_1534 = arith.constant 0 : i32
      %broadcast_in_dim3A_1535 = vector.broadcast %broadcast_in_dim3A_1534 : i32 to vector<16xi32>
      %slice3A_1536 = vector.extract_strided_slice %get3A_11 {offsets = [11], sizes = [1], strides = [1]} : vector<16xi32> to vector<1xi32>
      %squeeze3A_1537 = vector.extract %slice3A_1536[0] : i32 from vector<1xi32>
      %and3A_1538 = arith.constant 127 : i32
      %and3A_1539 = arith.andi %squeeze3A_1537, %and3A_1538 : i32
      %add3A_1540 = vector.broadcast %and3A_1539 : i32 to vector<16xi32>
      %add3A_1541 = arith.addi %broadcast_in_dim3A_1535, %add3A_1540 : vector<16xi32>
      %broadcast_in_dim3A_1542 = arith.constant 0 : i32
      %broadcast_in_dim3A_1543 = vector.broadcast %broadcast_in_dim3A_1542 : i32 to vector<16xi32>
      %slice3A_1544 = vector.extract_strided_slice %get3A_15 {offsets = [11], sizes = [1], strides = [1]} : vector<16xi32> to vector<1xi32>
      %squeeze3A_1545 = vector.extract %slice3A_1544[0] : i32 from vector<1xi32>
      %and3A_1546 = arith.constant 127 : i32
      %and3A_1547 = arith.andi %squeeze3A_1545, %and3A_1546 : i32
      %add3A_1548 = vector.broadcast %and3A_1547 : i32 to vector<16xi32>
      %add3A_1549 = arith.addi %broadcast_in_dim3A_1543, %add3A_1548 : vector<16xi32>
      %broadcast_in_dim3A_1550 = arith.constant 3 : i32
      %broadcast_in_dim3A_1551 = vector.broadcast %broadcast_in_dim3A_1550 : i32 to vector<16xi32>
      %gather3A_1552 = tpu.vector_load_idx %arg9[%broadcast_in_dim3A_1551, %iota3A, %add3A_1541] : memref<8x32x128xf32, #tpu.memory_space<vmem>>[vector<16xi32>, vector<16xi32>, vector<16xi32>], vector<16xf32>,
      %add3A_1553 = arith.constant 16 : i32
      %add3A_1554 = vector.broadcast %add3A_1553 : i32 to vector<16xi32>
      %add3A_1555 = arith.addi %iota3A, %add3A_1554 : vector<16xi32>
      %gather3A_1556 = tpu.vector_load_idx %arg9[%broadcast_in_dim3A_1551, %add3A_1555, %add3A_1541] : memref<8x32x128xf32, #tpu.memory_space<vmem>>[vector<16xi32>, vector<16xi32>, vector<16xi32>], vector<16xf32>,
      %gather3A_1557 = tpu.vector_load_idx %arg10[%broadcast_in_dim3A_1551, %iota3A, %add3A_1549] : memref<8x32x128xf32, #tpu.memory_space<vmem>>[vector<16xi32>, vector<16xi32>, vector<16xi32>], vector<16xf32>,
      %add3A_1558 = arith.constant 16 : i32
      %add3A_1559 = vector.broadcast %add3A_1558 : i32 to vector<16xi32>
      %add3A_1560 = arith.addi %iota3A, %add3A_1559 : vector<16xi32>
      %gather3A_1561 = tpu.vector_load_idx %arg10[%broadcast_in_dim3A_1551, %add3A_1560, %add3A_1549] : memref<8x32x128xf32, #tpu.memory_space<vmem>>[vector<16xi32>, vector<16xi32>, vector<16xi32>], vector<16xf32>,
      %mul3A_1562 = arith.mulf %gather3A_1552, %gather3A_1557 : vector<16xf32>
      %mul3A_1563 = arith.mulf %gather3A_1556, %gather3A_1561 : vector<16xf32>
      %add3A_1564 = arith.addf %mul3A_1562, %mul3A_1563 : vector<16xf32>
      %mul3A_1565 = arith.constant 17 : i32
      %mul3A_1566 = vector.broadcast %mul3A_1565 : i32 to vector<16xi32>
      %mul3A_1567 = arith.muli %iota3A, %mul3A_1566 : vector<16xi32>
      %add3A_1568 = arith.constant 11 : i32
      %add3A_1569 = vector.broadcast %add3A_1568 : i32 to vector<16xi32>
      %add3A_1570 = arith.addi %mul3A_1567, %add3A_1569 : vector<16xi32>
      tpu.vector_store_idx %arg12[%add3A_1570], %add3A_1564 : memref<272xf32, #tpu.memory_space<vmem>>[vector<16xi32>], vector<16xf32>,
      %broadcast_in_dim3A_1571 = arith.constant 0 : i32
      %broadcast_in_dim3A_1572 = vector.broadcast %broadcast_in_dim3A_1571 : i32 to vector<16xi32>
      %slice3A_1573 = vector.extract_strided_slice %get3A_11 {offsets = [12], sizes = [1], strides = [1]} : vector<16xi32> to vector<1xi32>
      %squeeze3A_1574 = vector.extract %slice3A_1573[0] : i32 from vector<1xi32>
      %and3A_1575 = arith.constant 127 : i32
      %and3A_1576 = arith.andi %squeeze3A_1574, %and3A_1575 : i32
      %add3A_1577 = vector.broadcast %and3A_1576 : i32 to vector<16xi32>
      %add3A_1578 = arith.addi %broadcast_in_dim3A_1572, %add3A_1577 : vector<16xi32>
      %broadcast_in_dim3A_1579 = arith.constant 0 : i32
      %broadcast_in_dim3A_1580 = vector.broadcast %broadcast_in_dim3A_1579 : i32 to vector<16xi32>
      %slice3A_1581 = vector.extract_strided_slice %get3A_15 {offsets = [12], sizes = [1], strides = [1]} : vector<16xi32> to vector<1xi32>
      %squeeze3A_1582 = vector.extract %slice3A_1581[0] : i32 from vector<1xi32>
      %and3A_1583 = arith.constant 127 : i32
      %and3A_1584 = arith.andi %squeeze3A_1582, %and3A_1583 : i32
      %add3A_1585 = vector.broadcast %and3A_1584 : i32 to vector<16xi32>
      %add3A_1586 = arith.addi %broadcast_in_dim3A_1580, %add3A_1585 : vector<16xi32>
      %broadcast_in_dim3A_1587 = arith.constant 4 : i32
      %broadcast_in_dim3A_1588 = vector.broadcast %broadcast_in_dim3A_1587 : i32 to vector<16xi32>
      %gather3A_1589 = tpu.vector_load_idx %arg9[%broadcast_in_dim3A_1588, %iota3A, %add3A_1578] : memref<8x32x128xf32, #tpu.memory_space<vmem>>[vector<16xi32>, vector<16xi32>, vector<16xi32>], vector<16xf32>,
      %add3A_1590 = arith.constant 16 : i32
      %add3A_1591 = vector.broadcast %add3A_1590 : i32 to vector<16xi32>
      %add3A_1592 = arith.addi %iota3A, %add3A_1591 : vector<16xi32>
      %gather3A_1593 = tpu.vector_load_idx %arg9[%broadcast_in_dim3A_1588, %add3A_1592, %add3A_1578] : memref<8x32x128xf32, #tpu.memory_space<vmem>>[vector<16xi32>, vector<16xi32>, vector<16xi32>], vector<16xf32>,
      %gather3A_1594 = tpu.vector_load_idx %arg10[%broadcast_in_dim3A_1588, %iota3A, %add3A_1586] : memref<8x32x128xf32, #tpu.memory_space<vmem>>[vector<16xi32>, vector<16xi32>, vector<16xi32>], vector<16xf32>,
      %add3A_1595 = arith.constant 16 : i32
      %add3A_1596 = vector.broadcast %add3A_1595 : i32 to vector<16xi32>
      %add3A_1597 = arith.addi %iota3A, %add3A_1596 : vector<16xi32>
      %gather3A_1598 = tpu.vector_load_idx %arg10[%broadcast_in_dim3A_1588, %add3A_1597, %add3A_1586] : memref<8x32x128xf32, #tpu.memory_space<vmem>>[vector<16xi32>, vector<16xi32>, vector<16xi32>], vector<16xf32>,
      %mul3A_1599 = arith.mulf %gather3A_1589, %gather3A_1594 : vector<16xf32>
      %mul3A_1600 = arith.mulf %gather3A_1593, %gather3A_1598 : vector<16xf32>
      %add3A_1601 = arith.addf %mul3A_1599, %mul3A_1600 : vector<16xf32>
      %mul3A_1602 = arith.constant 17 : i32
      %mul3A_1603 = vector.broadcast %mul3A_1602 : i32 to vector<16xi32>
      %mul3A_1604 = arith.muli %iota3A, %mul3A_1603 : vector<16xi32>
      %add3A_1605 = arith.constant 12 : i32
      %add3A_1606 = vector.broadcast %add3A_1605 : i32 to vector<16xi32>
      %add3A_1607 = arith.addi %mul3A_1604, %add3A_1606 : vector<16xi32>
      tpu.vector_store_idx %arg12[%add3A_1607], %add3A_1601 : memref<272xf32, #tpu.memory_space<vmem>>[vector<16xi32>], vector<16xf32>,
      %broadcast_in_dim3A_1608 = arith.constant 0 : i32
      %broadcast_in_dim3A_1609 = vector.broadcast %broadcast_in_dim3A_1608 : i32 to vector<16xi32>
      %slice3A_1610 = vector.extract_strided_slice %get3A_11 {offsets = [13], sizes = [1], strides = [1]} : vector<16xi32> to vector<1xi32>
      %squeeze3A_1611 = vector.extract %slice3A_1610[0] : i32 from vector<1xi32>
      %and3A_1612 = arith.constant 127 : i32
      %and3A_1613 = arith.andi %squeeze3A_1611, %and3A_1612 : i32
      %add3A_1614 = vector.broadcast %and3A_1613 : i32 to vector<16xi32>
      %add3A_1615 = arith.addi %broadcast_in_dim3A_1609, %add3A_1614 : vector<16xi32>
      %broadcast_in_dim3A_1616 = arith.constant 0 : i32
      %broadcast_in_dim3A_1617 = vector.broadcast %broadcast_in_dim3A_1616 : i32 to vector<16xi32>
      %slice3A_1618 = vector.extract_strided_slice %get3A_15 {offsets = [13], sizes = [1], strides = [1]} : vector<16xi32> to vector<1xi32>
      %squeeze3A_1619 = vector.extract %slice3A_1618[0] : i32 from vector<1xi32>
      %and3A_1620 = arith.constant 127 : i32
      %and3A_1621 = arith.andi %squeeze3A_1619, %and3A_1620 : i32
      %add3A_1622 = vector.broadcast %and3A_1621 : i32 to vector<16xi32>
      %add3A_1623 = arith.addi %broadcast_in_dim3A_1617, %add3A_1622 : vector<16xi32>
      %broadcast_in_dim3A_1624 = arith.constant 5 : i32
      %broadcast_in_dim3A_1625 = vector.broadcast %broadcast_in_dim3A_1624 : i32 to vector<16xi32>
      %gather3A_1626 = tpu.vector_load_idx %arg9[%broadcast_in_dim3A_1625, %iota3A, %add3A_1615] : memref<8x32x128xf32, #tpu.memory_space<vmem>>[vector<16xi32>, vector<16xi32>, vector<16xi32>], vector<16xf32>,
      %add3A_1627 = arith.constant 16 : i32
      %add3A_1628 = vector.broadcast %add3A_1627 : i32 to vector<16xi32>
      %add3A_1629 = arith.addi %iota3A, %add3A_1628 : vector<16xi32>
      %gather3A_1630 = tpu.vector_load_idx %arg9[%broadcast_in_dim3A_1625, %add3A_1629, %add3A_1615] : memref<8x32x128xf32, #tpu.memory_space<vmem>>[vector<16xi32>, vector<16xi32>, vector<16xi32>], vector<16xf32>,
      %gather3A_1631 = tpu.vector_load_idx %arg10[%broadcast_in_dim3A_1625, %iota3A, %add3A_1623] : memref<8x32x128xf32, #tpu.memory_space<vmem>>[vector<16xi32>, vector<16xi32>, vector<16xi32>], vector<16xf32>,
      %add3A_1632 = arith.constant 16 : i32
      %add3A_1633 = vector.broadcast %add3A_1632 : i32 to vector<16xi32>
      %add3A_1634 = arith.addi %iota3A, %add3A_1633 : vector<16xi32>
      %gather3A_1635 = tpu.vector_load_idx %arg10[%broadcast_in_dim3A_1625, %add3A_1634, %add3A_1623] : memref<8x32x128xf32, #tpu.memory_space<vmem>>[vector<16xi32>, vector<16xi32>, vector<16xi32>], vector<16xf32>,
      %mul3A_1636 = arith.mulf %gather3A_1626, %gather3A_1631 : vector<16xf32>
      %mul3A_1637 = arith.mulf %gather3A_1630, %gather3A_1635 : vector<16xf32>
      %add3A_1638 = arith.addf %mul3A_1636, %mul3A_1637 : vector<16xf32>
      %mul3A_1639 = arith.constant 17 : i32
      %mul3A_1640 = vector.broadcast %mul3A_1639 : i32 to vector<16xi32>
      %mul3A_1641 = arith.muli %iota3A, %mul3A_1640 : vector<16xi32>
      %add3A_1642 = arith.constant 13 : i32
      %add3A_1643 = vector.broadcast %add3A_1642 : i32 to vector<16xi32>
      %add3A_1644 = arith.addi %mul3A_1641, %add3A_1643 : vector<16xi32>
      tpu.vector_store_idx %arg12[%add3A_1644], %add3A_1638 : memref<272xf32, #tpu.memory_space<vmem>>[vector<16xi32>], vector<16xf32>,
      %broadcast_in_dim3A_1645 = arith.constant 0 : i32
      %broadcast_in_dim3A_1646 = vector.broadcast %broadcast_in_dim3A_1645 : i32 to vector<16xi32>
      %slice3A_1647 = vector.extract_strided_slice %get3A_11 {offsets = [14], sizes = [1], strides = [1]} : vector<16xi32> to vector<1xi32>
      %squeeze3A_1648 = vector.extract %slice3A_1647[0] : i32 from vector<1xi32>
      %and3A_1649 = arith.constant 127 : i32
      %and3A_1650 = arith.andi %squeeze3A_1648, %and3A_1649 : i32
      %add3A_1651 = vector.broadcast %and3A_1650 : i32 to vector<16xi32>
      %add3A_1652 = arith.addi %broadcast_in_dim3A_1646, %add3A_1651 : vector<16xi32>
      %broadcast_in_dim3A_1653 = arith.constant 0 : i32
      %broadcast_in_dim3A_1654 = vector.broadcast %broadcast_in_dim3A_1653 : i32 to vector<16xi32>
      %slice3A_1655 = vector.extract_strided_slice %get3A_15 {offsets = [14], sizes = [1], strides = [1]} : vector<16xi32> to vector<1xi32>
      %squeeze3A_1656 = vector.extract %slice3A_1655[0] : i32 from vector<1xi32>
      %and3A_1657 = arith.constant 127 : i32
      %and3A_1658 = arith.andi %squeeze3A_1656, %and3A_1657 : i32
      %add3A_1659 = vector.broadcast %and3A_1658 : i32 to vector<16xi32>
      %add3A_1660 = arith.addi %broadcast_in_dim3A_1654, %add3A_1659 : vector<16xi32>
      %broadcast_in_dim3A_1661 = arith.constant 6 : i32
      %broadcast_in_dim3A_1662 = vector.broadcast %broadcast_in_dim3A_1661 : i32 to vector<16xi32>
      %gather3A_1663 = tpu.vector_load_idx %arg9[%broadcast_in_dim3A_1662, %iota3A, %add3A_1652] : memref<8x32x128xf32, #tpu.memory_space<vmem>>[vector<16xi32>, vector<16xi32>, vector<16xi32>], vector<16xf32>,
      %add3A_1664 = arith.constant 16 : i32
      %add3A_1665 = vector.broadcast %add3A_1664 : i32 to vector<16xi32>
      %add3A_1666 = arith.addi %iota3A, %add3A_1665 : vector<16xi32>
      %gather3A_1667 = tpu.vector_load_idx %arg9[%broadcast_in_dim3A_1662, %add3A_1666, %add3A_1652] : memref<8x32x128xf32, #tpu.memory_space<vmem>>[vector<16xi32>, vector<16xi32>, vector<16xi32>], vector<16xf32>,
      %gather3A_1668 = tpu.vector_load_idx %arg10[%broadcast_in_dim3A_1662, %iota3A, %add3A_1660] : memref<8x32x128xf32, #tpu.memory_space<vmem>>[vector<16xi32>, vector<16xi32>, vector<16xi32>], vector<16xf32>,
      %add3A_1669 = arith.constant 16 : i32
      %add3A_1670 = vector.broadcast %add3A_1669 : i32 to vector<16xi32>
      %add3A_1671 = arith.addi %iota3A, %add3A_1670 : vector<16xi32>
      %gather3A_1672 = tpu.vector_load_idx %arg10[%broadcast_in_dim3A_1662, %add3A_1671, %add3A_1660] : memref<8x32x128xf32, #tpu.memory_space<vmem>>[vector<16xi32>, vector<16xi32>, vector<16xi32>], vector<16xf32>,
      %mul3A_1673 = arith.mulf %gather3A_1663, %gather3A_1668 : vector<16xf32>
      %mul3A_1674 = arith.mulf %gather3A_1667, %gather3A_1672 : vector<16xf32>
      %add3A_1675 = arith.addf %mul3A_1673, %mul3A_1674 : vector<16xf32>
      %mul3A_1676 = arith.constant 17 : i32
      %mul3A_1677 = vector.broadcast %mul3A_1676 : i32 to vector<16xi32>
      %mul3A_1678 = arith.muli %iota3A, %mul3A_1677 : vector<16xi32>
      %add3A_1679 = arith.constant 14 : i32
      %add3A_1680 = vector.broadcast %add3A_1679 : i32 to vector<16xi32>
      %add3A_1681 = arith.addi %mul3A_1678, %add3A_1680 : vector<16xi32>
      tpu.vector_store_idx %arg12[%add3A_1681], %add3A_1675 : memref<272xf32, #tpu.memory_space<vmem>>[vector<16xi32>], vector<16xf32>,
      %broadcast_in_dim3A_1682 = arith.constant 0 : i32
      %broadcast_in_dim3A_1683 = vector.broadcast %broadcast_in_dim3A_1682 : i32 to vector<16xi32>
      %slice3A_1684 = vector.extract_strided_slice %get3A_11 {offsets = [15], sizes = [1], strides = [1]} : vector<16xi32> to vector<1xi32>
      %squeeze3A_1685 = vector.extract %slice3A_1684[0] : i32 from vector<1xi32>
      %and3A_1686 = arith.constant 127 : i32
      %and3A_1687 = arith.andi %squeeze3A_1685, %and3A_1686 : i32
      %add3A_1688 = vector.broadcast %and3A_1687 : i32 to vector<16xi32>
      %add3A_1689 = arith.addi %broadcast_in_dim3A_1683, %add3A_1688 : vector<16xi32>
      %broadcast_in_dim3A_1690 = arith.constant 0 : i32
      %broadcast_in_dim3A_1691 = vector.broadcast %broadcast_in_dim3A_1690 : i32 to vector<16xi32>
      %slice3A_1692 = vector.extract_strided_slice %get3A_15 {offsets = [15], sizes = [1], strides = [1]} : vector<16xi32> to vector<1xi32>
      %squeeze3A_1693 = vector.extract %slice3A_1692[0] : i32 from vector<1xi32>
      %and3A_1694 = arith.constant 127 : i32
      %and3A_1695 = arith.andi %squeeze3A_1693, %and3A_1694 : i32
      %add3A_1696 = vector.broadcast %and3A_1695 : i32 to vector<16xi32>
      %add3A_1697 = arith.addi %broadcast_in_dim3A_1691, %add3A_1696 : vector<16xi32>
      %broadcast_in_dim3A_1698 = arith.constant 7 : i32
      %broadcast_in_dim3A_1699 = vector.broadcast %broadcast_in_dim3A_1698 : i32 to vector<16xi32>
      %gather3A_1700 = tpu.vector_load_idx %arg9[%broadcast_in_dim3A_1699, %iota3A, %add3A_1689] : memref<8x32x128xf32, #tpu.memory_space<vmem>>[vector<16xi32>, vector<16xi32>, vector<16xi32>], vector<16xf32>,
      %add3A_1701 = arith.constant 16 : i32
      %add3A_1702 = vector.broadcast %add3A_1701 : i32 to vector<16xi32>
      %add3A_1703 = arith.addi %iota3A, %add3A_1702 : vector<16xi32>
      %gather3A_1704 = tpu.vector_load_idx %arg9[%broadcast_in_dim3A_1699, %add3A_1703, %add3A_1689] : memref<8x32x128xf32, #tpu.memory_space<vmem>>[vector<16xi32>, vector<16xi32>, vector<16xi32>], vector<16xf32>,
      %gather3A_1705 = tpu.vector_load_idx %arg10[%broadcast_in_dim3A_1699, %iota3A, %add3A_1697] : memref<8x32x128xf32, #tpu.memory_space<vmem>>[vector<16xi32>, vector<16xi32>, vector<16xi32>], vector<16xf32>,
      %add3A_1706 = arith.constant 16 : i32
      %add3A_1707 = vector.broadcast %add3A_1706 : i32 to vector<16xi32>
      %add3A_1708 = arith.addi %iota3A, %add3A_1707 : vector<16xi32>
      %gather3A_1709 = tpu.vector_load_idx %arg10[%broadcast_in_dim3A_1699, %add3A_1708, %add3A_1697] : memref<8x32x128xf32, #tpu.memory_space<vmem>>[vector<16xi32>, vector<16xi32>, vector<16xi32>], vector<16xf32>,
      %mul3A_1710 = arith.mulf %gather3A_1700, %gather3A_1705 : vector<16xf32>
      %mul3A_1711 = arith.mulf %gather3A_1704, %gather3A_1709 : vector<16xf32>
      %add3A_1712 = arith.addf %mul3A_1710, %mul3A_1711 : vector<16xf32>
      %mul3A_1713 = arith.constant 17 : i32
      %mul3A_1714 = vector.broadcast %mul3A_1713 : i32 to vector<16xi32>
      %mul3A_1715 = arith.muli %iota3A, %mul3A_1714 : vector<16xi32>
      %add3A_1716 = arith.constant 15 : i32
      %add3A_1717 = vector.broadcast %add3A_1716 : i32 to vector<16xi32>
      %add3A_1718 = arith.addi %mul3A_1715, %add3A_1717 : vector<16xi32>
      tpu.vector_store_idx %arg12[%add3A_1718], %add3A_1712 : memref<272xf32, #tpu.memory_space<vmem>>[vector<16xi32>], vector<16xf32>,
      %get3A_1719 = arith.constant 0 : index
      %get3A_1720 = tpu.vector_load %arg12[%get3A_1719] {strides = array<i32>} : memref<272xf32, #tpu.memory_space<vmem>>, vector<16xf32>,
      %get3A_1721 = arith.constant 17 : index
      %get3A_1722 = tpu.vector_load %arg12[%get3A_1721] {strides = array<i32>} : memref<272xf32, #tpu.memory_space<vmem>>, vector<16xf32>,
      %add3A_1723 = arith.addf %get3A_1720, %get3A_1722 : vector<16xf32>
      %get3A_1724 = arith.constant 34 : index
      %get3A_1725 = tpu.vector_load %arg12[%get3A_1724] {strides = array<i32>} : memref<272xf32, #tpu.memory_space<vmem>>, vector<16xf32>,
      %add3A_1726 = arith.addf %add3A_1723, %get3A_1725 : vector<16xf32>
      %get3A_1727 = arith.constant 51 : index
      %get3A_1728 = tpu.vector_load %arg12[%get3A_1727] {strides = array<i32>} : memref<272xf32, #tpu.memory_space<vmem>>, vector<16xf32>,
      %add3A_1729 = arith.addf %add3A_1726, %get3A_1728 : vector<16xf32>
      %get3A_1730 = arith.constant 68 : index
      %get3A_1731 = tpu.vector_load %arg12[%get3A_1730] {strides = array<i32>} : memref<272xf32, #tpu.memory_space<vmem>>, vector<16xf32>,
      %add3A_1732 = arith.addf %add3A_1729, %get3A_1731 : vector<16xf32>
      %get3A_1733 = arith.constant 85 : index
      %get3A_1734 = tpu.vector_load %arg12[%get3A_1733] {strides = array<i32>} : memref<272xf32, #tpu.memory_space<vmem>>, vector<16xf32>,
      %add3A_1735 = arith.addf %add3A_1732, %get3A_1734 : vector<16xf32>
      %get3A_1736 = arith.constant 102 : index
      %get3A_1737 = tpu.vector_load %arg12[%get3A_1736] {strides = array<i32>} : memref<272xf32, #tpu.memory_space<vmem>>, vector<16xf32>,
      %add3A_1738 = arith.addf %add3A_1735, %get3A_1737 : vector<16xf32>
      %get3A_1739 = arith.constant 119 : index
      %get3A_1740 = tpu.vector_load %arg12[%get3A_1739] {strides = array<i32>} : memref<272xf32, #tpu.memory_space<vmem>>, vector<16xf32>,
      %add3A_1741 = arith.addf %add3A_1738, %get3A_1740 : vector<16xf32>
      %get3A_1742 = arith.constant 136 : index
      %get3A_1743 = tpu.vector_load %arg12[%get3A_1742] {strides = array<i32>} : memref<272xf32, #tpu.memory_space<vmem>>, vector<16xf32>,
      %add3A_1744 = arith.addf %add3A_1741, %get3A_1743 : vector<16xf32>
      %get3A_1745 = arith.constant 153 : index
      %get3A_1746 = tpu.vector_load %arg12[%get3A_1745] {strides = array<i32>} : memref<272xf32, #tpu.memory_space<vmem>>, vector<16xf32>,
      %add3A_1747 = arith.addf %add3A_1744, %get3A_1746 : vector<16xf32>
      %get3A_1748 = arith.constant 170 : index
      %get3A_1749 = tpu.vector_load %arg12[%get3A_1748] {strides = array<i32>} : memref<272xf32, #tpu.memory_space<vmem>>, vector<16xf32>,
      %add3A_1750 = arith.addf %add3A_1747, %get3A_1749 : vector<16xf32>
      %get3A_1751 = arith.constant 187 : index
      %get3A_1752 = tpu.vector_load %arg12[%get3A_1751] {strides = array<i32>} : memref<272xf32, #tpu.memory_space<vmem>>, vector<16xf32>,
      %add3A_1753 = arith.addf %add3A_1750, %get3A_1752 : vector<16xf32>
      %get3A_1754 = arith.constant 204 : index
      %get3A_1755 = tpu.vector_load %arg12[%get3A_1754] {strides = array<i32>} : memref<272xf32, #tpu.memory_space<vmem>>, vector<16xf32>,
      %add3A_1756 = arith.addf %add3A_1753, %get3A_1755 : vector<16xf32>
      %get3A_1757 = arith.constant 221 : index
      %get3A_1758 = tpu.vector_load %arg12[%get3A_1757] {strides = array<i32>} : memref<272xf32, #tpu.memory_space<vmem>>, vector<16xf32>,
      %add3A_1759 = arith.addf %add3A_1756, %get3A_1758 : vector<16xf32>
      %get3A_1760 = arith.constant 238 : index
      %get3A_1761 = tpu.vector_load %arg12[%get3A_1760] {strides = array<i32>} : memref<272xf32, #tpu.memory_space<vmem>>, vector<16xf32>,
      %add3A_1762 = arith.addf %add3A_1759, %get3A_1761 : vector<16xf32>
      %get3A_1763 = arith.constant 255 : index
      %get3A_1764 = tpu.vector_load %arg12[%get3A_1763] {strides = array<i32>} : memref<272xf32, #tpu.memory_space<vmem>>, vector<16xf32>,
      %add3A_1765 = arith.addf %add3A_1762, %get3A_1764 : vector<16xf32>
      %mul3A_1766 = arith.constant 16 : i32
      %mul3A_1767 = arith.muli %scan3A_8, %mul3A_1766 : i32
      %swap3A = arith.index_cast %mul3A_1767 : i32 to index
      %swap3A_1768 = tpu.vector_load %arg11[%swap3A] {strides = array<i32>} : memref<512xf32, #tpu.memory_space<vmem>>, vector<16xf32>,
      tpu.vector_store %arg11[%swap3A], %add3A_1765 {strides = array<i32>} : memref<512xf32, #tpu.memory_space<vmem>>, vector<16xf32>,
    }
    %scan3A_7 = arith.constant 32 : i32
    "tpu.region"() ({
      %run_scoped3A = tpu.sem_alloc : memref<!tpu.dma_semaphore, #tpu.memory_space<semaphore_mem>>
      %dma_start3A = tpu.memref_slice %arg6[%mul3A_2] : memref<16384xf32, #tpu.memory_space<hbm>> -> memref<512xf32, #tpu.memory_space<hbm>>
      %dma_start3A_8 = tpu.memref_slice %arg6[%mul3A_2] : memref<16384xf32, #tpu.memory_space<hbm>> -> memref<512xf32, #tpu.memory_space<hbm>>
      tpu.enqueue_dma source(%arg11 : memref<512xf32, #tpu.memory_space<vmem>>) target(%dma_start3A_8 : memref<512xf32, #tpu.memory_space<hbm>>) target_semaphore(%run_scoped3A : memref<!tpu.dma_semaphore, #tpu.memory_space<semaphore_mem>>)
      %dma_wait3A = tpu.memref_slice %arg6[%mul3A_2] : memref<16384xf32, #tpu.memory_space<hbm>> -> memref<512xf32, #tpu.memory_space<hbm>>
      %dma_wait3A_9 = tpu.memref_slice %arg6[%mul3A_2] : memref<16384xf32, #tpu.memory_space<hbm>> -> memref<512xf32, #tpu.memory_space<hbm>>
      tpu.wait_dma2 semaphore(%run_scoped3A : memref<!tpu.dma_semaphore, #tpu.memory_space<semaphore_mem>>) src(%arg11 : memref<512xf32, #tpu.memory_space<vmem>>) dst(%dma_wait3A_9 : memref<512xf32, #tpu.memory_space<hbm>>)
      tpu.yield
    }) : () -> ()
    return
  }
}

</mosaic_0001>

<sc_bundles>
// kernel: kernel.3.cloned.1.call-start
scs
__scs_entry_jumppad:
0x0: {  	(pc) =	sbr.rel $0x88, $3  }
0x1: {  	(tag) =	ssettag $0x0;
	lr =	simm.s32 $0x1  }
0x2: {  	[smem:$0x3F9D] =	sst lr;
	_ =	strace $0xD0000000  }
0x3: {  	_ = 	snop  }
0x4: {  	_ = 	snop  }
0x5: {  	_ = 	snop  }
0x6: {  	_ = 	snop  }
0x7: {  	_ = 	snop  }
__scs_overlays_trampoline_lowered:
0x8: {  	[smem:$0x3FAC] =	sst s0  }
0x9: {  	[smem:$0x3FAD] =	sst s1  }
0xa: {  	[smem:$0x3FAE] =	sst s2  }
0xb: {  	[smem:$0x3FAF] =	sst s3  }
0xc: {  	[smem:$0x3FB0] =	sst s4  }
0xd: {  	[smem:$0x3FB1] =	sst s5  }
0xe: {  	[smem:$0x3FB2] =	sst s6  }
0xf: {  	[smem:$0x3FB3] =	sst s7  }
0x10: {  	[smem:$0x3FB4] =	sst s8  }
0x11: {  	[smem:$0x3FB5] =	sst s9;
	s0 =	simm.s32 @!p0 $0x0  }
0x12: {  	s1 =	sld [smem:$0x3F9B];
	s0 =	simm.s32 @p0 $0x1  }
0x13: {  	[smem:$0x3FB6] =	sst s0;
	s0 =	simm.s32 @!p1 $0x0  }
0x14: {  	s2 =	sld [smem:$0x3F9A];
	s0 =	simm.s32 @p1 $0x1  }
0x15: {  	[smem:$0x3FB7] =	sst s0;
	s0 =	simm.s32 @!p2 $0x0  }
0x16: {  	s3 =	sld [smem:$0x3FDB];
	s0 =	simm.s32 @p2 $0x1  }
0x17: {  	s4 =	simm.s32 $0x1BF5;
	[smem:$0x3FB9] =	sst s0  }
0x18: {  	s0 =	sld [smem:$0x3F9C];
	_ =	swait.ge [sflag:s4], $0x0  }
0x19: {  	s7 =	sld [smem:$0x3F9D]  }
0x1a: {  	s8 =	sadd.s32 $0xFFFFE003, lr  }
0x1b: {  	s9 =	sadd.s32 $0xFFFFFEF7, lr;
	s5 =	simm.s32 $0xFFFFFFFF;
	p2 =	slt.u32 s8, $0xFFFFF086  }
0x1c: {  	p1 =	slt.u32 s9, $0xF7A;
	s5 =	simm.s32 @!p2 $0x0  }
0x1d: {  	s5 =	simm.s32 @p1 $0x1;
	p0 =	seq.s32 s7, s2  }
0x1e: {  	s7 =	smul.u32 @!p0 $0xF7A, s2;
	p2 =	seq.s32 @!p0 s5, $0x0  }
0x1f: {  	s9 =	smul.u32 $0xF7A, s1;
	s8 =	simm.s32 @!p0 $0x1BF5;
	p2 =	por !p2, p0  }
0x20: {  	[sflag:s8] =	ssyncset.s32 @!p0 $0xFFFFF086;
	s6 =	sadd.s32 @!p0 s3, s7;
	s7 =	simm.s32 @!p0 $0x108  }
0x21: {  	s3 =	sadd.s32 s3, s9;
	s6 =	sadd.s32 @!p0 $0x88, s6;
	s7 =	simm.s32 @p2 $0x1082  }
0x22: {  	[simem:s7], [sflag:s8] =	dma.local @!p0 [hbm:s6], $0xF7A  }
0x23: {  	s9 =	sor.u32 $0xD0000000, s2;
	s6 =	simm.s32 $0x108;
	_ =	swait.ge @!p0 [sflag:s8], $0x0  }
0x24: {  	s3 =	sadd.s32 $0x88, s3;
	s6 =	simm.s32 @!p1 $0x1082;
	[sflag:s4] =	ssyncset.s32 $0xFFFFF086  }
0x25: {  	[simem:s6], [sflag:s4] =	dma.local [hbm:s3], $0xF7A  }
0x26: {  	[smem:$0x3F9D] =	sst s1;
	(tag) =	ssettag s2;
	_ =	strace s9  }
0x27: {  	s1 =	sld [smem:$0x3FAD]  }
0x28: {  	s2 =	sld [smem:$0x3FAE]  }
0x29: {  	s4 =	sld [smem:$0x3FB0]  }
0x2a: {  	p0 =	seq.s32 s5, $0x0;
	s5 =	sld [smem:$0x3FB1]  }
0x2b: {  	s6 =	sld [smem:$0x3FB2]  }
0x2c: {  	s7 =	sld [smem:$0x3FB3]  }
0x2d: {  	s3 =	simm.s32 $0x108;
	s8 =	sld [smem:$0x3FB4]  }
0x2e: {  	s3 =	simm.s32 @!p0 $0x1082;
	s9 =	sld [smem:$0x3FB5]  }
0x2f: {  	lr =	sadd.s32 s0, s3;
	s0 =	sld [smem:$0x3FAC]  }
0x30: {  	s3 =	sld [smem:$0x3FAF]  }
0x31: {  	[smem:$0x3FB8] =	sst s10  }
0x32: {  	s10 =	sld [smem:$0x3FB6];
	_ =	sdelay $0x3  }
0x33: {  	p0 =	seq.s32 s10, $0x1;
	s10 =	sld [smem:$0x3FB8];
	_ =	sdelay $0x3  }
0x34: {  	[smem:$0x3FB8] =	sst s10  }
0x35: {  	s10 =	sld [smem:$0x3FB7];
	_ =	sdelay $0x3  }
0x36: {  	p1 =	seq.s32 s10, $0x1;
	s10 =	sld [smem:$0x3FB8];
	_ =	sdelay $0x3  }
0x37: {  	[smem:$0x3FB8] =	sst s10  }
0x38: {  	s10 =	sld [smem:$0x3FB9]  }
0x39: {  	_ = 	snop;
	(pc) =	sbr.ind lr, $3  }
0x3a: {  	_ = 	snop  }
0x3b: {  	_ = 	snop  }
0x3c: {  	p2 =	seq.s32 s10, $0x1;
	s10 =	sld [smem:$0x3FB8]  }
0x3d: {  	_ =	shalt  }
0x3e: {  	_ =	shalt  }
0x3f: {  	_ =	shalt  }
0x40: {  	_ =	shalt  }
0x41: {  	_ =	shalt  }
0x42: {  	_ =	shalt  }
0x43: {  	_ =	shalt  }
0x44: {  	_ =	shalt  }
0x45: {  	_ =	shalt  }
0x46: {  	_ =	shalt  }
0x47: {  	_ =	shalt  }
0x48: {  	_ =	shalt  }
0x49: {  	_ =	shalt  }
0x4a: {  	_ =	shalt  }
0x4b: {  	_ =	shalt  }
0x4c: {  	_ =	shalt  }
0x4d: {  	_ =	shalt  }
0x4e: {  	_ =	shalt  }
0x4f: {  	_ =	shalt  }
0x50: {  	_ =	shalt  }
0x51: {  	_ =	shalt  }
0x52: {  	_ =	shalt  }
0x53: {  	_ =	shalt  }
0x54: {  	_ =	shalt  }
0x55: {  	_ =	shalt  }
0x56: {  	_ =	shalt  }
0x57: {  	_ =	shalt  }
0x58: {  	_ =	shalt  }
0x59: {  	_ =	shalt  }
0x5a: {  	_ =	shalt  }
0x5b: {  	_ =	shalt  }
0x5c: {  	_ =	shalt  }
0x5d: {  	_ =	shalt  }
0x5e: {  	_ =	shalt  }
0x5f: {  	_ =	shalt  }
0x60: {  	_ =	shalt  }
0x61: {  	_ =	shalt  }
0x62: {  	_ =	shalt  }
0x63: {  	_ =	shalt  }
0x64: {  	_ =	shalt  }
0x65: {  	_ =	shalt  }
0x66: {  	_ =	shalt  }
0x67: {  	_ =	shalt  }
0x68: {  	_ =	shalt  }
0x69: {  	_ =	shalt  }
0x6a: {  	_ =	shalt  }
0x6b: {  	_ =	shalt  }
0x6c: {  	_ =	shalt  }
0x6d: {  	_ =	shalt  }
0x6e: {  	_ =	shalt  }
0x6f: {  	_ =	shalt  }
0x70: {  	_ =	shalt  }
0x71: {  	_ =	shalt  }
0x72: {  	_ =	shalt  }
0x73: {  	_ =	shalt  }
0x74: {  	_ =	shalt  }
0x75: {  	_ =	shalt  }
0x76: {  	_ =	shalt  }
0x77: {  	_ =	shalt  }
0x78: {  	_ =	shalt  }
0x79: {  	_ =	shalt  }
0x7a: {  	_ =	shalt  }
0x7b: {  	_ =	shalt  }
0x7c: {  	_ =	shalt  }
0x7d: {  	_ =	shalt  }
0x7e: {  	_ =	shalt  }
0x7f: {  	_ =	shalt  }
0x80: {  	_ =	shalt  }
0x81: {  	_ =	shalt  }
0x82: {  	_ =	shalt  }
0x83: {  	_ =	shalt  }
0x84: {  	_ =	shalt  }
0x85: {  	_ =	shalt  }
0x86: {  	_ =	shalt  }
0x87: {  	_ =	shalt  }
.Lfunc_end0:
.L_simem_size_0:
called_computation_lowered:
.L_overlay_start_0:
0x88: {  	s2 =	sld [smem:$0x3FD9]  }
0x89: {  	s3 =	sld [smem:$0x3FFE];
	_ =	sdelay $0x1  }
0x8a: {  	s1 =	srdreg.scid  }
0x8b: {  	s0 =	sand.u32 $0x1, s1  }
0x8c: {  	s18 =	sshll.u32 s0, $0xA;
	s2 =	sadd.s32 s3, s2  }
0x8d: {  	s2 =	sadd.s32 s2, s18  }
0x8e: {  	[smem:$0x3FC4] =	sst s2  }
0x8f: {  	_ = 	snop  }
0x90: {  	s2 =	sld [smem:$0x3FC9]  }
0x91: {  	s19 =	sld [smem:$0x3FC8]  }
0x92: {  	s4 =	sld [smem:$0x3FC7]  }
0x93: {  	s5 =	sld [smem:$0x3FC6]  }
0x94: {  	s6 =	sld [smem:$0x3FD0];
	(tm) =	ssettm $0x1  }
0x95: {  	s7 =	sld [smem:$0x3FFB];
	_ =	sdelay $0x3  }
0x96: {  	_ =	strace s7  }
0x97: {  	s7 =	sld [smem:$0x3FFC];
	_ =	sdelay $0x3  }
0x98: {  	_ =	strace s7  }
0x99: {  	s7 =	sld [smem:$0x3FFD];
	_ =	sdelay $0x3  }
0x9a: {  	_ =	strace s7  }
0x9b: {  	_ =	strace $0x8FFFFFFF  }
0x9c: {  	s20 =	sld [smem:$0x3FDB];
	_ =	sdelay $0x1  }
0x9d: {  	s8 =	simm.s32 $_scs_section_size  }
0x9e: {  	s9 =	simm.s32 $_size__tile_overlayer_lowered;
	s10 =	simm.s32 $_tile_overlayer_lowered  }
0x9f: {  	s23 =	simm.s32 $0x1BFF;
	s22 =	sshll.u32 s10, $0x1;
	s7 =	sadd.s32 s8, s20  }
0xa0: {  	s11 =	simm.s32 $0x0;
	s21 =	sshll.u32 s9, $0x1;
	s9 =	sadd.s32 s22, s7  }
0xa1: {  	[timem:s11], [sflag:s23] =	dma.local [hbm:s9], s21  }
0xa2: {  	_ =	swait.ge [sflag:s23], s21  }
0xa3: {  	s8 =	ssub.s32 $0x0, s21;
	[sflag:s23] =	ssyncset.done $0x0  }
0xa4: {  	[sflag:s23] =	ssyncadd.s32 s8;
	_ =	sdelay $0x1  }
0xa5: {  	s24 =	simm.s32 $0x1B8B  }
0xa6: {  	_ =	swait.ge [sflag:s24], $0x1  }
0xa7: {  	[sflag:s24] =	ssyncset.done $0x0  }
0xa8: {  	s25 =	simm.s32 $0x1B8E;
	[sflag:s24] =	ssyncadd.s32 $0xFFFFFFFF  }
0xa9: {  	s26 =	simm.s32 $execute0_lowered;
	[smem:$0x3FD2] =	sst s25  }
0xaa: {  	s8 =	sshll.u32 s26, $0x1;
	_ =	strace $0x80000046;
	[dreg:$0x1] =	wrdreg $0xFFFFFFFF  }
0xab: {  	s28 =	simm.s32 $_size_execute0_lowered;
	s7 =	sadd.s32 s7, s8;
	[dreg:$0x0] =	wrdreg $0x0  }
0xac: {  	s8 =	sshll.u32 s28, $0x1;
	[dreg:$0x2] =	wrdreg s7  }
0xad: {  	[dreg:$0x3] =	wrdreg s8  }
0xae: {  	[dreg:$0x4] =	wrdreg $0xC0  }
0xaf: {  	_ =	task [dreg:s11], $0x5FFFF  }
0xb0: {  	[dreg:$0x1] =	wrdreg $0xFFFFFFFF  }
0xb1: {  	[dreg:$0x0] =	wrdreg $0x60  }
0xb2: {  	[dreg:$0x2] =	wrdreg s2  }
0xb3: {  	[dreg:$0x3] =	wrdreg s19  }
0xb4: {  	[dreg:$0x4] =	wrdreg s4  }
0xb5: {  	[dreg:$0x5] =	wrdreg s5  }
0xb6: {  	[dreg:$0x6] =	wrdreg s6  }
0xb7: {  	[dreg:$0x7] =	wrdreg $0x9  }
0xb8: {  	_ =	task.clear_ibuf [dreg:s11], $0x8FFFF;
	_ =	strace $0x90000046  }
0xb9: {  	s29 =	simm.s32 $0x9;
	_ =	strace $0x80000048  }
0xba: {  	_ =	swait.ge [sflag:s29], $0x1  }
0xbb: {  	[sflag:s29] =	ssyncadd.s32 $0xFFFFFFFF  }
0xbc: {  	_ =	strace $0x90000048  }
0xbd: {  	_ =	sfence  }
0xbe: {  	s30 =	sld [smem:$0x0];
	_ =	sdelay $0x2  }
0xbf: {  	s31 =	sshll.u32 s1, $0xD;
	s1 =	sshrl.u32 s1, $0x2  }
0xc0: {  	s3 =	sand.u32 $0x4000, s31;
	s1 =	sadd.s32 s1, s30  }
0xc1: {  	s0 =	sor.u32 s3, s0;
	s1 =	sshll.u32 s1, $0x11  }
0xc2: {  	s0 =	sor.u32 s1, s0  }
0xc3: {  	s0 =	sadd.s32 $0x8F2B, s0  }
0xc4: {  	[sflag:s0] =	ssyncadd.remote.s32 $0x1  }
0xc5: {  	_ =	sfence.sel $0xFFFF  }
0xc6: {  	[dreg:$0x0] =	wrdreg $0xFFFFFFFF;
	(pc) =	sbr.abs _section_cstart, $3  }
0xc7: {  	[dreg:$0x1] =	wrdreg $0xFFFFFFFF  }
0xc8: {  	_ =	task.clear_ibuf [dreg:s11], $0x2FFFF;
	_ =	strace $0x9FFFFFFF  }
0xc9: {  	(tm) =	ssettm $0x7FFFFFFF  }
tec
execute0_lowered:
.L_overlay_start_1:
0x0: {  	(tag) =	ssettag $0x1  }
0x1: {  	s0 =	rddreg [dreg:$0x0]  }
0x2: {  	s3 =	rddreg [dreg:$0x1]  }
0x3: {  	s1 =	rddreg [dreg:$0x2]  }
0x4: {  	s2 =	rddreg [dreg:$0x3]  }
0x5: {  	s4 =	rddreg [dreg:$0x4];
	s5 =	srdreg.scid;
	v1 =	vlaneseq.u32  }
0x6: {  	s9 =	simm.s32 $0x0;
	s7 =	stileid.u32;
	s11 =	simm.s32 $0x7A1400;
	v0 =	vmul.u32 $0x80, v1  }
0x7: {  	s12 =	simm.s32 $0x400;
	s13 =	simm.s32 $0x8400;
	s28 =	simm.s32 $0xC400;
	v1 =	vmul.u32 $0x11, v1  }
0x8: {  	s23 =	simm.s32 $0x5400;
	s29 =	simm.s32 $0x1;
	s30 =	simm.s32 $0x2;
	v2 =	vor.u32 $0x800, v0;
	v3 =	vor.u32 $0x1000, v0;
	v4 =	vor.u32 $0x1800, v0  }
0x9: {  	s31 =	simm.s32 $0x10600;
	s5 =	sand.u32 $0x1, s5;
	s7 =	sshll.u32 s7, $0x7;
	v5 =	vadd.s32 $0x1, v1;
	v6 =	vor.u32 $0x2000, v0;
	v7 =	vor.u32 $0x2800, v0  }
0xa: {  	[smem:$0x7FF] =	sst s9;
	s6 =	ssub.s32 $0x2, s5;
	s5 =	sshll.u32 s5, $0x6;
	v8 =	vadd.s32 $0x2, v1;
	v9 =	vor.u32 $0x3000, v0;
	v10 =	vor.u32 $0x3800, v0  }
0xb: {  	_ =	strace $0x80000047;
	s8 =	sshrl.u32 s6, $0x1;
	s5 =	sor.u32 s5, s7;
	v11 =	vadd.s32 $0x3, v1;
	v12 =	vor.u32 $0x4000, v0;
	v13 =	vor.u32 $0x4800, v0  }
0xc: {  	v14 =	vadd.s32 $0x4, v1;
	v15 =	vor.u32 $0x5000, v0;
	v16 =	vor.u32 $0x5800, v0;
	s7 =	simm.s32 $0x3400;
	s6 =	ssub.s32 s6, s8;
	s0 =	sadd.s32 s0, s5  }
0xd: {  	v17 =	vadd.s32 $0x5, v1;
	v18 =	vor.u32 $0x6000, v0;
	v19 =	vor.u32 $0x6800, v0;
	s24 =	sadd.s32 s3, s5;
	s25 =	sadd.s32 s4, s5;
	[dreg:$0x6] =	wrdreg s0  }
0xe: {  	v20 =	vadd.s32 $0x6, v1;
	v21 =	vor.u32 $0x7000, v0;
	v22 =	vor.u32 $0x7800, v0;
	s3 =	simm.s32 $0x3;
	s5 =	simm.s32 $0x1400;
	[dreg:$0x7] =	wrdreg s24  }
0xf: {  	v23 =	vadd.s32 $0x7, v1;
	v24 =	vadd.s32 $0x8, v1;
	v25 =	vadd.s32 $0x9, v1;
	s8 =	simm.s32 $0x4400;
	s4 =	simm.s32 $0x0;
	[dreg:$0x8] =	wrdreg s25  }
0x10: {  	v26 =	vadd.s32 $0xA, v1;
	v27 =	vadd.s32 $0xB, v1;
	v28 =	vadd.s32 $0xC, v1;
	s26 =	smax.u32 s6, $0x1;
	s24 =	simm.s32 $0x9400;
	s6 =	simm.s32 $0x2400  }
0x11: {  	v29 =	vadd.s32 $0xD, v1;
	v30 =	vadd.s32 $0xE, v1;
	v31 =	vadd.s32 $0xF, v1;
	s25 =	simm.s32 $0xA400;
	[dreg:$0x9] =	wrdreg s26;
	s26 =	simm.s32 $0xB400  }
.LBB2_1:
0x12: {  	[dreg:$0xa] =	wrdreg s4  }
0x13: {  	s0 =	rddreg [dreg:$0x6]  }
0x14: {  	[tilespmem:s9], [sflag:$0x3] =	stream.linear.gather [hbm4b:s0+s9], $0x200, $0x38;
	[tilespmem:$0x10780] =	vst v63  }
0x15: {  	_ =	swait.ge [sflag:s3], $0x200  }
0x16: {  	[sflag:s3] =	ssyncset.done $0x0  }
0x17: {  	s22 =	simm.s32 $0x200;
	s21 =	rddreg [dreg:$0x7];
	[sflag:s3] =	ssyncadd.s32 $0xFFFFFE00  }
0x18: {  	[tilespmem:s22], [sflag:$0x3] =	stream.linear.gather [hbm4b:s21+s9], $0x200, $0x38;
	[tilespmem:$0x10780] =	vst v63  }
0x19: {  	_ =	swait.ge [sflag:s3], $0x200  }
0x1a: {  	[sflag:s3] =	ssyncset.done $0x0  }
0x1b: {  	s10 =	simm.s32 $0x0;
	[sflag:s3] =	ssyncadd.s32 $0xFFFFFE00  }
.LBB2_2:
0x1c: {  	s0 =	sshra.s32 s10, $0x2  }
0x1d: {  	v33 =	vld [tilespmem:s0+$0x0]  }
0x1e: {  	v32 =	vld [tilespmem:s0+$0x200];
	_ =	sdelay $0x3  }
0x1f: {  	(v2sf) =	vpush v33, $0x0  }
0x20: {  	(v2sf) =	vpush v32, $0x0  }
0x21: {  	(v2sf) =	vpush v33, $0x1;
	_ =	sdelay $0x1  }
0x22: {  	(v2sf) =	vpush v32, $0x1;
	_ =	sdelay $0x3  }
0x23: {  	(v2sf) =	vpush v33, $0x2;
	_ =	sdelay $0x2  }
0x24: {  	(v2sf) =	vpush v32, $0x2;
	_ =	sdelay $0x3  }
0x25: {  	s22 =	spop (v2sf)  }
0x26: {  	s3 =	sand.u32 $0xFFFFF80, s22;
	s21 =	spop (v2sf);
	(v2sf) =	vpush v33, $0x3  }
0x27: {  	s3 =	sadd.s32 s1, s3;
	s16 =	sand.u32 $0xFFFFF80, s21;
	s20 =	spop (v2sf)  }
0x28: {  	(v2sf) =	vpush v32, $0x3;
	[tilespmem:s12], [sflag:$0x1] =	stream.strided.gather [hbm4b:s3+s12], $0x1000, s11, s12, $0x38;
	[tilespmem:$0x10780] =	vst v63  }
0x29: {  	s3 =	sadd.s32 s2, s16;
	s17 =	sand.u32 $0xFFFFF80, s20;
	s19 =	spop (v2sf);
	(v2sf) =	vpush v33, $0x4  }
0x2a: {  	[tilespmem:s13], [sflag:$0x2] =	stream.strided.gather [hbm4b:s3+s12], $0x1000, s11, s12, $0x38;
	[tilespmem:$0x10780] =	vst v63  }
0x2b: {  	s18 =	sand.u32 $0xFFFFF80, s19;
	s3 =	sadd.s32 s1, s17  }
0x2c: {  	[tilespmem:s5], [sflag:$0x1] =	stream.strided.gather [hbm4b:s3+s12], $0x1000, s11, s12, $0x38;
	[tilespmem:$0x10780] =	vst v63  }
0x2d: {  	s3 =	sadd.s32 s2, s18;
	s18 =	spop (v2sf);
	(v2sf) =	vpush v32, $0x4;
	_ =	sdelay $0x2  }
0x2e: {  	s17 =	spop (v2sf);
	(v2sf) =	vpush v33, $0x5  }
0x2f: {  	[tilespmem:s24], [sflag:$0x2] =	stream.strided.gather [hbm4b:s3+s12], $0x1000, s11, s12, $0x38;
	[tilespmem:$0x10780] =	vst v63  }
0x30: {  	s24 =	sand.u32 $0xFFFFF80, s18  }
0x31: {  	[dreg:$0xb] =	wrdreg s0;
	s0 =	sand.u32 $0xFFFFF80, s17;
	s3 =	sadd.s32 s1, s24  }
0x32: {  	[tilespmem:s6], [sflag:$0x1] =	stream.strided.gather [hbm4b:s3+s12], $0x1000, s11, s12, $0x38;
	[tilespmem:$0x10780] =	vst v63  }
0x33: {  	s3 =	sadd.s32 s2, s0;
	s16 =	spop (v2sf);
	(v2sf) =	vpush v32, $0x5  }
0x34: {  	[tilespmem:s25], [sflag:$0x2] =	stream.strided.gather [hbm4b:s3+s12], $0x1000, s11, s12, $0x38;
	[tilespmem:$0x10780] =	vst v63  }
0x35: {  	s4 =	sand.u32 $0xFFFFF80, s16;
	s15 =	spop (v2sf);
	(v2sf) =	vpush v33, $0x6  }
0x36: {  	s3 =	sadd.s32 s1, s4;
	s5 =	sand.u32 $0xFFFFF80, s15;
	s14 =	spop (v2sf)  }
0x37: {  	(v2sf) =	vpush v32, $0x6;
	[tilespmem:s7], [sflag:$0x1] =	stream.strided.gather [hbm4b:s3+s12], $0x1000, s11, s12, $0x38;
	[tilespmem:$0x10780] =	vst v63  }
0x38: {  	s3 =	sadd.s32 s2, s5  }
0x39: {  	[tilespmem:s26], [sflag:$0x2] =	stream.strided.gather [hbm4b:s3+s12], $0x1000, s11, s12, $0x38;
	[tilespmem:$0x10780] =	vst v63  }
0x3a: {  	s4 =	sand.u32 $0xFFFFF80, s14;
	s3 =	spop (v2sf);
	(v2sf) =	vpush v33, $0x7  }
0x3b: {  	s4 =	sadd.s32 s1, s4  }
0x3c: {  	[tilespmem:s8], [sflag:$0x1] =	stream.strided.gather [hbm4b:s4+s12], $0x1000, s11, s12, $0x38;
	[tilespmem:$0x10780] =	vst v63  }
0x3d: {  	s6 =	sand.u32 $0xFFFFF80, s3;
	s9 =	spop (v2sf);
	(v2sf) =	vpush v32, $0x7  }
0x3e: {  	s4 =	sadd.s32 s2, s6;
	s7 =	sand.u32 $0xFFFFF80, s9  }
0x3f: {  	[tilespmem:s28], [sflag:$0x2] =	stream.strided.gather [hbm4b:s4+s12], $0x1000, s11, s12, $0x38;
	[tilespmem:$0x10780] =	vst v63  }
0x40: {  	s5 =	sadd.s32 s1, s7  }
0x41: {  	[tilespmem:s23], [sflag:$0x1] =	stream.strided.gather [hbm4b:s5+s12], $0x1000, s11, s12, $0x38;
	[tilespmem:$0x10780] =	vst v63  }
0x42: {  	s4 =	spop (v2sf)  }
0x43: {  	s8 =	sand.u32 $0xFFFFF80, s4  }
0x44: {  	s23 =	simm.s32 $0xD400;
	s5 =	sadd.s32 s2, s8;
	s8 =	spop (v2sf)  }
0x45: {  	[tilespmem:s23], [sflag:$0x2] =	stream.strided.gather [hbm4b:s5+s12], $0x1000, s11, s12, $0x38;
	[tilespmem:$0x10780] =	vst v63  }
0x46: {  	s25 =	sand.u32 $0xFFFFF80, s8;
	s7 =	spop (v2sf)  }
0x47: {  	s0 =	simm.s32 $0x6400;
	s5 =	sadd.s32 s1, s25;
	s23 =	sand.u32 $0xFFFFF80, s7  }
0x48: {  	[tilespmem:s0], [sflag:$0x1] =	stream.strided.gather [hbm4b:s5+s12], $0x1000, s11, s12, $0x38;
	[tilespmem:$0x10780] =	vst v63  }
0x49: {  	s25 =	simm.s32 $0xE400;
	s5 =	sadd.s32 s2, s23;
	s6 =	spop (v2sf)  }
0x4a: {  	[tilespmem:s25], [sflag:$0x2] =	stream.strided.gather [hbm4b:s5+s12], $0x1000, s11, s12, $0x38;
	[tilespmem:$0x10780] =	vst v63  }
0x4b: {  	s23 =	sand.u32 $0xFFFFF80, s6  }
0x4c: {  	s28 =	simm.s32 $0x7400;
	s5 =	spop (v2sf);
	s23 =	sadd.s32 s1, s23  }
0x4d: {  	[tilespmem:s28], [sflag:$0x1] =	stream.strided.gather [hbm4b:s23+s12], $0x1000, s11, s12, $0x38;
	[tilespmem:$0x10780] =	vst v63  }
0x4e: {  	s23 =	sand.u32 $0xFFFFF80, s5  }
0x4f: {  	s28 =	simm.s32 $0xF400;
	s23 =	sadd.s32 s2, s23  }
0x50: {  	[tilespmem:s28], [sflag:$0x2] =	stream.strided.gather [hbm4b:s23+s12], $0x1000, s11, s12, $0x38;
	[tilespmem:$0x10780] =	vst v63  }
0x51: {  	_ =	swait.ge [sflag:s29], $0x1000  }
0x52: {  	[sflag:s29] =	ssyncset.done $0x0  }
0x53: {  	[sflag:s29] =	ssyncadd.s32 $0xFFFFF000  }
0x54: {  	_ =	swait.ge [sflag:s30], $0x1000  }
0x55: {  	[sflag:s30] =	ssyncset.done $0x0  }
0x56: {  	[sflag:s30] =	ssyncadd.s32 $0xFFFFF000  }
0x57: {  	_ =	swait.ge [sflag:s29], $0x1000  }
0x58: {  	[sflag:s29] =	ssyncset.done $0x0  }
0x59: {  	[sflag:s29] =	ssyncadd.s32 $0xFFFFF000  }
0x5a: {  	_ =	swait.ge [sflag:s30], $0x1000  }
0x5b: {  	[sflag:s30] =	ssyncset.done $0x0  }
0x5c: {  	[sflag:s30] =	ssyncadd.s32 $0xFFFFF000  }
0x5d: {  	_ =	swait.ge [sflag:s29], $0x1000  }
0x5e: {  	[sflag:s29] =	ssyncset.done $0x0  }
0x5f: {  	[sflag:s29] =	ssyncadd.s32 $0xFFFFF000  }
0x60: {  	_ =	swait.ge [sflag:s30], $0x1000  }
0x61: {  	[sflag:s30] =	ssyncset.done $0x0  }
0x62: {  	[sflag:s30] =	ssyncadd.s32 $0xFFFFF000  }
0x63: {  	_ =	swait.ge [sflag:s29], $0x1000  }
0x64: {  	[sflag:s29] =	ssyncset.done $0x0  }
0x65: {  	[sflag:s29] =	ssyncadd.s32 $0xFFFFF000  }
0x66: {  	_ =	swait.ge [sflag:s30], $0x1000  }
0x67: {  	[sflag:s30] =	ssyncset.done $0x0  }
0x68: {  	[sflag:s30] =	ssyncadd.s32 $0xFFFFF000  }
0x69: {  	_ =	swait.ge [sflag:s29], $0x1000  }
0x6a: {  	[sflag:s29] =	ssyncset.done $0x0  }
0x6b: {  	[sflag:s29] =	ssyncadd.s32 $0xFFFFF000  }
0x6c: {  	_ =	swait.ge [sflag:s30], $0x1000  }
0x6d: {  	[sflag:s30] =	ssyncset.done $0x0  }
0x6e: {  	[sflag:s30] =	ssyncadd.s32 $0xFFFFF000  }
0x6f: {  	_ =	swait.ge [sflag:s29], $0x1000  }
0x70: {  	[sflag:s29] =	ssyncset.done $0x0  }
0x71: {  	[sflag:s29] =	ssyncadd.s32 $0xFFFFF000  }
0x72: {  	_ =	swait.ge [sflag:s30], $0x1000  }
0x73: {  	[sflag:s30] =	ssyncset.done $0x0  }
0x74: {  	[sflag:s30] =	ssyncadd.s32 $0xFFFFF000  }
0x75: {  	_ =	swait.ge [sflag:s29], $0x1000  }
0x76: {  	[sflag:s29] =	ssyncset.done $0x0  }
0x77: {  	[sflag:s29] =	ssyncadd.s32 $0xFFFFF000  }
0x78: {  	_ =	swait.ge [sflag:s30], $0x1000  }
0x79: {  	[sflag:s30] =	ssyncset.done $0x0  }
0x7a: {  	[sflag:s30] =	ssyncadd.s32 $0xFFFFF000  }
0x7b: {  	s22 =	sand.u32 $0x7F, s22;
	_ =	swait.ge [sflag:s29], $0x1000  }
0x7c: {  	v34 =	vor.u32 s22, v0;
	[sflag:s29] =	ssyncset.done $0x0  }
0x7d: {  	s21 =	sand.u32 $0x7F, s21;
	v35 =	vor.u32 s22, v2;
	[sflag:s29] =	ssyncadd.s32 $0xFFFFF000  }
0x7e: {  	v36 =	vor.u32 s21, v0;
	_ =	swait.ge [sflag:s30], $0x1000  }
0x7f: {  	v37 =	vor.u32 s21, v2;
	[sflag:s30] =	ssyncset.done $0x0  }
0x80: {  	[sflag:s30] =	ssyncadd.s32 $0xFFFFF000  }
0x81: {  	v34 =	vld.idx.msk [tilespmem:v34+s12+$0x0], $0xffff  }
0x82: {  	v35 =	vld.idx.msk [tilespmem:v35+s12+$0x0], $0xffff  }
0x83: {  	v36 =	vld.idx.msk [tilespmem:v36+s13+$0x0], $0xffff  }
0x84: {  	v37 =	vld.idx.msk [tilespmem:v37+s13+$0x0], $0xffff;
	_ =	sdelay $0x3  }
0x85: {  	s20 =	sand.u32 $0x7F, s20  }
0x86: {  	v45 =	vor.u32 s20, v3;
	v34 =	vmul.f32 v36, v34;
	v35 =	vmul.f32 v37, v35  }
0x87: {  	s19 =	sand.u32 $0x7F, s19;
	v46 =	vor.u32 s20, v4  }
0x88: {  	v47 =	vor.u32 s19, v3;
	v34 =	vadd.f32 v35, v34  }
0x89: {  	v38 =	vor.u32 s19, v4  }
0x8a: {  	[tilespmem:v1+s31+$0x0] =	vst.idx.msk $0xffff, v34  }
0x8b: {  	v34 =	vld.idx.msk [tilespmem:v45+s12+$0x0], $0xffff  }
0x8c: {  	v48 =	vld.idx.msk [tilespmem:v46+s12+$0x0], $0xffff  }
0x8d: {  	v35 =	vld.idx.msk [tilespmem:v47+s13+$0x0], $0xffff  }
0x8e: {  	v49 =	vld.idx.msk [tilespmem:v38+s13+$0x0], $0xffff;
	_ =	sdelay $0x3  }
0x8f: {  	s18 =	sand.u32 $0x7F, s18  }
0x90: {  	v51 =	vor.u32 s18, v6;
	v34 =	vmul.f32 v35, v34;
	v50 =	vmul.f32 v49, v48  }
0x91: {  	s17 =	sand.u32 $0x7F, s17;
	v52 =	vor.u32 s18, v7  }
0x92: {  	v53 =	vor.u32 s17, v6;
	v34 =	vadd.f32 v50, v34  }
0x93: {  	v54 =	vor.u32 s17, v7  }
0x94: {  	[tilespmem:v5+s31+$0x0] =	vst.idx.msk $0xffff, v34  }
0x95: {  	v34 =	vld.idx.msk [tilespmem:v51+s12+$0x0], $0xffff  }
0x96: {  	v55 =	vld.idx.msk [tilespmem:v52+s12+$0x0], $0xffff  }
0x97: {  	v35 =	vld.idx.msk [tilespmem:v53+s13+$0x0], $0xffff  }
0x98: {  	v56 =	vld.idx.msk [tilespmem:v54+s13+$0x0], $0xffff;
	_ =	sdelay $0x3  }
0x99: {  	s16 =	sand.u32 $0x7F, s16  }
0x9a: {  	v58 =	vor.u32 s16, v9;
	v34 =	vmul.f32 v35, v34;
	v57 =	vmul.f32 v56, v55  }
0x9b: {  	s15 =	sand.u32 $0x7F, s15;
	v59 =	vor.u32 s16, v10  }
0x9c: {  	v60 =	vor.u32 s15, v9;
	v34 =	vadd.f32 v57, v34  }
0x9d: {  	v61 =	vor.u32 s15, v10  }
0x9e: {  	[tilespmem:v8+s31+$0x0] =	vst.idx.msk $0xffff, v34  }
0x9f: {  	v34 =	vld.idx.msk [tilespmem:v58+s12+$0x0], $0xffff  }
0xa0: {  	v62 =	vld.idx.msk [tilespmem:v59+s12+$0x0], $0xffff  }
0xa1: {  	v35 =	vld.idx.msk [tilespmem:v60+s13+$0x0], $0xffff  }
0xa2: {  	v63 =	vld.idx.msk [tilespmem:v61+s13+$0x0], $0xffff;
	_ =	sdelay $0x3  }
0xa3: {  	s14 =	sand.u32 $0x7F, s14  }
0xa4: {  	v41 =	vor.u32 s14, v12;
	v34 =	vmul.f32 v35, v34;
	v40 =	vmul.f32 v63, v62  }
0xa5: {  	v42 =	vor.u32 s14, v13;
	s3 =	sand.u32 $0x7F, s3  }
0xa6: {  	v43 =	vor.u32 s3, v12;
	v34 =	vadd.f32 v40, v34  }
0xa7: {  	v44 =	vor.u32 s3, v13  }
0xa8: {  	[tilespmem:v11+s31+$0x0] =	vst.idx.msk $0xffff, v34  }
0xa9: {  	v34 =	vld.idx.msk [tilespmem:v41+s12+$0x0], $0xffff  }
0xaa: {  	v45 =	vld.idx.msk [tilespmem:v42+s12+$0x0], $0xffff  }
0xab: {  	v35 =	vld.idx.msk [tilespmem:v43+s13+$0x0], $0xffff  }
0xac: {  	v46 =	vld.idx.msk [tilespmem:v44+s13+$0x0], $0xffff;
	_ =	sdelay $0x3  }
0xad: {  	s21 =	sand.u32 $0x7F, s9  }
0xae: {  	v48 =	vor.u32 s21, v15;
	v34 =	vmul.f32 v35, v34;
	v47 =	vmul.f32 v46, v45  }
0xaf: {  	s4 =	sand.u32 $0x7F, s4;
	v49 =	vor.u32 s21, v16  }
0xb0: {  	v50 =	vor.u32 s4, v15;
	v34 =	vadd.f32 v47, v34  }
0xb1: {  	v51 =	vor.u32 s4, v16  }
0xb2: {  	[tilespmem:v14+s31+$0x0] =	vst.idx.msk $0xffff, v34  }
0xb3: {  	v34 =	vld.idx.msk [tilespmem:v48+s12+$0x0], $0xffff  }
0xb4: {  	v52 =	vld.idx.msk [tilespmem:v49+s12+$0x0], $0xffff  }
0xb5: {  	v35 =	vld.idx.msk [tilespmem:v50+s13+$0x0], $0xffff  }
0xb6: {  	v53 =	vld.idx.msk [tilespmem:v51+s13+$0x0], $0xffff;
	_ =	sdelay $0x3  }
0xb7: {  	s22 =	sand.u32 $0x7F, s8  }
0xb8: {  	v55 =	vor.u32 s22, v18;
	v34 =	vmul.f32 v35, v34;
	v54 =	vmul.f32 v53, v52  }
0xb9: {  	s23 =	sand.u32 $0x7F, s7;
	v56 =	vor.u32 s22, v19  }
0xba: {  	v57 =	vor.u32 s23, v18;
	v34 =	vadd.f32 v54, v34  }
0xbb: {  	v58 =	vor.u32 s23, v19  }
0xbc: {  	[tilespmem:v17+s31+$0x0] =	vst.idx.msk $0xffff, v34  }
0xbd: {  	v34 =	vld.idx.msk [tilespmem:v55+s12+$0x0], $0xffff  }
0xbe: {  	v59 =	vld.idx.msk [tilespmem:v56+s12+$0x0], $0xffff  }
0xbf: {  	v35 =	vld.idx.msk [tilespmem:v57+s13+$0x0], $0xffff  }
0xc0: {  	v60 =	vld.idx.msk [tilespmem:v58+s13+$0x0], $0xffff;
	_ =	sdelay $0x1  }
0xc1: {  	(v2sf) =	vpush v33, $0x8  }
0xc2: {  	(v2sf) =	vpush v32, $0x8  }
0xc3: {  	(v2sf) =	vpush v33, $0x9;
	s4 =	sand.u32 $0x7F, s6  }
0xc4: {  	v62 =	vor.u32 s4, v21;
	v34 =	vmul.f32 v35, v34;
	v61 =	vmul.f32 v60, v59  }
0xc5: {  	s6 =	sand.u32 $0x7F, s5;
	v63 =	vor.u32 s4, v22  }
0xc6: {  	(v2sf) =	vpush v32, $0x9;
	v40 =	vor.u32 s6, v21;
	v34 =	vadd.f32 v61, v34  }
0xc7: {  	v41 =	vor.u32 s6, v22  }
0xc8: {  	(v2sf) =	vpush v33, $0xA;
	[tilespmem:v20+s31+$0x0] =	vst.idx.msk $0xffff, v34  }
0xc9: {  	v34 =	vld.idx.msk [tilespmem:v62+s12+$0x0], $0xffff  }
0xca: {  	v42 =	vld.idx.msk [tilespmem:v63+s12+$0x0], $0xffff  }
0xcb: {  	v35 =	vld.idx.msk [tilespmem:v40+s13+$0x0], $0xffff  }
0xcc: {  	(v2sf) =	vpush v32, $0xA;
	v43 =	vld.idx.msk [tilespmem:v41+s13+$0x0], $0xffff;
	_ =	sdelay $0x3  }
0xcd: {  	s22 =	spop (v2sf);
	(v2sf) =	vpush v33, $0xB  }
0xce: {  	s21 =	spop (v2sf);
	(v2sf) =	vpush v32, $0xB;
	v34 =	vmul.f32 v35, v34;
	v44 =	vmul.f32 v43, v42;
	_ =	sdelay $0x1  }
0xcf: {  	s20 =	spop (v2sf);
	(v2sf) =	vpush v33, $0xC;
	v34 =	vadd.f32 v44, v34  }
0xd0: {  	s24 =	simm.s32 $0x1400;
	s7 =	sand.u32 $0xFFFFF80, s22  }
0xd1: {  	s3 =	sadd.s32 s1, s7;
	s8 =	sand.u32 $0xFFFFF80, s21;
	s19 =	spop (v2sf);
	[tilespmem:v23+s31+$0x0] =	vst.idx.msk $0xffff, v34  }
0xd2: {  	[tilespmem:s12], [sflag:$0x1] =	stream.strided.gather [hbm4b:s3+s12], $0x1000, s11, s12, $0x38;
	[tilespmem:$0x10780] =	vst v63  }
0xd3: {  	s9 =	sand.u32 $0xFFFFF80, s20;
	(v2sf) =	vpush v32, $0xC;
	s18 =	spop (v2sf);
	s3 =	sadd.s32 s2, s8  }
0xd4: {  	[tilespmem:s13], [sflag:$0x2] =	stream.strided.gather [hbm4b:s3+s12], $0x1000, s11, s12, $0x38;
	[tilespmem:$0x10780] =	vst v63  }
0xd5: {  	s14 =	sand.u32 $0xFFFFF80, s19;
	s15 =	sand.u32 $0xFFFFF80, s18;
	s3 =	sadd.s32 s1, s9  }
0xd6: {  	(v2sf) =	vpush v33, $0xD;
	[tilespmem:s24], [sflag:$0x1] =	stream.strided.gather [hbm4b:s3+s12], $0x1000, s11, s12, $0x38;
	[tilespmem:$0x10780] =	vst v63  }
0xd7: {  	s17 =	spop (v2sf);
	s24 =	simm.s32 $0x9400;
	s3 =	sadd.s32 s2, s14  }
0xd8: {  	[tilespmem:s24], [sflag:$0x2] =	stream.strided.gather [hbm4b:s3+s12], $0x1000, s11, s12, $0x38;
	[tilespmem:$0x10780] =	vst v63  }
0xd9: {  	s25 =	simm.s32 $0x2400;
	s16 =	sand.u32 $0xFFFFF80, s17;
	s3 =	sadd.s32 s1, s15  }
0xda: {  	[tilespmem:s25], [sflag:$0x1] =	stream.strided.gather [hbm4b:s3+s12], $0x1000, s11, s12, $0x38;
	[tilespmem:$0x10780] =	vst v63  }
0xdb: {  	s26 =	simm.s32 $0x3400;
	s3 =	sadd.s32 s2, s16;
	s16 =	spop (v2sf)  }
0xdc: {  	s25 =	simm.s32 $0xA400;
	(v2sf) =	vpush v32, $0xD;
	s23 =	sand.u32 $0xFFFFF80, s16;
	s15 =	spop (v2sf)  }
0xdd: {  	(v2sf) =	vpush v33, $0xE;
	[tilespmem:s25], [sflag:$0x2] =	stream.strided.gather [hbm4b:s3+s12], $0x1000, s11, s12, $0x38;
	[tilespmem:$0x10780] =	vst v63  }
0xde: {  	s3 =	sadd.s32 s1, s23;
	s4 =	sand.u32 $0xFFFFF80, s15;
	s14 =	spop (v2sf);
	(v2sf) =	vpush v32, $0xE  }
0xdf: {  	[tilespmem:s26], [sflag:$0x1] =	stream.strided.gather [hbm4b:s3+s12], $0x1000, s11, s12, $0x38;
	[tilespmem:$0x10780] =	vst v63  }
0xe0: {  	s26 =	simm.s32 $0xB400;
	s3 =	sadd.s32 s2, s4  }
0xe1: {  	[tilespmem:s26], [sflag:$0x2] =	stream.strided.gather [hbm4b:s3+s12], $0x1000, s11, s12, $0x38;
	[tilespmem:$0x10780] =	vst v63  }
0xe2: {  	s3 =	spop (v2sf);
	(v2sf) =	vpush v33, $0xF;
	_ =	sdelay $0x1  }
0xe3: {  	s6 =	simm.s32 $0x4400;
	s5 =	sand.u32 $0xFFFFF80, s14  }
0xe4: {  	s4 =	sadd.s32 s1, s5;
	s7 =	sand.u32 $0xFFFFF80, s3;
	s9 =	spop (v2sf);
	(v2sf) =	vpush v32, $0xF  }
0xe5: {  	[tilespmem:s6], [sflag:$0x1] =	stream.strided.gather [hbm4b:s4+s12], $0x1000, s11, s12, $0x38;
	[tilespmem:$0x10780] =	vst v63  }
0xe6: {  	s28 =	simm.s32 $0xC400;
	s4 =	sadd.s32 s2, s7;
	s8 =	sand.u32 $0xFFFFF80, s9  }
0xe7: {  	[tilespmem:s28], [sflag:$0x2] =	stream.strided.gather [hbm4b:s4+s12], $0x1000, s11, s12, $0x38;
	[tilespmem:$0x10780] =	vst v63  }
0xe8: {  	s23 =	simm.s32 $0x5400;
	s5 =	sadd.s32 s1, s8  }
0xe9: {  	[tilespmem:s23], [sflag:$0x1] =	stream.strided.gather [hbm4b:s5+s12], $0x1000, s11, s12, $0x38;
	[tilespmem:$0x10780] =	vst v63  }
0xea: {  	s4 =	spop (v2sf)  }
0xeb: {  	s23 =	simm.s32 $0xD400;
	s7 =	sand.u32 $0xFFFFF80, s4;
	s8 =	spop (v2sf)  }
0xec: {  	s5 =	sadd.s32 s2, s7;
	s6 =	sand.u32 $0xFFFFF80, s8;
	s7 =	spop (v2sf)  }
0xed: {  	[tilespmem:s23], [sflag:$0x2] =	stream.strided.gather [hbm4b:s5+s12], $0x1000, s11, s12, $0x38;
	[tilespmem:$0x10780] =	vst v63  }
0xee: {  	s0 =	simm.s32 $0x6400;
	s5 =	sadd.s32 s1, s6;
	s23 =	sand.u32 $0xFFFFF80, s7  }
0xef: {  	[tilespmem:s0], [sflag:$0x1] =	stream.strided.gather [hbm4b:s5+s12], $0x1000, s11, s12, $0x38;
	[tilespmem:$0x10780] =	vst v63  }
0xf0: {  	s5 =	sadd.s32 s2, s23;
	s0 =	simm.s32 $0xE400;
	s6 =	spop (v2sf)  }
0xf1: {  	[tilespmem:s0], [sflag:$0x2] =	stream.strided.gather [hbm4b:s5+s12], $0x1000, s11, s12, $0x38;
	[tilespmem:$0x10780] =	vst v63  }
0xf2: {  	s0 =	sand.u32 $0xFFFFF80, s6  }
0xf3: {  	s5 =	spop (v2sf);
	s23 =	sadd.s32 s1, s0;
	s0 =	simm.s32 $0x7400  }
0xf4: {  	[tilespmem:s0], [sflag:$0x1] =	stream.strided.gather [hbm4b:s23+s12], $0x1000, s11, s12, $0x38;
	[tilespmem:$0x10780] =	vst v63  }
0xf5: {  	s0 =	sand.u32 $0xFFFFF80, s5  }
0xf6: {  	s23 =	sadd.s32 s2, s0;
	s0 =	simm.s32 $0xF400  }
0xf7: {  	[tilespmem:s0], [sflag:$0x2] =	stream.strided.gather [hbm4b:s23+s12], $0x1000, s11, s12, $0x38;
	[tilespmem:$0x10780] =	vst v63  }
0xf8: {  	_ =	swait.ge [sflag:s29], $0x1000  }
0xf9: {  	[sflag:s29] =	ssyncset.done $0x0  }
0xfa: {  	[sflag:s29] =	ssyncadd.s32 $0xFFFFF000  }
0xfb: {  	_ =	swait.ge [sflag:s30], $0x1000  }
0xfc: {  	[sflag:s30] =	ssyncset.done $0x0  }
0xfd: {  	[sflag:s30] =	ssyncadd.s32 $0xFFFFF000  }
0xfe: {  	_ =	swait.ge [sflag:s29], $0x1000  }
0xff: {  	[sflag:s29] =	ssyncset.done $0x0  }
0x100: {  	[sflag:s29] =	ssyncadd.s32 $0xFFFFF000  }
0x101: {  	_ =	swait.ge [sflag:s30], $0x1000  }
0x102: {  	[sflag:s30] =	ssyncset.done $0x0  }
0x103: {  	[sflag:s30] =	ssyncadd.s32 $0xFFFFF000  }
0x104: {  	_ =	swait.ge [sflag:s29], $0x1000  }
0x105: {  	[sflag:s29] =	ssyncset.done $0x0  }
0x106: {  	[sflag:s29] =	ssyncadd.s32 $0xFFFFF000  }
0x107: {  	_ =	swait.ge [sflag:s30], $0x1000  }
0x108: {  	[sflag:s30] =	ssyncset.done $0x0  }
0x109: {  	[sflag:s30] =	ssyncadd.s32 $0xFFFFF000  }
0x10a: {  	_ =	swait.ge [sflag:s29], $0x1000  }
0x10b: {  	[sflag:s29] =	ssyncset.done $0x0  }
0x10c: {  	[sflag:s29] =	ssyncadd.s32 $0xFFFFF000  }
0x10d: {  	_ =	swait.ge [sflag:s30], $0x1000  }
0x10e: {  	[sflag:s30] =	ssyncset.done $0x0  }
0x10f: {  	[sflag:s30] =	ssyncadd.s32 $0xFFFFF000  }
0x110: {  	_ =	swait.ge [sflag:s29], $0x1000  }
0x111: {  	[sflag:s29] =	ssyncset.done $0x0  }
0x112: {  	[sflag:s29] =	ssyncadd.s32 $0xFFFFF000  }
0x113: {  	_ =	swait.ge [sflag:s30], $0x1000  }
0x114: {  	[sflag:s30] =	ssyncset.done $0x0  }
0x115: {  	[sflag:s30] =	ssyncadd.s32 $0xFFFFF000  }
0x116: {  	_ =	swait.ge [sflag:s29], $0x1000  }
0x117: {  	[sflag:s29] =	ssyncset.done $0x0  }
0x118: {  	[sflag:s29] =	ssyncadd.s32 $0xFFFFF000  }
0x119: {  	_ =	swait.ge [sflag:s30], $0x1000  }
0x11a: {  	[sflag:s30] =	ssyncset.done $0x0  }
0x11b: {  	[sflag:s30] =	ssyncadd.s32 $0xFFFFF000  }
0x11c: {  	_ =	swait.ge [sflag:s29], $0x1000  }
0x11d: {  	[sflag:s29] =	ssyncset.done $0x0  }
0x11e: {  	[sflag:s29] =	ssyncadd.s32 $0xFFFFF000  }
0x11f: {  	_ =	swait.ge [sflag:s30], $0x1000  }
0x120: {  	[sflag:s30] =	ssyncset.done $0x0  }
0x121: {  	[sflag:s30] =	ssyncadd.s32 $0xFFFFF000  }
0x122: {  	s22 =	sand.u32 $0x7F, s22;
	_ =	swait.ge [sflag:s29], $0x1000  }
0x123: {  	v45 =	vor.u32 s22, v0;
	[sflag:s29] =	ssyncset.done $0x0  }
0x124: {  	s21 =	sand.u32 $0x7F, s21;
	v46 =	vor.u32 s22, v2;
	[sflag:s29] =	ssyncadd.s32 $0xFFFFF000  }
0x125: {  	v47 =	vor.u32 s21, v0;
	_ =	swait.ge [sflag:s30], $0x1000  }
0x126: {  	v48 =	vor.u32 s21, v2;
	[sflag:s30] =	ssyncset.done $0x0  }
0x127: {  	[sflag:s30] =	ssyncadd.s32 $0xFFFFF000  }
0x128: {  	v32 =	vld.idx.msk [tilespmem:v45+s12+$0x0], $0xffff  }
0x129: {  	v33 =	vld.idx.msk [tilespmem:v46+s12+$0x0], $0xffff  }
0x12a: {  	v34 =	vld.idx.msk [tilespmem:v47+s13+$0x0], $0xffff  }
0x12b: {  	v35 =	vld.idx.msk [tilespmem:v48+s13+$0x0], $0xffff;
	_ =	sdelay $0x3  }
0x12c: {  	s20 =	sand.u32 $0x7F, s20  }
0x12d: {  	v49 =	vor.u32 s20, v3;
	v32 =	vmul.f32 v34, v32;
	v33 =	vmul.f32 v35, v33  }
0x12e: {  	s19 =	sand.u32 $0x7F, s19;
	v50 =	vor.u32 s20, v4  }
0x12f: {  	v51 =	vor.u32 s19, v3;
	v32 =	vadd.f32 v33, v32  }
0x130: {  	v52 =	vor.u32 s19, v4  }
0x131: {  	[tilespmem:v24+s31+$0x0] =	vst.idx.msk $0xffff, v32  }
0x132: {  	v32 =	vld.idx.msk [tilespmem:v49+s12+$0x0], $0xffff  }
0x133: {  	v53 =	vld.idx.msk [tilespmem:v50+s12+$0x0], $0xffff  }
0x134: {  	v33 =	vld.idx.msk [tilespmem:v51+s13+$0x0], $0xffff  }
0x135: {  	v54 =	vld.idx.msk [tilespmem:v52+s13+$0x0], $0xffff;
	_ =	sdelay $0x3  }
0x136: {  	s18 =	sand.u32 $0x7F, s18  }
0x137: {  	v56 =	vor.u32 s18, v6;
	v32 =	vmul.f32 v33, v32;
	v55 =	vmul.f32 v54, v53  }
0x138: {  	s17 =	sand.u32 $0x7F, s17;
	v57 =	vor.u32 s18, v7  }
0x139: {  	v58 =	vor.u32 s17, v6;
	v32 =	vadd.f32 v55, v32  }
0x13a: {  	v59 =	vor.u32 s17, v7  }
0x13b: {  	[tilespmem:v25+s31+$0x0] =	vst.idx.msk $0xffff, v32  }
0x13c: {  	v32 =	vld.idx.msk [tilespmem:v56+s12+$0x0], $0xffff  }
0x13d: {  	v60 =	vld.idx.msk [tilespmem:v57+s12+$0x0], $0xffff  }
0x13e: {  	v33 =	vld.idx.msk [tilespmem:v58+s13+$0x0], $0xffff  }
0x13f: {  	v61 =	vld.idx.msk [tilespmem:v59+s13+$0x0], $0xffff;
	_ =	sdelay $0x3  }
0x140: {  	s16 =	sand.u32 $0x7F, s16  }
0x141: {  	v63 =	vor.u32 s16, v9;
	v32 =	vmul.f32 v33, v32;
	v62 =	vmul.f32 v61, v60  }
0x142: {  	v40 =	vor.u32 s16, v10;
	s15 =	sand.u32 $0x7F, s15  }
0x143: {  	v41 =	vor.u32 s15, v9;
	v32 =	vadd.f32 v62, v32  }
0x144: {  	v42 =	vor.u32 s15, v10  }
0x145: {  	[tilespmem:v26+s31+$0x0] =	vst.idx.msk $0xffff, v32  }
0x146: {  	v32 =	vld.idx.msk [tilespmem:v63+s12+$0x0], $0xffff  }
0x147: {  	v43 =	vld.idx.msk [tilespmem:v40+s12+$0x0], $0xffff  }
0x148: {  	v33 =	vld.idx.msk [tilespmem:v41+s13+$0x0], $0xffff  }
0x149: {  	v44 =	vld.idx.msk [tilespmem:v42+s13+$0x0], $0xffff;
	_ =	sdelay $0x3  }
0x14a: {  	s14 =	sand.u32 $0x7F, s14  }
0x14b: {  	v46 =	vor.u32 s14, v12;
	v32 =	vmul.f32 v33, v32;
	v45 =	vmul.f32 v44, v43  }
0x14c: {  	s3 =	sand.u32 $0x7F, s3;
	v47 =	vor.u32 s14, v13  }
0x14d: {  	v48 =	vor.u32 s3, v12;
	v32 =	vadd.f32 v45, v32  }
0x14e: {  	v49 =	vor.u32 s3, v13  }
0x14f: {  	[tilespmem:v27+s31+$0x0] =	vst.idx.msk $0xffff, v32  }
0x150: {  	v32 =	vld.idx.msk [tilespmem:v46+s12+$0x0], $0xffff  }
0x151: {  	v50 =	vld.idx.msk [tilespmem:v47+s12+$0x0], $0xffff  }
0x152: {  	v33 =	vld.idx.msk [tilespmem:v48+s13+$0x0], $0xffff  }
0x153: {  	v51 =	vld.idx.msk [tilespmem:v49+s13+$0x0], $0xffff;
	_ =	sdelay $0x3  }
0x154: {  	s16 =	sand.u32 $0x7F, s9  }
0x155: {  	v53 =	vor.u32 s16, v15;
	v32 =	vmul.f32 v33, v32;
	v52 =	vmul.f32 v51, v50  }
0x156: {  	s17 =	sand.u32 $0x7F, s4;
	v54 =	vor.u32 s16, v16  }
0x157: {  	v55 =	vor.u32 s17, v15;
	v32 =	vadd.f32 v52, v32  }
0x158: {  	v56 =	vor.u32 s17, v16  }
0x159: {  	[tilespmem:v28+s31+$0x0] =	vst.idx.msk $0xffff, v32  }
0x15a: {  	v32 =	vld.idx.msk [tilespmem:v53+s12+$0x0], $0xffff  }
0x15b: {  	v57 =	vld.idx.msk [tilespmem:v54+s12+$0x0], $0xffff  }
0x15c: {  	v33 =	vld.idx.msk [tilespmem:v55+s13+$0x0], $0xffff  }
0x15d: {  	v58 =	vld.idx.msk [tilespmem:v56+s13+$0x0], $0xffff;
	_ =	sdelay $0x3  }
0x15e: {  	s18 =	sand.u32 $0x7F, s8  }
0x15f: {  	v60 =	vor.u32 s18, v18;
	v32 =	vmul.f32 v33, v32;
	v59 =	vmul.f32 v58, v57  }
0x160: {  	s19 =	sand.u32 $0x7F, s7;
	v61 =	vor.u32 s18, v19  }
0x161: {  	v62 =	vor.u32 s19, v18;
	v32 =	vadd.f32 v59, v32  }
0x162: {  	v63 =	vor.u32 s19, v19  }
0x163: {  	[tilespmem:v29+s31+$0x0] =	vst.idx.msk $0xffff, v32  }
0x164: {  	v32 =	vld.idx.msk [tilespmem:v60+s12+$0x0], $0xffff  }
0x165: {  	v39 =	vld.idx.msk [tilespmem:v61+s12+$0x0], $0xffff  }
0x166: {  	v33 =	vld.idx.msk [tilespmem:v62+s13+$0x0], $0xffff  }
0x167: {  	v40 =	vld.idx.msk [tilespmem:v63+s13+$0x0], $0xffff;
	_ =	sdelay $0x3  }
0x168: {  	s20 =	sand.u32 $0x7F, s6  }
0x169: {  	v42 =	vor.u32 s20, v21;
	v32 =	vmul.f32 v33, v32;
	v41 =	vmul.f32 v40, v39  }
0x16a: {  	s21 =	sand.u32 $0x7F, s5;
	v43 =	vor.u32 s20, v22  }
0x16b: {  	v44 =	vor.u32 s21, v21;
	v32 =	vadd.f32 v41, v32  }
0x16c: {  	v45 =	vor.u32 s21, v22  }
0x16d: {  	[tilespmem:v30+s31+$0x0] =	vst.idx.msk $0xffff, v32  }
0x16e: {  	v32 =	vld.idx.msk [tilespmem:v42+s12+$0x0], $0xffff  }
0x16f: {  	v46 =	vld.idx.msk [tilespmem:v43+s12+$0x0], $0xffff  }
0x170: {  	v33 =	vld.idx.msk [tilespmem:v44+s13+$0x0], $0xffff  }
0x171: {  	v47 =	vld.idx.msk [tilespmem:v45+s13+$0x0], $0xffff;
	_ =	sdelay $0x4  }
0x172: {  	v32 =	vmul.f32 v33, v32;
	v48 =	vmul.f32 v47, v46;
	_ =	sdelay $0x1  }
0x173: {  	v32 =	vadd.f32 v48, v32;
	_ =	sdelay $0x1  }
0x174: {  	[tilespmem:v31+s31+$0x0] =	vst.idx.msk $0xffff, v32  }
0x175: {  	v32 =	vld [tilespmem:$0x10600]  }
0x176: {  	v49 =	vld [tilespmem:$0x10611];
	_ =	sdelay $0x1  }
0x177: {  	v50 =	vld [tilespmem:$0x10622];
	_ =	sdelay $0x1  }
0x178: {  	v51 =	vld [tilespmem:$0x10633]  }
0x179: {  	v32 =	vadd.f32 v49, v32  }
0x17a: {  	v52 =	vld [tilespmem:$0x10644]  }
0x17b: {  	v32 =	vadd.f32 v50, v32  }
0x17c: {  	v53 =	vld [tilespmem:$0x10655]  }
0x17d: {  	v32 =	vadd.f32 v51, v32  }
0x17e: {  	v54 =	vld [tilespmem:$0x10666]  }
0x17f: {  	v32 =	vadd.f32 v52, v32  }
0x180: {  	v55 =	vld [tilespmem:$0x10677]  }
0x181: {  	v32 =	vadd.f32 v53, v32  }
0x182: {  	v56 =	vld [tilespmem:$0x10688]  }
0x183: {  	v32 =	vadd.f32 v54, v32  }
0x184: {  	v57 =	vld [tilespmem:$0x10699]  }
0x185: {  	v32 =	vadd.f32 v55, v32  }
0x186: {  	v58 =	vld [tilespmem:$0x106AA]  }
0x187: {  	v32 =	vadd.f32 v56, v32  }
0x188: {  	v59 =	vld [tilespmem:$0x106BB]  }
0x189: {  	v32 =	vadd.f32 v57, v32  }
0x18a: {  	v60 =	vld [tilespmem:$0x106CC]  }
0x18b: {  	v32 =	vadd.f32 v58, v32  }
0x18c: {  	v61 =	vld [tilespmem:$0x106DD]  }
0x18d: {  	v32 =	vadd.f32 v59, v32  }
0x18e: {  	v62 =	vld [tilespmem:$0x106EE]  }
0x18f: {  	v32 =	vadd.f32 v60, v32  }
0x190: {  	v63 =	vld [tilespmem:$0x106FF]  }
0x191: {  	v32 =	vadd.f32 v61, v32  }
0x192: {  	p0 =	sne.s32 s10, $0x7C0  }
.Ltmp0:
0x193: {  	v32 =	vadd.f32 v62, v32;
	(pc) =	sbr.rel @p0 .LBB2_2-.Ltmp0, $4  }
0x194: {  	_ = 	snop  }
0x195: {  	s10 =	sadd.s32 $0x40, s10;
	v32 =	vadd.f32 v63, v32  }
0x196: {  	s8 =	simm.s32 $0x4400;
	s7 =	simm.s32 $0x3400;
	s22 =	rddreg [dreg:$0xb]  }
0x197: {  	s6 =	simm.s32 $0x2400;
	s5 =	simm.s32 $0x1400;
	s23 =	simm.s32 $0x5400;
	[tilespmem:s22+$0x10400] =	vst v32  }
0x198: {  	s9 =	simm.s32 $0x0;
	s0 =	rddreg [dreg:$0x8];
	s3 =	simm.s32 $0x10400  }
0x199: {  	[hbm4b:s0+s9] =	stream.linear.scatter [tilespmem:s3], [sflag:$0x3], $0x200, $0x38;
	[tilespmem:$0x10780] =	vst v63  }
0x19a: {  	s3 =	simm.s32 $0x3  }
0x19b: {  	_ =	swait.ge [sflag:s3], $0x200  }
0x19c: {  	s4 =	rddreg [dreg:$0xa]  }
0x19d: {  	s22 =	rddreg [dreg:$0x9];
	s4 =	sadd.s32 $0x1, s4  }
0x19e: {  	p0 =	sne.s32 s4, s22  }
.Ltmp1:
0x19f: {  	_ = 	snop;
	(pc) =	sbr.rel @p0 .LBB2_1-.Ltmp1, $3  }
0x1a0: {  	_ =	sdelay $0x1  }
0x1a1: {  	[sflag:s3] =	ssyncset.done $0x0  }
0x1a2: {  	[sflag:s3] =	ssyncadd.s32 $0xFFFFFE00  }
0x1a3: {  	_ =	sfence.sel $0x180000  }
0x1a4: {  	[bflag:$0x0] =	sbarrier.arrive $0xFFFF  }
0x1a5: {  	_ =	strace $0x90000047  }
0x1a6: {  	s0 =	stileid.u32;
	[bflag:$0x2] =	sbarrier.arrive $0xFFFF  }
0x1a7: {  	p0 =	sne.s32 s0, $0x0;
	s0 =	rddreg [dreg:$0x5]  }
0x1a8: {  	s0 =	sadd.s32 @!p0 $0x100000, s0  }
0x1a9: {  	[sflag:s0] =	ssyncadd.tile.s32 @!p0 $0x1;
	_ =	shalt  }
.Lfunc_end2:
_tile_overlayer_lowered:
.L_overlay_start_2:
0x1aa: {  	(tag) =	ssettag $0x2  }
0x1ab: {  	s0 =	rddreg [dreg:$0x0];
	s2 =	stileid.u32  }
0x1ac: {  	s1 =	rddreg [dreg:$0x1];
	p0 =	sne.s32 s2, $0x0  }
0x1ad: {  	s3 =	rddreg [dreg:$0x2];
	[bflag:$0x3] =	sbarrier.arrive $0xFFFF;
	s2 =	simm.s32 @!p0 $0x1C03  }
0x1ae: {  	[timem:s3], [sflag:s2] =	dma.local @!p0 [hbm:s0], s1  }
0x1af: {  	s0 =	simm.s32 @!p0 $0x3  }
0x1b0: {  	_ =	swait.ge @!p0 [sflag:s0], s1  }
0x1b1: {  	s1 =	ssub.s32 @!p0 $0x0, s1;
	[sflag:s0] =	ssyncset.done @!p0 $0x0  }
0x1b2: {  	[sflag:s0] =	ssyncadd.s32 @!p0 s1  }
0x1b3: {  	[bflag:$0x3] =	sbarrier.arrive $0xFFFF  }
0x1b4: {  	_ =	shalt  }

</sc_bundles>
